<compile_context>
chip_gen: v7x
topology: tpu7x:2x2x1
jax: 0.10.2.dev20260603
libtpu: 0.0.44.dev20260713+nightly
codegen_flags: <defaults>
</compile_context>

<pallas_src>
import jax
import jax.numpy as jnp
from jax import lax
from jax.experimental import pallas as pl
from jax.experimental.pallas import tpu as pltpu
from jax.experimental.pallas import tpu_sc as plsc

VOCAB = 100000
BATCH = 4096
SEQ = 200

NC = 2
NS = 16
L = 16
NW = NC * NS
ROWS_PER_W = BATCH // NW
SUB = 16
NSUB = ROWS_PER_W // SUB
BLK = SUB * SEQ

SENT = VOCAB
SENT_VAL = -1e30
TPAD = VOCAB + L


def _sc_kernel(idx_hbm, table_hbm, out_hbm, table_sh, table_v,
               idx_a, idx_b, out_a, out_b, sia, sib, soa, sob):
    sid = lax.axis_index("s")
    wid = sid * NC + lax.axis_index("c")
    base = wid * NSUB * BLK
    idx_bufs = [(idx_a, sia), (idx_b, sib)]
    out_bufs = [(out_a, soa), (out_b, sob)]
    idx_cps = [pltpu.async_copy(idx_hbm.at[pl.ds(base, BLK)], idx_a, sia)]

    @pl.when(sid == 0)
    def _():
        pltpu.sync_copy(table_hbm, table_sh)

    plsc.subcore_barrier()
    pltpu.sync_copy(table_sh, table_v.at[pl.ds(0, VOCAB)])
    table_v[pl.ds(VOCAB, L)] = jnp.full((L,), SENT_VAL, jnp.float32)
    lane_off = lax.iota(jnp.int32, L) * SEQ
    out_pending = [None, None]

    for sb in range(NSUB):
        off = base + sb * BLK
        idx_v, _ = idx_bufs[sb % 2]
        out_v, osem = out_bufs[sb % 2]
        idx_cps[sb].wait()
        if sb + 1 < NSUB:
            nref, nsem = idx_bufs[(sb + 1) % 2]
            idx_cps.append(pltpu.async_copy(
                idx_hbm.at[pl.ds(off + BLK, BLK)], nref, nsem))
        if out_pending[sb % 2] is not None:
            out_pending[sb % 2].wait()
        for g in range(SUB // L):
            base_vec = lane_off + (g * L * SEQ)

            @plsc.parallel_loop(
                0, SEQ, unroll=8, carry=jnp.zeros((L,), jnp.float32))
            def ssum(j, acc):
                pos = base_vec + j
                iv = plsc.load_gather(idx_v, [pos])
                gv = plsc.load_gather(table_v, [iv])
                e = jnp.exp(gv)
                plsc.store_scatter(out_v, [pos], e)
                return acc + e

            inv = 1.0 / ssum

            @plsc.parallel_loop(0, SEQ, unroll=8)
            def _rescale(j):
                pos = base_vec + j
                e = plsc.load_gather(out_v, [pos])
                plsc.store_scatter(out_v, [pos], e * inv)

        out_pending[sb % 2] = pltpu.async_copy(
            out_v, out_hbm.at[pl.ds(off, BLK)], osem)

    for cp in out_pending:
        if cp is not None:
            cp.wait()


@jax.jit
def _log_odds_attention(idx_flat, logodds):
    mesh = plsc.VectorSubcoreMesh(core_axis_name="c", subcore_axis_name="s")
    return pl.kernel(
        _sc_kernel,
        mesh=mesh,
        compiler_params=pltpu.CompilerParams(needs_layout_passes=False),
        out_type=jax.ShapeDtypeStruct((BATCH * SEQ,), jnp.float32),
        scratch_types=[
            pltpu.VMEM_SHARED((VOCAB,), jnp.float32),
            pltpu.VMEM((TPAD,), jnp.float32),
            pltpu.VMEM((BLK,), jnp.int32),
            pltpu.VMEM((BLK,), jnp.int32),
            pltpu.VMEM((BLK,), jnp.float32),
            pltpu.VMEM((BLK,), jnp.float32),
            pltpu.SemaphoreType.DMA,
            pltpu.SemaphoreType.DMA,
            pltpu.SemaphoreType.DMA,
            pltpu.SemaphoreType.DMA,
        ],
    )(idx_flat, logodds)


def kernel(input_seq, hidden, masks, logodds):
    del hidden
    idx_flat = jnp.where(
        masks.reshape(-1), SENT, input_seq.reshape(-1).astype(jnp.int32))
    out_flat = _log_odds_attention(idx_flat, logodds)
    return out_flat.reshape(BATCH, SEQ)

# --- scband reference (transcript-rebuilt; emitter-appended) ---
"""Pipeline reference for scband-log-odds-attention-2525440770628 (READ-ONLY COPY).

The authoritative reference and input builder live on the scoring server;
editing this copy changes nothing except your own understanding.
"""

import jax, jax.numpy as jnp
import numpy as np

VOCAB = 100000
BATCH = 4096
SEQ = 200
HIDDEN = 128


def setup_inputs(seed: int = 0) -> dict:
    key = jax.random.key(seed)
    k1, k2, k3, k4 = jax.random.split(key, 4)
    input_seq = jax.random.randint(k1, (BATCH, SEQ), 0, VOCAB, dtype=jnp.int64) if jax.config.jax_enable_x64 else jax.random.randint(k1, (BATCH, SEQ), 0, VOCAB, dtype=jnp.int32)
    hidden = jax.random.normal(k2, (BATCH, SEQ, HIDDEN), dtype=jnp.float32)
    masks = jax.random.randint(k3, (BATCH, SEQ), 0, 2).astype(jnp.bool_)
    # learned/buffer parameter: per-token |log-odds| table (non-negative, as in abs(v))
    logodds = jax.random.uniform(k4, (VOCAB,), dtype=jnp.float32)
    return {"input_seq": input_seq, "hidden": hidden, "masks": masks, "logodds": logodds}


def reference(input_seq, hidden, masks, logodds):
    # attn1 = self.logodds[input_seq]  -> embedding-style gather
    attn1 = jnp.take(logodds, input_seq, axis=0)
    # masked_softmax: masked_fill_(masks, -inf) then softmax over last dim
    attn1 = jnp.where(masks, -jnp.inf, attn1)
    attn = jax.nn.softmax(attn1, axis=-1)
    return attn

if __name__ == "__main__":
    import jax
    _d = setup_inputs()
    print(jax.jit(kernel)(*tuple(_d.values())))

</pallas_src>

<mosaic_0001>
#map = affine_map<(d0, d1) -> (0)>
module attributes {stable_mosaic.version = 14 : i64} {
  func.func @_sc_kernel(%arg0: i32, %arg1: i32, %arg2: memref<819200xi32, #tpu.memory_space<hbm>>, %arg3: memref<100000xf32, #tpu.memory_space<hbm>>, %arg4: memref<819200xf32, #tpu.memory_space<hbm>>, %arg5: memref<100000xf32, #tpu.memory_space<vmem_shared>>, %arg6: memref<100016xf32, #tpu.memory_space<vmem>>, %arg7: memref<3200xi32, #tpu.memory_space<vmem>>, %arg8: memref<3200xi32, #tpu.memory_space<vmem>>, %arg9: memref<3200xf32, #tpu.memory_space<vmem>>, %arg10: memref<3200xf32, #tpu.memory_space<vmem>>, %arg11: memref<!tpu.dma_semaphore, #tpu.memory_space<semaphore_mem>>, %arg12: memref<!tpu.dma_semaphore, #tpu.memory_space<semaphore_mem>>, %arg13: memref<!tpu.dma_semaphore, #tpu.memory_space<semaphore_mem>>, %arg14: memref<!tpu.dma_semaphore, #tpu.memory_space<semaphore_mem>>) attributes {dimension_semantics = [#tpu.dimension_semantics<core_parallel>, #tpu.dimension_semantics<subcore_parallel>], iteration_bounds = array<i64: 2, 16>, scalar_prefetch = 0 : i64, scratch_operands = 10 : i64, tpu.core_type = #tpu.core_type<sc_vector_subcore>, window_params = [{transform_indices = #map}, {transform_indices = #map}, {transform_indices = #map}]} {
    %mul3A = arith.constant 2 : i32
    %mul3A_0 = arith.muli %arg1, %mul3A : i32
    %add3A = arith.addi %mul3A_0, %arg0 : i32
    %mul3A_1 = arith.constant 8 : i32
    %mul3A_2 = arith.muli %add3A, %mul3A_1 : i32
    %mul3A_3 = arith.constant 3200 : i32
    %mul3A_4 = arith.muli %mul3A_2, %mul3A_3 : i32
    %dma_start3A = tpu.memref_slice %arg2[%mul3A_4] : memref<819200xi32, #tpu.memory_space<hbm>> -> memref<3200xi32, #tpu.memory_space<hbm>>
    %dma_start3A_5 = tpu.memref_slice %arg2[%mul3A_4] : memref<819200xi32, #tpu.memory_space<hbm>> -> memref<3200xi32, #tpu.memory_space<hbm>>
    tpu.enqueue_dma source(%dma_start3A_5 : memref<3200xi32, #tpu.memory_space<hbm>>) target(%arg7 : memref<3200xi32, #tpu.memory_space<vmem>>) target_semaphore(%arg11 : memref<!tpu.dma_semaphore, #tpu.memory_space<semaphore_mem>>)
    %eq3A = arith.constant 0 : i32
    %eq3A_6 = arith.cmpi eq, %arg1, %eq3A : i32
    %convert_element_type3A = arith.extui %eq3A_6 : i1 to i32
    %cond3A = arith.constant 0 : i32
    %cond3A_7 = arith.cmpi ne, %convert_element_type3A, %cond3A : i32
    scf.if %cond3A_7 {
      "tpu.region"() ({
        %run_scoped3A = tpu.sem_alloc : memref<!tpu.dma_semaphore, #tpu.memory_space<semaphore_mem>>
        tpu.enqueue_dma source(%arg3 : memref<100000xf32, #tpu.memory_space<hbm>>) target(%arg5 : memref<100000xf32, #tpu.memory_space<vmem_shared>>) target_semaphore(%run_scoped3A : memref<!tpu.dma_semaphore, #tpu.memory_space<semaphore_mem>>)
        tpu.wait_dma2 semaphore(%run_scoped3A : memref<!tpu.dma_semaphore, #tpu.memory_space<semaphore_mem>>) src(%arg3 : memref<100000xf32, #tpu.memory_space<hbm>>) dst(%arg5 : memref<100000xf32, #tpu.memory_space<vmem_shared>>)
        tpu.yield
      }) : () -> ()
    } else {
    }
    %barrier3A = arith.constant 0 : index
    tpu.barrier barrier_id(%barrier3A)
    "tpu.region"() ({
      %run_scoped3A = tpu.sem_alloc : memref<!tpu.dma_semaphore, #tpu.memory_space<semaphore_mem>>
      %dma_start3A_222 = arith.constant 0 : i32
      %dma_start3A_223 = tpu.memref_slice %arg6[%dma_start3A_222] : memref<100016xf32, #tpu.memory_space<vmem>> -> memref<100000xf32, #tpu.memory_space<vmem>>
      %dma_start3A_224 = arith.constant 0 : i32
      %dma_start3A_225 = tpu.memref_slice %arg6[%dma_start3A_224] : memref<100016xf32, #tpu.memory_space<vmem>> -> memref<100000xf32, #tpu.memory_space<vmem>>
      tpu.enqueue_dma source(%arg5 : memref<100000xf32, #tpu.memory_space<vmem_shared>>) target(%dma_start3A_225 : memref<100000xf32, #tpu.memory_space<vmem>>) target_semaphore(%run_scoped3A : memref<!tpu.dma_semaphore, #tpu.memory_space<semaphore_mem>>)
      %dma_wait3A_226 = arith.constant 0 : i32
      %dma_wait3A_227 = tpu.memref_slice %arg6[%dma_wait3A_226] : memref<100016xf32, #tpu.memory_space<vmem>> -> memref<100000xf32, #tpu.memory_space<vmem>>
      %dma_wait3A_228 = arith.constant 0 : i32
      %dma_wait3A_229 = tpu.memref_slice %arg6[%dma_wait3A_228] : memref<100016xf32, #tpu.memory_space<vmem>> -> memref<100000xf32, #tpu.memory_space<vmem>>
      tpu.wait_dma2 semaphore(%run_scoped3A : memref<!tpu.dma_semaphore, #tpu.memory_space<semaphore_mem>>) src(%arg5 : memref<100000xf32, #tpu.memory_space<vmem_shared>>) dst(%dma_wait3A_229 : memref<100000xf32, #tpu.memory_space<vmem>>)
      tpu.yield
    }) : () -> ()
    %broadcast_in_dim3A = arith.constant -1.000000e+30 : f32
    %broadcast_in_dim3A_8 = vector.broadcast %broadcast_in_dim3A : f32 to vector<16xf32>
    %swap3A = arith.constant 100000 : index
    %swap3A_9 = tpu.vector_load %arg6[%swap3A] {strides = array<i32>} : memref<100016xf32, #tpu.memory_space<vmem>>, vector<16xf32>,
    tpu.vector_store %arg6[%swap3A], %broadcast_in_dim3A_8 {strides = array<i32>} : memref<100016xf32, #tpu.memory_space<vmem>>, vector<16xf32>,
    %iota3A = tpu.iota {dimensions = array<i32: 0>} : vector<16xi32>
    %mul3A_10 = arith.constant 200 : i32
    %mul3A_11 = vector.broadcast %mul3A_10 : i32 to vector<16xi32>
    %mul3A_12 = arith.muli %iota3A, %mul3A_11 : vector<16xi32>
    %add3A_13 = arith.constant 0 : i32
    %add3A_14 = arith.addi %mul3A_4, %add3A_13 : i32
    %dma_wait3A = tpu.memref_slice %arg2[%mul3A_4] : memref<819200xi32, #tpu.memory_space<hbm>> -> memref<3200xi32, #tpu.memory_space<hbm>>
    %dma_wait3A_15 = tpu.memref_slice %arg2[%mul3A_4] : memref<819200xi32, #tpu.memory_space<hbm>> -> memref<3200xi32, #tpu.memory_space<hbm>>
    tpu.wait_dma2 semaphore(%arg11 : memref<!tpu.dma_semaphore, #tpu.memory_space<semaphore_mem>>) src(%dma_wait3A_15 : memref<3200xi32, #tpu.memory_space<hbm>>) dst(%arg7 : memref<3200xi32, #tpu.memory_space<vmem>>)
    %add3A_16 = arith.constant 3200 : i32
    %add3A_17 = arith.addi %add3A_14, %add3A_16 : i32
    %dma_start3A_18 = tpu.memref_slice %arg2[%add3A_17] : memref<819200xi32, #tpu.memory_space<hbm>> -> memref<3200xi32, #tpu.memory_space<hbm>>
    %dma_start3A_19 = tpu.memref_slice %arg2[%add3A_17] : memref<819200xi32, #tpu.memory_space<hbm>> -> memref<3200xi32, #tpu.memory_space<hbm>>
    tpu.enqueue_dma source(%dma_start3A_19 : memref<3200xi32, #tpu.memory_space<hbm>>) target(%arg8 : memref<3200xi32, #tpu.memory_space<vmem>>) target_semaphore(%arg12 : memref<!tpu.dma_semaphore, #tpu.memory_space<semaphore_mem>>)
    %add3A_20 = arith.constant 0 : i32
    %add3A_21 = vector.broadcast %add3A_20 : i32 to vector<16xi32>
    %add3A_22 = arith.addi %mul3A_12, %add3A_21 : vector<16xi32>
    %broadcast_in_dim3A_23 = arith.constant 0.000000e+00 : f32
    %broadcast_in_dim3A_24 = vector.broadcast %broadcast_in_dim3A_23 : f32 to vector<16xf32>
    %parallel_loop3A = arith.constant 0 : i32
    %parallel_loop3A_25 = arith.constant 200 : i32
    %parallel_loop3A_26 = arith.constant 1 : i32
    %parallel_loop3A_27 = scf.for %parallel_loop3A_222 = %parallel_loop3A to %parallel_loop3A_25 step %parallel_loop3A_26 iter_args(%parallel_loop3A_223 = %broadcast_in_dim3A_24) -> (vector<16xf32>)  : i32 {
      %parallel_loop3A_224 = vector.broadcast %parallel_loop3A_222 : i32 to vector<16xi32>
      %parallel_loop3A_225 = arith.addi %add3A_22, %parallel_loop3A_224 : vector<16xi32>
      %parallel_loop3A_226 = tpu.vector_load_idx %arg7[%parallel_loop3A_225] : memref<3200xi32, #tpu.memory_space<vmem>>[vector<16xi32>], vector<16xi32>,
      %parallel_loop3A_227 = tpu.vector_load_idx %arg6[%parallel_loop3A_226] : memref<100016xf32, #tpu.memory_space<vmem>>[vector<16xi32>], vector<16xf32>,
      %parallel_loop3A_228 = math.exp %parallel_loop3A_227 : vector<16xf32>
      tpu.vector_store_idx %arg9[%parallel_loop3A_225], %parallel_loop3A_228 : memref<3200xf32, #tpu.memory_space<vmem>>[vector<16xi32>], vector<16xf32>,
      %parallel_loop3A_229 = arith.addf %parallel_loop3A_223, %parallel_loop3A_228 : vector<16xf32>
      scf.yield %parallel_loop3A_229 : vector<16xf32>
    } {sc.loop_unroll_factor = 8 : i64, sc.parallel_access}
    %div3A = arith.constant 1.000000e+00 : f32
    %div3A_28 = vector.broadcast %div3A : f32 to vector<16xf32>
    %div3A_29 = arith.divf %div3A_28, %parallel_loop3A_27 : vector<16xf32>
    %parallel_loop3A_30 = arith.constant 0 : i32
    %parallel_loop3A_31 = arith.constant 200 : i32
    %parallel_loop3A_32 = arith.constant 1 : i32
    scf.for %parallel_loop3A_222 = %parallel_loop3A_30 to %parallel_loop3A_31 step %parallel_loop3A_32  : i32 {
      %parallel_loop3A_223 = vector.broadcast %parallel_loop3A_222 : i32 to vector<16xi32>
      %parallel_loop3A_224 = arith.addi %add3A_22, %parallel_loop3A_223 : vector<16xi32>
      %parallel_loop3A_225 = tpu.vector_load_idx %arg9[%parallel_loop3A_224] : memref<3200xf32, #tpu.memory_space<vmem>>[vector<16xi32>], vector<16xf32>,
      %parallel_loop3A_226 = arith.mulf %parallel_loop3A_225, %div3A_29 : vector<16xf32>
      tpu.vector_store_idx %arg9[%parallel_loop3A_224], %parallel_loop3A_226 : memref<3200xf32, #tpu.memory_space<vmem>>[vector<16xi32>], vector<16xf32>,
    } {sc.loop_unroll_factor = 8 : i64, sc.parallel_access}
    %dma_start3A_33 = tpu.memref_slice %arg4[%add3A_14] : memref<819200xf32, #tpu.memory_space<hbm>> -> memref<3200xf32, #tpu.memory_space<hbm>>
    %dma_start3A_34 = tpu.memref_slice %arg4[%add3A_14] : memref<819200xf32, #tpu.memory_space<hbm>> -> memref<3200xf32, #tpu.memory_space<hbm>>
    tpu.enqueue_dma source(%arg9 : memref<3200xf32, #tpu.memory_space<vmem>>) target(%dma_start3A_34 : memref<3200xf32, #tpu.memory_space<hbm>>) target_semaphore(%arg13 : memref<!tpu.dma_semaphore, #tpu.memory_space<semaphore_mem>>)
    %add3A_35 = arith.constant 3200 : i32
    %add3A_36 = arith.addi %mul3A_4, %add3A_35 : i32
    %dma_wait3A_37 = tpu.memref_slice %arg2[%add3A_17] : memref<819200xi32, #tpu.memory_space<hbm>> -> memref<3200xi32, #tpu.memory_space<hbm>>
    %dma_wait3A_38 = tpu.memref_slice %arg2[%add3A_17] : memref<819200xi32, #tpu.memory_space<hbm>> -> memref<3200xi32, #tpu.memory_space<hbm>>
    tpu.wait_dma2 semaphore(%arg12 : memref<!tpu.dma_semaphore, #tpu.memory_space<semaphore_mem>>) src(%dma_wait3A_38 : memref<3200xi32, #tpu.memory_space<hbm>>) dst(%arg8 : memref<3200xi32, #tpu.memory_space<vmem>>)
    %add3A_39 = arith.constant 3200 : i32
    %add3A_40 = arith.addi %add3A_36, %add3A_39 : i32
    %dma_start3A_41 = tpu.memref_slice %arg2[%add3A_40] : memref<819200xi32, #tpu.memory_space<hbm>> -> memref<3200xi32, #tpu.memory_space<hbm>>
    %dma_start3A_42 = tpu.memref_slice %arg2[%add3A_40] : memref<819200xi32, #tpu.memory_space<hbm>> -> memref<3200xi32, #tpu.memory_space<hbm>>
    tpu.enqueue_dma source(%dma_start3A_42 : memref<3200xi32, #tpu.memory_space<hbm>>) target(%arg7 : memref<3200xi32, #tpu.memory_space<vmem>>) target_semaphore(%arg11 : memref<!tpu.dma_semaphore, #tpu.memory_space<semaphore_mem>>)
    %add3A_43 = arith.constant 0 : i32
    %add3A_44 = vector.broadcast %add3A_43 : i32 to vector<16xi32>
    %add3A_45 = arith.addi %mul3A_12, %add3A_44 : vector<16xi32>
    %broadcast_in_dim3A_46 = arith.constant 0.000000e+00 : f32
    %broadcast_in_dim3A_47 = vector.broadcast %broadcast_in_dim3A_46 : f32 to vector<16xf32>
    %parallel_loop3A_48 = arith.constant 0 : i32
    %parallel_loop3A_49 = arith.constant 200 : i32
    %parallel_loop3A_50 = arith.constant 1 : i32
    %parallel_loop3A_51 = scf.for %parallel_loop3A_222 = %parallel_loop3A_48 to %parallel_loop3A_49 step %parallel_loop3A_50 iter_args(%parallel_loop3A_223 = %broadcast_in_dim3A_47) -> (vector<16xf32>)  : i32 {
      %parallel_loop3A_224 = vector.broadcast %parallel_loop3A_222 : i32 to vector<16xi32>
      %parallel_loop3A_225 = arith.addi %add3A_45, %parallel_loop3A_224 : vector<16xi32>
      %parallel_loop3A_226 = tpu.vector_load_idx %arg8[%parallel_loop3A_225] : memref<3200xi32, #tpu.memory_space<vmem>>[vector<16xi32>], vector<16xi32>,
      %parallel_loop3A_227 = tpu.vector_load_idx %arg6[%parallel_loop3A_226] : memref<100016xf32, #tpu.memory_space<vmem>>[vector<16xi32>], vector<16xf32>,
      %parallel_loop3A_228 = math.exp %parallel_loop3A_227 : vector<16xf32>
      tpu.vector_store_idx %arg10[%parallel_loop3A_225], %parallel_loop3A_228 : memref<3200xf32, #tpu.memory_space<vmem>>[vector<16xi32>], vector<16xf32>,
      %parallel_loop3A_229 = arith.addf %parallel_loop3A_223, %parallel_loop3A_228 : vector<16xf32>
      scf.yield %parallel_loop3A_229 : vector<16xf32>
    } {sc.loop_unroll_factor = 8 : i64, sc.parallel_access}
    %div3A_52 = arith.constant 1.000000e+00 : f32
    %div3A_53 = vector.broadcast %div3A_52 : f32 to vector<16xf32>
    %div3A_54 = arith.divf %div3A_53, %parallel_loop3A_51 : vector<16xf32>
    %parallel_loop3A_55 = arith.constant 0 : i32
    %parallel_loop3A_56 = arith.constant 200 : i32
    %parallel_loop3A_57 = arith.constant 1 : i32
    scf.for %parallel_loop3A_222 = %parallel_loop3A_55 to %parallel_loop3A_56 step %parallel_loop3A_57  : i32 {
      %parallel_loop3A_223 = vector.broadcast %parallel_loop3A_222 : i32 to vector<16xi32>
      %parallel_loop3A_224 = arith.addi %add3A_45, %parallel_loop3A_223 : vector<16xi32>
      %parallel_loop3A_225 = tpu.vector_load_idx %arg10[%parallel_loop3A_224] : memref<3200xf32, #tpu.memory_space<vmem>>[vector<16xi32>], vector<16xf32>,
      %parallel_loop3A_226 = arith.mulf %parallel_loop3A_225, %div3A_54 : vector<16xf32>
      tpu.vector_store_idx %arg10[%parallel_loop3A_224], %parallel_loop3A_226 : memref<3200xf32, #tpu.memory_space<vmem>>[vector<16xi32>], vector<16xf32>,
    } {sc.loop_unroll_factor = 8 : i64, sc.parallel_access}
    %dma_start3A_58 = tpu.memref_slice %arg4[%add3A_36] : memref<819200xf32, #tpu.memory_space<hbm>> -> memref<3200xf32, #tpu.memory_space<hbm>>
    %dma_start3A_59 = tpu.memref_slice %arg4[%add3A_36] : memref<819200xf32, #tpu.memory_space<hbm>> -> memref<3200xf32, #tpu.memory_space<hbm>>
    tpu.enqueue_dma source(%arg10 : memref<3200xf32, #tpu.memory_space<vmem>>) target(%dma_start3A_59 : memref<3200xf32, #tpu.memory_space<hbm>>) target_semaphore(%arg14 : memref<!tpu.dma_semaphore, #tpu.memory_space<semaphore_mem>>)
    %add3A_60 = arith.constant 6400 : i32
    %add3A_61 = arith.addi %mul3A_4, %add3A_60 : i32
    %dma_wait3A_62 = tpu.memref_slice %arg2[%add3A_40] : memref<819200xi32, #tpu.memory_space<hbm>> -> memref<3200xi32, #tpu.memory_space<hbm>>
    %dma_wait3A_63 = tpu.memref_slice %arg2[%add3A_40] : memref<819200xi32, #tpu.memory_space<hbm>> -> memref<3200xi32, #tpu.memory_space<hbm>>
    tpu.wait_dma2 semaphore(%arg11 : memref<!tpu.dma_semaphore, #tpu.memory_space<semaphore_mem>>) src(%dma_wait3A_63 : memref<3200xi32, #tpu.memory_space<hbm>>) dst(%arg7 : memref<3200xi32, #tpu.memory_space<vmem>>)
    %add3A_64 = arith.constant 3200 : i32
    %add3A_65 = arith.addi %add3A_61, %add3A_64 : i32
    %dma_start3A_66 = tpu.memref_slice %arg2[%add3A_65] : memref<819200xi32, #tpu.memory_space<hbm>> -> memref<3200xi32, #tpu.memory_space<hbm>>
    %dma_start3A_67 = tpu.memref_slice %arg2[%add3A_65] : memref<819200xi32, #tpu.memory_space<hbm>> -> memref<3200xi32, #tpu.memory_space<hbm>>
    tpu.enqueue_dma source(%dma_start3A_67 : memref<3200xi32, #tpu.memory_space<hbm>>) target(%arg8 : memref<3200xi32, #tpu.memory_space<vmem>>) target_semaphore(%arg12 : memref<!tpu.dma_semaphore, #tpu.memory_space<semaphore_mem>>)
    %dma_wait3A_68 = tpu.memref_slice %arg4[%add3A_14] : memref<819200xf32, #tpu.memory_space<hbm>> -> memref<3200xf32, #tpu.memory_space<hbm>>
    %dma_wait3A_69 = tpu.memref_slice %arg4[%add3A_14] : memref<819200xf32, #tpu.memory_space<hbm>> -> memref<3200xf32, #tpu.memory_space<hbm>>
    tpu.wait_dma2 semaphore(%arg13 : memref<!tpu.dma_semaphore, #tpu.memory_space<semaphore_mem>>) src(%arg9 : memref<3200xf32, #tpu.memory_space<vmem>>) dst(%dma_wait3A_69 : memref<3200xf32, #tpu.memory_space<hbm>>)
    %add3A_70 = arith.constant 0 : i32
    %add3A_71 = vector.broadcast %add3A_70 : i32 to vector<16xi32>
    %add3A_72 = arith.addi %mul3A_12, %add3A_71 : vector<16xi32>
    %broadcast_in_dim3A_73 = arith.constant 0.000000e+00 : f32
    %broadcast_in_dim3A_74 = vector.broadcast %broadcast_in_dim3A_73 : f32 to vector<16xf32>
    %parallel_loop3A_75 = arith.constant 0 : i32
    %parallel_loop3A_76 = arith.constant 200 : i32
    %parallel_loop3A_77 = arith.constant 1 : i32
    %parallel_loop3A_78 = scf.for %parallel_loop3A_222 = %parallel_loop3A_75 to %parallel_loop3A_76 step %parallel_loop3A_77 iter_args(%parallel_loop3A_223 = %broadcast_in_dim3A_74) -> (vector<16xf32>)  : i32 {
      %parallel_loop3A_224 = vector.broadcast %parallel_loop3A_222 : i32 to vector<16xi32>
      %parallel_loop3A_225 = arith.addi %add3A_72, %parallel_loop3A_224 : vector<16xi32>
      %parallel_loop3A_226 = tpu.vector_load_idx %arg7[%parallel_loop3A_225] : memref<3200xi32, #tpu.memory_space<vmem>>[vector<16xi32>], vector<16xi32>,
      %parallel_loop3A_227 = tpu.vector_load_idx %arg6[%parallel_loop3A_226] : memref<100016xf32, #tpu.memory_space<vmem>>[vector<16xi32>], vector<16xf32>,
      %parallel_loop3A_228 = math.exp %parallel_loop3A_227 : vector<16xf32>
      tpu.vector_store_idx %arg9[%parallel_loop3A_225], %parallel_loop3A_228 : memref<3200xf32, #tpu.memory_space<vmem>>[vector<16xi32>], vector<16xf32>,
      %parallel_loop3A_229 = arith.addf %parallel_loop3A_223, %parallel_loop3A_228 : vector<16xf32>
      scf.yield %parallel_loop3A_229 : vector<16xf32>
    } {sc.loop_unroll_factor = 8 : i64, sc.parallel_access}
    %div3A_79 = arith.constant 1.000000e+00 : f32
    %div3A_80 = vector.broadcast %div3A_79 : f32 to vector<16xf32>
    %div3A_81 = arith.divf %div3A_80, %parallel_loop3A_78 : vector<16xf32>
    %parallel_loop3A_82 = arith.constant 0 : i32
    %parallel_loop3A_83 = arith.constant 200 : i32
    %parallel_loop3A_84 = arith.constant 1 : i32
    scf.for %parallel_loop3A_222 = %parallel_loop3A_82 to %parallel_loop3A_83 step %parallel_loop3A_84  : i32 {
      %parallel_loop3A_223 = vector.broadcast %parallel_loop3A_222 : i32 to vector<16xi32>
      %parallel_loop3A_224 = arith.addi %add3A_72, %parallel_loop3A_223 : vector<16xi32>
      %parallel_loop3A_225 = tpu.vector_load_idx %arg9[%parallel_loop3A_224] : memref<3200xf32, #tpu.memory_space<vmem>>[vector<16xi32>], vector<16xf32>,
      %parallel_loop3A_226 = arith.mulf %parallel_loop3A_225, %div3A_81 : vector<16xf32>
      tpu.vector_store_idx %arg9[%parallel_loop3A_224], %parallel_loop3A_226 : memref<3200xf32, #tpu.memory_space<vmem>>[vector<16xi32>], vector<16xf32>,
    } {sc.loop_unroll_factor = 8 : i64, sc.parallel_access}
    %dma_start3A_85 = tpu.memref_slice %arg4[%add3A_61] : memref<819200xf32, #tpu.memory_space<hbm>> -> memref<3200xf32, #tpu.memory_space<hbm>>
    %dma_start3A_86 = tpu.memref_slice %arg4[%add3A_61] : memref<819200xf32, #tpu.memory_space<hbm>> -> memref<3200xf32, #tpu.memory_space<hbm>>
    tpu.enqueue_dma source(%arg9 : memref<3200xf32, #tpu.memory_space<vmem>>) target(%dma_start3A_86 : memref<3200xf32, #tpu.memory_space<hbm>>) target_semaphore(%arg13 : memref<!tpu.dma_semaphore, #tpu.memory_space<semaphore_mem>>)
    %add3A_87 = arith.constant 9600 : i32
    %add3A_88 = arith.addi %mul3A_4, %add3A_87 : i32
    %dma_wait3A_89 = tpu.memref_slice %arg2[%add3A_65] : memref<819200xi32, #tpu.memory_space<hbm>> -> memref<3200xi32, #tpu.memory_space<hbm>>
    %dma_wait3A_90 = tpu.memref_slice %arg2[%add3A_65] : memref<819200xi32, #tpu.memory_space<hbm>> -> memref<3200xi32, #tpu.memory_space<hbm>>
    tpu.wait_dma2 semaphore(%arg12 : memref<!tpu.dma_semaphore, #tpu.memory_space<semaphore_mem>>) src(%dma_wait3A_90 : memref<3200xi32, #tpu.memory_space<hbm>>) dst(%arg8 : memref<3200xi32, #tpu.memory_space<vmem>>)
    %add3A_91 = arith.constant 3200 : i32
    %add3A_92 = arith.addi %add3A_88, %add3A_91 : i32
    %dma_start3A_93 = tpu.memref_slice %arg2[%add3A_92] : memref<819200xi32, #tpu.memory_space<hbm>> -> memref<3200xi32, #tpu.memory_space<hbm>>
    %dma_start3A_94 = tpu.memref_slice %arg2[%add3A_92] : memref<819200xi32, #tpu.memory_space<hbm>> -> memref<3200xi32, #tpu.memory_space<hbm>>
    tpu.enqueue_dma source(%dma_start3A_94 : memref<3200xi32, #tpu.memory_space<hbm>>) target(%arg7 : memref<3200xi32, #tpu.memory_space<vmem>>) target_semaphore(%arg11 : memref<!tpu.dma_semaphore, #tpu.memory_space<semaphore_mem>>)
    %dma_wait3A_95 = tpu.memref_slice %arg4[%add3A_36] : memref<819200xf32, #tpu.memory_space<hbm>> -> memref<3200xf32, #tpu.memory_space<hbm>>
    %dma_wait3A_96 = tpu.memref_slice %arg4[%add3A_36] : memref<819200xf32, #tpu.memory_space<hbm>> -> memref<3200xf32, #tpu.memory_space<hbm>>
    tpu.wait_dma2 semaphore(%arg14 : memref<!tpu.dma_semaphore, #tpu.memory_space<semaphore_mem>>) src(%arg10 : memref<3200xf32, #tpu.memory_space<vmem>>) dst(%dma_wait3A_96 : memref<3200xf32, #tpu.memory_space<hbm>>)
    %add3A_97 = arith.constant 0 : i32
    %add3A_98 = vector.broadcast %add3A_97 : i32 to vector<16xi32>
    %add3A_99 = arith.addi %mul3A_12, %add3A_98 : vector<16xi32>
    %broadcast_in_dim3A_100 = arith.constant 0.000000e+00 : f32
    %broadcast_in_dim3A_101 = vector.broadcast %broadcast_in_dim3A_100 : f32 to vector<16xf32>
    %parallel_loop3A_102 = arith.constant 0 : i32
    %parallel_loop3A_103 = arith.constant 200 : i32
    %parallel_loop3A_104 = arith.constant 1 : i32
    %parallel_loop3A_105 = scf.for %parallel_loop3A_222 = %parallel_loop3A_102 to %parallel_loop3A_103 step %parallel_loop3A_104 iter_args(%parallel_loop3A_223 = %broadcast_in_dim3A_101) -> (vector<16xf32>)  : i32 {
      %parallel_loop3A_224 = vector.broadcast %parallel_loop3A_222 : i32 to vector<16xi32>
      %parallel_loop3A_225 = arith.addi %add3A_99, %parallel_loop3A_224 : vector<16xi32>
      %parallel_loop3A_226 = tpu.vector_load_idx %arg8[%parallel_loop3A_225] : memref<3200xi32, #tpu.memory_space<vmem>>[vector<16xi32>], vector<16xi32>,
      %parallel_loop3A_227 = tpu.vector_load_idx %arg6[%parallel_loop3A_226] : memref<100016xf32, #tpu.memory_space<vmem>>[vector<16xi32>], vector<16xf32>,
      %parallel_loop3A_228 = math.exp %parallel_loop3A_227 : vector<16xf32>
      tpu.vector_store_idx %arg10[%parallel_loop3A_225], %parallel_loop3A_228 : memref<3200xf32, #tpu.memory_space<vmem>>[vector<16xi32>], vector<16xf32>,
      %parallel_loop3A_229 = arith.addf %parallel_loop3A_223, %parallel_loop3A_228 : vector<16xf32>
      scf.yield %parallel_loop3A_229 : vector<16xf32>
    } {sc.loop_unroll_factor = 8 : i64, sc.parallel_access}
    %div3A_106 = arith.constant 1.000000e+00 : f32
    %div3A_107 = vector.broadcast %div3A_106 : f32 to vector<16xf32>
    %div3A_108 = arith.divf %div3A_107, %parallel_loop3A_105 : vector<16xf32>
    %parallel_loop3A_109 = arith.constant 0 : i32
    %parallel_loop3A_110 = arith.constant 200 : i32
    %parallel_loop3A_111 = arith.constant 1 : i32
    scf.for %parallel_loop3A_222 = %parallel_loop3A_109 to %parallel_loop3A_110 step %parallel_loop3A_111  : i32 {
      %parallel_loop3A_223 = vector.broadcast %parallel_loop3A_222 : i32 to vector<16xi32>
      %parallel_loop3A_224 = arith.addi %add3A_99, %parallel_loop3A_223 : vector<16xi32>
      %parallel_loop3A_225 = tpu.vector_load_idx %arg10[%parallel_loop3A_224] : memref<3200xf32, #tpu.memory_space<vmem>>[vector<16xi32>], vector<16xf32>,
      %parallel_loop3A_226 = arith.mulf %parallel_loop3A_225, %div3A_108 : vector<16xf32>
      tpu.vector_store_idx %arg10[%parallel_loop3A_224], %parallel_loop3A_226 : memref<3200xf32, #tpu.memory_space<vmem>>[vector<16xi32>], vector<16xf32>,
    } {sc.loop_unroll_factor = 8 : i64, sc.parallel_access}
    %dma_start3A_112 = tpu.memref_slice %arg4[%add3A_88] : memref<819200xf32, #tpu.memory_space<hbm>> -> memref<3200xf32, #tpu.memory_space<hbm>>
    %dma_start3A_113 = tpu.memref_slice %arg4[%add3A_88] : memref<819200xf32, #tpu.memory_space<hbm>> -> memref<3200xf32, #tpu.memory_space<hbm>>
    tpu.enqueue_dma source(%arg10 : memref<3200xf32, #tpu.memory_space<vmem>>) target(%dma_start3A_113 : memref<3200xf32, #tpu.memory_space<hbm>>) target_semaphore(%arg14 : memref<!tpu.dma_semaphore, #tpu.memory_space<semaphore_mem>>)
    %add3A_114 = arith.constant 12800 : i32
    %add3A_115 = arith.addi %mul3A_4, %add3A_114 : i32
    %dma_wait3A_116 = tpu.memref_slice %arg2[%add3A_92] : memref<819200xi32, #tpu.memory_space<hbm>> -> memref<3200xi32, #tpu.memory_space<hbm>>
    %dma_wait3A_117 = tpu.memref_slice %arg2[%add3A_92] : memref<819200xi32, #tpu.memory_space<hbm>> -> memref<3200xi32, #tpu.memory_space<hbm>>
    tpu.wait_dma2 semaphore(%arg11 : memref<!tpu.dma_semaphore, #tpu.memory_space<semaphore_mem>>) src(%dma_wait3A_117 : memref<3200xi32, #tpu.memory_space<hbm>>) dst(%arg7 : memref<3200xi32, #tpu.memory_space<vmem>>)
    %add3A_118 = arith.constant 3200 : i32
    %add3A_119 = arith.addi %add3A_115, %add3A_118 : i32
    %dma_start3A_120 = tpu.memref_slice %arg2[%add3A_119] : memref<819200xi32, #tpu.memory_space<hbm>> -> memref<3200xi32, #tpu.memory_space<hbm>>
    %dma_start3A_121 = tpu.memref_slice %arg2[%add3A_119] : memref<819200xi32, #tpu.memory_space<hbm>> -> memref<3200xi32, #tpu.memory_space<hbm>>
    tpu.enqueue_dma source(%dma_start3A_121 : memref<3200xi32, #tpu.memory_space<hbm>>) target(%arg8 : memref<3200xi32, #tpu.memory_space<vmem>>) target_semaphore(%arg12 : memref<!tpu.dma_semaphore, #tpu.memory_space<semaphore_mem>>)
    %dma_wait3A_122 = tpu.memref_slice %arg4[%add3A_61] : memref<819200xf32, #tpu.memory_space<hbm>> -> memref<3200xf32, #tpu.memory_space<hbm>>
    %dma_wait3A_123 = tpu.memref_slice %arg4[%add3A_61] : memref<819200xf32, #tpu.memory_space<hbm>> -> memref<3200xf32, #tpu.memory_space<hbm>>
    tpu.wait_dma2 semaphore(%arg13 : memref<!tpu.dma_semaphore, #tpu.memory_space<semaphore_mem>>) src(%arg9 : memref<3200xf32, #tpu.memory_space<vmem>>) dst(%dma_wait3A_123 : memref<3200xf32, #tpu.memory_space<hbm>>)
    %add3A_124 = arith.constant 0 : i32
    %add3A_125 = vector.broadcast %add3A_124 : i32 to vector<16xi32>
    %add3A_126 = arith.addi %mul3A_12, %add3A_125 : vector<16xi32>
    %broadcast_in_dim3A_127 = arith.constant 0.000000e+00 : f32
    %broadcast_in_dim3A_128 = vector.broadcast %broadcast_in_dim3A_127 : f32 to vector<16xf32>
    %parallel_loop3A_129 = arith.constant 0 : i32
    %parallel_loop3A_130 = arith.constant 200 : i32
    %parallel_loop3A_131 = arith.constant 1 : i32
    %parallel_loop3A_132 = scf.for %parallel_loop3A_222 = %parallel_loop3A_129 to %parallel_loop3A_130 step %parallel_loop3A_131 iter_args(%parallel_loop3A_223 = %broadcast_in_dim3A_128) -> (vector<16xf32>)  : i32 {
      %parallel_loop3A_224 = vector.broadcast %parallel_loop3A_222 : i32 to vector<16xi32>
      %parallel_loop3A_225 = arith.addi %add3A_126, %parallel_loop3A_224 : vector<16xi32>
      %parallel_loop3A_226 = tpu.vector_load_idx %arg7[%parallel_loop3A_225] : memref<3200xi32, #tpu.memory_space<vmem>>[vector<16xi32>], vector<16xi32>,
      %parallel_loop3A_227 = tpu.vector_load_idx %arg6[%parallel_loop3A_226] : memref<100016xf32, #tpu.memory_space<vmem>>[vector<16xi32>], vector<16xf32>,
      %parallel_loop3A_228 = math.exp %parallel_loop3A_227 : vector<16xf32>
      tpu.vector_store_idx %arg9[%parallel_loop3A_225], %parallel_loop3A_228 : memref<3200xf32, #tpu.memory_space<vmem>>[vector<16xi32>], vector<16xf32>,
      %parallel_loop3A_229 = arith.addf %parallel_loop3A_223, %parallel_loop3A_228 : vector<16xf32>
      scf.yield %parallel_loop3A_229 : vector<16xf32>
    } {sc.loop_unroll_factor = 8 : i64, sc.parallel_access}
    %div3A_133 = arith.constant 1.000000e+00 : f32
    %div3A_134 = vector.broadcast %div3A_133 : f32 to vector<16xf32>
    %div3A_135 = arith.divf %div3A_134, %parallel_loop3A_132 : vector<16xf32>
    %parallel_loop3A_136 = arith.constant 0 : i32
    %parallel_loop3A_137 = arith.constant 200 : i32
    %parallel_loop3A_138 = arith.constant 1 : i32
    scf.for %parallel_loop3A_222 = %parallel_loop3A_136 to %parallel_loop3A_137 step %parallel_loop3A_138  : i32 {
      %parallel_loop3A_223 = vector.broadcast %parallel_loop3A_222 : i32 to vector<16xi32>
      %parallel_loop3A_224 = arith.addi %add3A_126, %parallel_loop3A_223 : vector<16xi32>
      %parallel_loop3A_225 = tpu.vector_load_idx %arg9[%parallel_loop3A_224] : memref<3200xf32, #tpu.memory_space<vmem>>[vector<16xi32>], vector<16xf32>,
      %parallel_loop3A_226 = arith.mulf %parallel_loop3A_225, %div3A_135 : vector<16xf32>
      tpu.vector_store_idx %arg9[%parallel_loop3A_224], %parallel_loop3A_226 : memref<3200xf32, #tpu.memory_space<vmem>>[vector<16xi32>], vector<16xf32>,
    } {sc.loop_unroll_factor = 8 : i64, sc.parallel_access}
    %dma_start3A_139 = tpu.memref_slice %arg4[%add3A_115] : memref<819200xf32, #tpu.memory_space<hbm>> -> memref<3200xf32, #tpu.memory_space<hbm>>
    %dma_start3A_140 = tpu.memref_slice %arg4[%add3A_115] : memref<819200xf32, #tpu.memory_space<hbm>> -> memref<3200xf32, #tpu.memory_space<hbm>>
    tpu.enqueue_dma source(%arg9 : memref<3200xf32, #tpu.memory_space<vmem>>) target(%dma_start3A_140 : memref<3200xf32, #tpu.memory_space<hbm>>) target_semaphore(%arg13 : memref<!tpu.dma_semaphore, #tpu.memory_space<semaphore_mem>>)
    %add3A_141 = arith.constant 16000 : i32
    %add3A_142 = arith.addi %mul3A_4, %add3A_141 : i32
    %dma_wait3A_143 = tpu.memref_slice %arg2[%add3A_119] : memref<819200xi32, #tpu.memory_space<hbm>> -> memref<3200xi32, #tpu.memory_space<hbm>>
    %dma_wait3A_144 = tpu.memref_slice %arg2[%add3A_119] : memref<819200xi32, #tpu.memory_space<hbm>> -> memref<3200xi32, #tpu.memory_space<hbm>>
    tpu.wait_dma2 semaphore(%arg12 : memref<!tpu.dma_semaphore, #tpu.memory_space<semaphore_mem>>) src(%dma_wait3A_144 : memref<3200xi32, #tpu.memory_space<hbm>>) dst(%arg8 : memref<3200xi32, #tpu.memory_space<vmem>>)
    %add3A_145 = arith.constant 3200 : i32
    %add3A_146 = arith.addi %add3A_142, %add3A_145 : i32
    %dma_start3A_147 = tpu.memref_slice %arg2[%add3A_146] : memref<819200xi32, #tpu.memory_space<hbm>> -> memref<3200xi32, #tpu.memory_space<hbm>>
    %dma_start3A_148 = tpu.memref_slice %arg2[%add3A_146] : memref<819200xi32, #tpu.memory_space<hbm>> -> memref<3200xi32, #tpu.memory_space<hbm>>
    tpu.enqueue_dma source(%dma_start3A_148 : memref<3200xi32, #tpu.memory_space<hbm>>) target(%arg7 : memref<3200xi32, #tpu.memory_space<vmem>>) target_semaphore(%arg11 : memref<!tpu.dma_semaphore, #tpu.memory_space<semaphore_mem>>)
    %dma_wait3A_149 = tpu.memref_slice %arg4[%add3A_88] : memref<819200xf32, #tpu.memory_space<hbm>> -> memref<3200xf32, #tpu.memory_space<hbm>>
    %dma_wait3A_150 = tpu.memref_slice %arg4[%add3A_88] : memref<819200xf32, #tpu.memory_space<hbm>> -> memref<3200xf32, #tpu.memory_space<hbm>>
    tpu.wait_dma2 semaphore(%arg14 : memref<!tpu.dma_semaphore, #tpu.memory_space<semaphore_mem>>) src(%arg10 : memref<3200xf32, #tpu.memory_space<vmem>>) dst(%dma_wait3A_150 : memref<3200xf32, #tpu.memory_space<hbm>>)
    %add3A_151 = arith.constant 0 : i32
    %add3A_152 = vector.broadcast %add3A_151 : i32 to vector<16xi32>
    %add3A_153 = arith.addi %mul3A_12, %add3A_152 : vector<16xi32>
    %broadcast_in_dim3A_154 = arith.constant 0.000000e+00 : f32
    %broadcast_in_dim3A_155 = vector.broadcast %broadcast_in_dim3A_154 : f32 to vector<16xf32>
    %parallel_loop3A_156 = arith.constant 0 : i32
    %parallel_loop3A_157 = arith.constant 200 : i32
    %parallel_loop3A_158 = arith.constant 1 : i32
    %parallel_loop3A_159 = scf.for %parallel_loop3A_222 = %parallel_loop3A_156 to %parallel_loop3A_157 step %parallel_loop3A_158 iter_args(%parallel_loop3A_223 = %broadcast_in_dim3A_155) -> (vector<16xf32>)  : i32 {
      %parallel_loop3A_224 = vector.broadcast %parallel_loop3A_222 : i32 to vector<16xi32>
      %parallel_loop3A_225 = arith.addi %add3A_153, %parallel_loop3A_224 : vector<16xi32>
      %parallel_loop3A_226 = tpu.vector_load_idx %arg8[%parallel_loop3A_225] : memref<3200xi32, #tpu.memory_space<vmem>>[vector<16xi32>], vector<16xi32>,
      %parallel_loop3A_227 = tpu.vector_load_idx %arg6[%parallel_loop3A_226] : memref<100016xf32, #tpu.memory_space<vmem>>[vector<16xi32>], vector<16xf32>,
      %parallel_loop3A_228 = math.exp %parallel_loop3A_227 : vector<16xf32>
      tpu.vector_store_idx %arg10[%parallel_loop3A_225], %parallel_loop3A_228 : memref<3200xf32, #tpu.memory_space<vmem>>[vector<16xi32>], vector<16xf32>,
      %parallel_loop3A_229 = arith.addf %parallel_loop3A_223, %parallel_loop3A_228 : vector<16xf32>
      scf.yield %parallel_loop3A_229 : vector<16xf32>
    } {sc.loop_unroll_factor = 8 : i64, sc.parallel_access}
    %div3A_160 = arith.constant 1.000000e+00 : f32
    %div3A_161 = vector.broadcast %div3A_160 : f32 to vector<16xf32>
    %div3A_162 = arith.divf %div3A_161, %parallel_loop3A_159 : vector<16xf32>
    %parallel_loop3A_163 = arith.constant 0 : i32
    %parallel_loop3A_164 = arith.constant 200 : i32
    %parallel_loop3A_165 = arith.constant 1 : i32
    scf.for %parallel_loop3A_222 = %parallel_loop3A_163 to %parallel_loop3A_164 step %parallel_loop3A_165  : i32 {
      %parallel_loop3A_223 = vector.broadcast %parallel_loop3A_222 : i32 to vector<16xi32>
      %parallel_loop3A_224 = arith.addi %add3A_153, %parallel_loop3A_223 : vector<16xi32>
      %parallel_loop3A_225 = tpu.vector_load_idx %arg10[%parallel_loop3A_224] : memref<3200xf32, #tpu.memory_space<vmem>>[vector<16xi32>], vector<16xf32>,
      %parallel_loop3A_226 = arith.mulf %parallel_loop3A_225, %div3A_162 : vector<16xf32>
      tpu.vector_store_idx %arg10[%parallel_loop3A_224], %parallel_loop3A_226 : memref<3200xf32, #tpu.memory_space<vmem>>[vector<16xi32>], vector<16xf32>,
    } {sc.loop_unroll_factor = 8 : i64, sc.parallel_access}
    %dma_start3A_166 = tpu.memref_slice %arg4[%add3A_142] : memref<819200xf32, #tpu.memory_space<hbm>> -> memref<3200xf32, #tpu.memory_space<hbm>>
    %dma_start3A_167 = tpu.memref_slice %arg4[%add3A_142] : memref<819200xf32, #tpu.memory_space<hbm>> -> memref<3200xf32, #tpu.memory_space<hbm>>
    tpu.enqueue_dma source(%arg10 : memref<3200xf32, #tpu.memory_space<vmem>>) target(%dma_start3A_167 : memref<3200xf32, #tpu.memory_space<hbm>>) target_semaphore(%arg14 : memref<!tpu.dma_semaphore, #tpu.memory_space<semaphore_mem>>)
    %add3A_168 = arith.constant 19200 : i32
    %add3A_169 = arith.addi %mul3A_4, %add3A_168 : i32
    %dma_wait3A_170 = tpu.memref_slice %arg2[%add3A_146] : memref<819200xi32, #tpu.memory_space<hbm>> -> memref<3200xi32, #tpu.memory_space<hbm>>
    %dma_wait3A_171 = tpu.memref_slice %arg2[%add3A_146] : memref<819200xi32, #tpu.memory_space<hbm>> -> memref<3200xi32, #tpu.memory_space<hbm>>
    tpu.wait_dma2 semaphore(%arg11 : memref<!tpu.dma_semaphore, #tpu.memory_space<semaphore_mem>>) src(%dma_wait3A_171 : memref<3200xi32, #tpu.memory_space<hbm>>) dst(%arg7 : memref<3200xi32, #tpu.memory_space<vmem>>)
    %add3A_172 = arith.constant 3200 : i32
    %add3A_173 = arith.addi %add3A_169, %add3A_172 : i32
    %dma_start3A_174 = tpu.memref_slice %arg2[%add3A_173] : memref<819200xi32, #tpu.memory_space<hbm>> -> memref<3200xi32, #tpu.memory_space<hbm>>
    %dma_start3A_175 = tpu.memref_slice %arg2[%add3A_173] : memref<819200xi32, #tpu.memory_space<hbm>> -> memref<3200xi32, #tpu.memory_space<hbm>>
    tpu.enqueue_dma source(%dma_start3A_175 : memref<3200xi32, #tpu.memory_space<hbm>>) target(%arg8 : memref<3200xi32, #tpu.memory_space<vmem>>) target_semaphore(%arg12 : memref<!tpu.dma_semaphore, #tpu.memory_space<semaphore_mem>>)
    %dma_wait3A_176 = tpu.memref_slice %arg4[%add3A_115] : memref<819200xf32, #tpu.memory_space<hbm>> -> memref<3200xf32, #tpu.memory_space<hbm>>
    %dma_wait3A_177 = tpu.memref_slice %arg4[%add3A_115] : memref<819200xf32, #tpu.memory_space<hbm>> -> memref<3200xf32, #tpu.memory_space<hbm>>
    tpu.wait_dma2 semaphore(%arg13 : memref<!tpu.dma_semaphore, #tpu.memory_space<semaphore_mem>>) src(%arg9 : memref<3200xf32, #tpu.memory_space<vmem>>) dst(%dma_wait3A_177 : memref<3200xf32, #tpu.memory_space<hbm>>)
    %add3A_178 = arith.constant 0 : i32
    %add3A_179 = vector.broadcast %add3A_178 : i32 to vector<16xi32>
    %add3A_180 = arith.addi %mul3A_12, %add3A_179 : vector<16xi32>
    %broadcast_in_dim3A_181 = arith.constant 0.000000e+00 : f32
    %broadcast_in_dim3A_182 = vector.broadcast %broadcast_in_dim3A_181 : f32 to vector<16xf32>
    %parallel_loop3A_183 = arith.constant 0 : i32
    %parallel_loop3A_184 = arith.constant 200 : i32
    %parallel_loop3A_185 = arith.constant 1 : i32
    %parallel_loop3A_186 = scf.for %parallel_loop3A_222 = %parallel_loop3A_183 to %parallel_loop3A_184 step %parallel_loop3A_185 iter_args(%parallel_loop3A_223 = %broadcast_in_dim3A_182) -> (vector<16xf32>)  : i32 {
      %parallel_loop3A_224 = vector.broadcast %parallel_loop3A_222 : i32 to vector<16xi32>
      %parallel_loop3A_225 = arith.addi %add3A_180, %parallel_loop3A_224 : vector<16xi32>
      %parallel_loop3A_226 = tpu.vector_load_idx %arg7[%parallel_loop3A_225] : memref<3200xi32, #tpu.memory_space<vmem>>[vector<16xi32>], vector<16xi32>,
      %parallel_loop3A_227 = tpu.vector_load_idx %arg6[%parallel_loop3A_226] : memref<100016xf32, #tpu.memory_space<vmem>>[vector<16xi32>], vector<16xf32>,
      %parallel_loop3A_228 = math.exp %parallel_loop3A_227 : vector<16xf32>
      tpu.vector_store_idx %arg9[%parallel_loop3A_225], %parallel_loop3A_228 : memref<3200xf32, #tpu.memory_space<vmem>>[vector<16xi32>], vector<16xf32>,
      %parallel_loop3A_229 = arith.addf %parallel_loop3A_223, %parallel_loop3A_228 : vector<16xf32>
      scf.yield %parallel_loop3A_229 : vector<16xf32>
    } {sc.loop_unroll_factor = 8 : i64, sc.parallel_access}
    %div3A_187 = arith.constant 1.000000e+00 : f32
    %div3A_188 = vector.broadcast %div3A_187 : f32 to vector<16xf32>
    %div3A_189 = arith.divf %div3A_188, %parallel_loop3A_186 : vector<16xf32>
    %parallel_loop3A_190 = arith.constant 0 : i32
    %parallel_loop3A_191 = arith.constant 200 : i32
    %parallel_loop3A_192 = arith.constant 1 : i32
    scf.for %parallel_loop3A_222 = %parallel_loop3A_190 to %parallel_loop3A_191 step %parallel_loop3A_192  : i32 {
      %parallel_loop3A_223 = vector.broadcast %parallel_loop3A_222 : i32 to vector<16xi32>
      %parallel_loop3A_224 = arith.addi %add3A_180, %parallel_loop3A_223 : vector<16xi32>
      %parallel_loop3A_225 = tpu.vector_load_idx %arg9[%parallel_loop3A_224] : memref<3200xf32, #tpu.memory_space<vmem>>[vector<16xi32>], vector<16xf32>,
      %parallel_loop3A_226 = arith.mulf %parallel_loop3A_225, %div3A_189 : vector<16xf32>
      tpu.vector_store_idx %arg9[%parallel_loop3A_224], %parallel_loop3A_226 : memref<3200xf32, #tpu.memory_space<vmem>>[vector<16xi32>], vector<16xf32>,
    } {sc.loop_unroll_factor = 8 : i64, sc.parallel_access}
    %dma_start3A_193 = tpu.memref_slice %arg4[%add3A_169] : memref<819200xf32, #tpu.memory_space<hbm>> -> memref<3200xf32, #tpu.memory_space<hbm>>
    %dma_start3A_194 = tpu.memref_slice %arg4[%add3A_169] : memref<819200xf32, #tpu.memory_space<hbm>> -> memref<3200xf32, #tpu.memory_space<hbm>>
    tpu.enqueue_dma source(%arg9 : memref<3200xf32, #tpu.memory_space<vmem>>) target(%dma_start3A_194 : memref<3200xf32, #tpu.memory_space<hbm>>) target_semaphore(%arg13 : memref<!tpu.dma_semaphore, #tpu.memory_space<semaphore_mem>>)
    %add3A_195 = arith.constant 22400 : i32
    %add3A_196 = arith.addi %mul3A_4, %add3A_195 : i32
    %dma_wait3A_197 = tpu.memref_slice %arg2[%add3A_173] : memref<819200xi32, #tpu.memory_space<hbm>> -> memref<3200xi32, #tpu.memory_space<hbm>>
    %dma_wait3A_198 = tpu.memref_slice %arg2[%add3A_173] : memref<819200xi32, #tpu.memory_space<hbm>> -> memref<3200xi32, #tpu.memory_space<hbm>>
    tpu.wait_dma2 semaphore(%arg12 : memref<!tpu.dma_semaphore, #tpu.memory_space<semaphore_mem>>) src(%dma_wait3A_198 : memref<3200xi32, #tpu.memory_space<hbm>>) dst(%arg8 : memref<3200xi32, #tpu.memory_space<vmem>>)
    %dma_wait3A_199 = tpu.memref_slice %arg4[%add3A_142] : memref<819200xf32, #tpu.memory_space<hbm>> -> memref<3200xf32, #tpu.memory_space<hbm>>
    %dma_wait3A_200 = tpu.memref_slice %arg4[%add3A_142] : memref<819200xf32, #tpu.memory_space<hbm>> -> memref<3200xf32, #tpu.memory_space<hbm>>
    tpu.wait_dma2 semaphore(%arg14 : memref<!tpu.dma_semaphore, #tpu.memory_space<semaphore_mem>>) src(%arg10 : memref<3200xf32, #tpu.memory_space<vmem>>) dst(%dma_wait3A_200 : memref<3200xf32, #tpu.memory_space<hbm>>)
    %add3A_201 = arith.constant 0 : i32
    %add3A_202 = vector.broadcast %add3A_201 : i32 to vector<16xi32>
    %add3A_203 = arith.addi %mul3A_12, %add3A_202 : vector<16xi32>
    %broadcast_in_dim3A_204 = arith.constant 0.000000e+00 : f32
    %broadcast_in_dim3A_205 = vector.broadcast %broadcast_in_dim3A_204 : f32 to vector<16xf32>
    %parallel_loop3A_206 = arith.constant 0 : i32
    %parallel_loop3A_207 = arith.constant 200 : i32
    %parallel_loop3A_208 = arith.constant 1 : i32
    %parallel_loop3A_209 = scf.for %parallel_loop3A_222 = %parallel_loop3A_206 to %parallel_loop3A_207 step %parallel_loop3A_208 iter_args(%parallel_loop3A_223 = %broadcast_in_dim3A_205) -> (vector<16xf32>)  : i32 {
      %parallel_loop3A_224 = vector.broadcast %parallel_loop3A_222 : i32 to vector<16xi32>
      %parallel_loop3A_225 = arith.addi %add3A_203, %parallel_loop3A_224 : vector<16xi32>
      %parallel_loop3A_226 = tpu.vector_load_idx %arg8[%parallel_loop3A_225] : memref<3200xi32, #tpu.memory_space<vmem>>[vector<16xi32>], vector<16xi32>,
      %parallel_loop3A_227 = tpu.vector_load_idx %arg6[%parallel_loop3A_226] : memref<100016xf32, #tpu.memory_space<vmem>>[vector<16xi32>], vector<16xf32>,
      %parallel_loop3A_228 = math.exp %parallel_loop3A_227 : vector<16xf32>
      tpu.vector_store_idx %arg10[%parallel_loop3A_225], %parallel_loop3A_228 : memref<3200xf32, #tpu.memory_space<vmem>>[vector<16xi32>], vector<16xf32>,
      %parallel_loop3A_229 = arith.addf %parallel_loop3A_223, %parallel_loop3A_228 : vector<16xf32>
      scf.yield %parallel_loop3A_229 : vector<16xf32>
    } {sc.loop_unroll_factor = 8 : i64, sc.parallel_access}
    %div3A_210 = arith.constant 1.000000e+00 : f32
    %div3A_211 = vector.broadcast %div3A_210 : f32 to vector<16xf32>
    %div3A_212 = arith.divf %div3A_211, %parallel_loop3A_209 : vector<16xf32>
    %parallel_loop3A_213 = arith.constant 0 : i32
    %parallel_loop3A_214 = arith.constant 200 : i32
    %parallel_loop3A_215 = arith.constant 1 : i32
    scf.for %parallel_loop3A_222 = %parallel_loop3A_213 to %parallel_loop3A_214 step %parallel_loop3A_215  : i32 {
      %parallel_loop3A_223 = vector.broadcast %parallel_loop3A_222 : i32 to vector<16xi32>
      %parallel_loop3A_224 = arith.addi %add3A_203, %parallel_loop3A_223 : vector<16xi32>
      %parallel_loop3A_225 = tpu.vector_load_idx %arg10[%parallel_loop3A_224] : memref<3200xf32, #tpu.memory_space<vmem>>[vector<16xi32>], vector<16xf32>,
      %parallel_loop3A_226 = arith.mulf %parallel_loop3A_225, %div3A_212 : vector<16xf32>
      tpu.vector_store_idx %arg10[%parallel_loop3A_224], %parallel_loop3A_226 : memref<3200xf32, #tpu.memory_space<vmem>>[vector<16xi32>], vector<16xf32>,
    } {sc.loop_unroll_factor = 8 : i64, sc.parallel_access}
    %dma_start3A_216 = tpu.memref_slice %arg4[%add3A_196] : memref<819200xf32, #tpu.memory_space<hbm>> -> memref<3200xf32, #tpu.memory_space<hbm>>
    %dma_start3A_217 = tpu.memref_slice %arg4[%add3A_196] : memref<819200xf32, #tpu.memory_space<hbm>> -> memref<3200xf32, #tpu.memory_space<hbm>>
    tpu.enqueue_dma source(%arg10 : memref<3200xf32, #tpu.memory_space<vmem>>) target(%dma_start3A_217 : memref<3200xf32, #tpu.memory_space<hbm>>) target_semaphore(%arg14 : memref<!tpu.dma_semaphore, #tpu.memory_space<semaphore_mem>>)
    %dma_wait3A_218 = tpu.memref_slice %arg4[%add3A_169] : memref<819200xf32, #tpu.memory_space<hbm>> -> memref<3200xf32, #tpu.memory_space<hbm>>
    %dma_wait3A_219 = tpu.memref_slice %arg4[%add3A_169] : memref<819200xf32, #tpu.memory_space<hbm>> -> memref<3200xf32, #tpu.memory_space<hbm>>
    tpu.wait_dma2 semaphore(%arg13 : memref<!tpu.dma_semaphore, #tpu.memory_space<semaphore_mem>>) src(%arg9 : memref<3200xf32, #tpu.memory_space<vmem>>) dst(%dma_wait3A_219 : memref<3200xf32, #tpu.memory_space<hbm>>)
    %dma_wait3A_220 = tpu.memref_slice %arg4[%add3A_196] : memref<819200xf32, #tpu.memory_space<hbm>> -> memref<3200xf32, #tpu.memory_space<hbm>>
    %dma_wait3A_221 = tpu.memref_slice %arg4[%add3A_196] : memref<819200xf32, #tpu.memory_space<hbm>> -> memref<3200xf32, #tpu.memory_space<hbm>>
    tpu.wait_dma2 semaphore(%arg14 : memref<!tpu.dma_semaphore, #tpu.memory_space<semaphore_mem>>) src(%arg10 : memref<3200xf32, #tpu.memory_space<vmem>>) dst(%dma_wait3A_221 : memref<3200xf32, #tpu.memory_space<hbm>>)
    return
  }
}

</mosaic_0001>

<sc_bundles>
// kernel: _log_odds_attention.3.cloned.1.call-start
scs
__scs_entry_jumppad:
0x0: {  	(pc) =	sbr.rel $0x88, $3  }
0x1: {  	(tag) =	ssettag $0x0;
	lr =	simm.s32 $0x1  }
0x2: {  	[smem:$0x3F9F] =	sst lr;
	_ =	strace $0xD0000000  }
0x3: {  	_ = 	snop  }
0x4: {  	_ = 	snop  }
0x5: {  	_ = 	snop  }
0x6: {  	_ = 	snop  }
0x7: {  	_ = 	snop  }
__scs_overlays_trampoline_lowered:
0x8: {  	[smem:$0x3FAE] =	sst s0  }
0x9: {  	[smem:$0x3FAF] =	sst s1  }
0xa: {  	[smem:$0x3FB0] =	sst s2  }
0xb: {  	[smem:$0x3FB1] =	sst s3  }
0xc: {  	[smem:$0x3FB2] =	sst s4  }
0xd: {  	[smem:$0x3FB3] =	sst s5  }
0xe: {  	[smem:$0x3FB4] =	sst s6  }
0xf: {  	[smem:$0x3FB5] =	sst s7  }
0x10: {  	[smem:$0x3FB6] =	sst s8  }
0x11: {  	[smem:$0x3FB7] =	sst s9;
	s0 =	simm.s32 @!p0 $0x0  }
0x12: {  	s1 =	sld [smem:$0x3F9D];
	s0 =	simm.s32 @p0 $0x1  }
0x13: {  	[smem:$0x3FB8] =	sst s0;
	s0 =	simm.s32 @!p1 $0x0  }
0x14: {  	s2 =	sld [smem:$0x3F9C];
	s0 =	simm.s32 @p1 $0x1  }
0x15: {  	[smem:$0x3FB9] =	sst s0;
	s0 =	simm.s32 @!p2 $0x0  }
0x16: {  	s3 =	sld [smem:$0x3FDB];
	s0 =	simm.s32 @p2 $0x1  }
0x17: {  	s4 =	simm.s32 $0x1BF5;
	[smem:$0x3FBB] =	sst s0  }
0x18: {  	s0 =	sld [smem:$0x3F9E];
	_ =	swait.ge [sflag:s4], $0x0  }
0x19: {  	s7 =	sld [smem:$0x3F9F]  }
0x1a: {  	s8 =	sadd.s32 $0xFFFFE003, lr  }
0x1b: {  	s9 =	sadd.s32 $0xFFFFFEF7, lr;
	s5 =	simm.s32 $0xFFFFFFFF;
	p2 =	slt.u32 s8, $0xFFFFF086  }
0x1c: {  	p1 =	slt.u32 s9, $0xF7A;
	s5 =	simm.s32 @!p2 $0x0  }
0x1d: {  	s5 =	simm.s32 @p1 $0x1;
	p0 =	seq.s32 s7, s2  }
0x1e: {  	s7 =	smul.u32 @!p0 $0xF7A, s2;
	p2 =	seq.s32 @!p0 s5, $0x0  }
0x1f: {  	s9 =	smul.u32 $0xF7A, s1;
	s8 =	simm.s32 @!p0 $0x1BF5;
	p2 =	por !p2, p0  }
0x20: {  	[sflag:s8] =	ssyncset.s32 @!p0 $0xFFFFF086;
	s6 =	sadd.s32 @!p0 s3, s7;
	s7 =	simm.s32 @!p0 $0x108  }
0x21: {  	s3 =	sadd.s32 s3, s9;
	s6 =	sadd.s32 @!p0 $0x88, s6;
	s7 =	simm.s32 @p2 $0x1082  }
0x22: {  	[simem:s7], [sflag:s8] =	dma.local @!p0 [hbm:s6], $0xF7A  }
0x23: {  	s9 =	sor.u32 $0xD0000000, s2;
	s6 =	simm.s32 $0x108;
	_ =	swait.ge @!p0 [sflag:s8], $0x0  }
0x24: {  	s3 =	sadd.s32 $0x88, s3;
	s6 =	simm.s32 @!p1 $0x1082;
	[sflag:s4] =	ssyncset.s32 $0xFFFFF086  }
0x25: {  	[simem:s6], [sflag:s4] =	dma.local [hbm:s3], $0xF7A  }
0x26: {  	[smem:$0x3F9F] =	sst s1;
	(tag) =	ssettag s2;
	_ =	strace s9  }
0x27: {  	s1 =	sld [smem:$0x3FAF]  }
0x28: {  	s2 =	sld [smem:$0x3FB0]  }
0x29: {  	s4 =	sld [smem:$0x3FB2]  }
0x2a: {  	p0 =	seq.s32 s5, $0x0;
	s5 =	sld [smem:$0x3FB3]  }
0x2b: {  	s6 =	sld [smem:$0x3FB4]  }
0x2c: {  	s7 =	sld [smem:$0x3FB5]  }
0x2d: {  	s3 =	simm.s32 $0x108;
	s8 =	sld [smem:$0x3FB6]  }
0x2e: {  	s3 =	simm.s32 @!p0 $0x1082;
	s9 =	sld [smem:$0x3FB7]  }
0x2f: {  	lr =	sadd.s32 s0, s3;
	s0 =	sld [smem:$0x3FAE]  }
0x30: {  	s3 =	sld [smem:$0x3FB1]  }
0x31: {  	[smem:$0x3FBA] =	sst s10  }
0x32: {  	s10 =	sld [smem:$0x3FB8];
	_ =	sdelay $0x3  }
0x33: {  	p0 =	seq.s32 s10, $0x1;
	s10 =	sld [smem:$0x3FBA];
	_ =	sdelay $0x3  }
0x34: {  	[smem:$0x3FBA] =	sst s10  }
0x35: {  	s10 =	sld [smem:$0x3FB9];
	_ =	sdelay $0x3  }
0x36: {  	p1 =	seq.s32 s10, $0x1;
	s10 =	sld [smem:$0x3FBA];
	_ =	sdelay $0x3  }
0x37: {  	[smem:$0x3FBA] =	sst s10  }
0x38: {  	s10 =	sld [smem:$0x3FBB]  }
0x39: {  	_ = 	snop;
	(pc) =	sbr.ind lr, $3  }
0x3a: {  	_ = 	snop  }
0x3b: {  	_ = 	snop  }
0x3c: {  	p2 =	seq.s32 s10, $0x1;
	s10 =	sld [smem:$0x3FBA]  }
0x3d: {  	_ =	shalt  }
0x3e: {  	_ =	shalt  }
0x3f: {  	_ =	shalt  }
0x40: {  	_ =	shalt  }
0x41: {  	_ =	shalt  }
0x42: {  	_ =	shalt  }
0x43: {  	_ =	shalt  }
0x44: {  	_ =	shalt  }
0x45: {  	_ =	shalt  }
0x46: {  	_ =	shalt  }
0x47: {  	_ =	shalt  }
0x48: {  	_ =	shalt  }
0x49: {  	_ =	shalt  }
0x4a: {  	_ =	shalt  }
0x4b: {  	_ =	shalt  }
0x4c: {  	_ =	shalt  }
0x4d: {  	_ =	shalt  }
0x4e: {  	_ =	shalt  }
0x4f: {  	_ =	shalt  }
0x50: {  	_ =	shalt  }
0x51: {  	_ =	shalt  }
0x52: {  	_ =	shalt  }
0x53: {  	_ =	shalt  }
0x54: {  	_ =	shalt  }
0x55: {  	_ =	shalt  }
0x56: {  	_ =	shalt  }
0x57: {  	_ =	shalt  }
0x58: {  	_ =	shalt  }
0x59: {  	_ =	shalt  }
0x5a: {  	_ =	shalt  }
0x5b: {  	_ =	shalt  }
0x5c: {  	_ =	shalt  }
0x5d: {  	_ =	shalt  }
0x5e: {  	_ =	shalt  }
0x5f: {  	_ =	shalt  }
0x60: {  	_ =	shalt  }
0x61: {  	_ =	shalt  }
0x62: {  	_ =	shalt  }
0x63: {  	_ =	shalt  }
0x64: {  	_ =	shalt  }
0x65: {  	_ =	shalt  }
0x66: {  	_ =	shalt  }
0x67: {  	_ =	shalt  }
0x68: {  	_ =	shalt  }
0x69: {  	_ =	shalt  }
0x6a: {  	_ =	shalt  }
0x6b: {  	_ =	shalt  }
0x6c: {  	_ =	shalt  }
0x6d: {  	_ =	shalt  }
0x6e: {  	_ =	shalt  }
0x6f: {  	_ =	shalt  }
0x70: {  	_ =	shalt  }
0x71: {  	_ =	shalt  }
0x72: {  	_ =	shalt  }
0x73: {  	_ =	shalt  }
0x74: {  	_ =	shalt  }
0x75: {  	_ =	shalt  }
0x76: {  	_ =	shalt  }
0x77: {  	_ =	shalt  }
0x78: {  	_ =	shalt  }
0x79: {  	_ =	shalt  }
0x7a: {  	_ =	shalt  }
0x7b: {  	_ =	shalt  }
0x7c: {  	_ =	shalt  }
0x7d: {  	_ =	shalt  }
0x7e: {  	_ =	shalt  }
0x7f: {  	_ =	shalt  }
0x80: {  	_ =	shalt  }
0x81: {  	_ =	shalt  }
0x82: {  	_ =	shalt  }
0x83: {  	_ =	shalt  }
0x84: {  	_ =	shalt  }
0x85: {  	_ =	shalt  }
0x86: {  	_ =	shalt  }
0x87: {  	_ =	shalt  }
.Lfunc_end0:
.L_simem_size_0:
called_computation_lowered:
.L_overlay_start_0:
0x88: {  	s2 =	sld [smem:$0x3FD9]  }
0x89: {  	s3 =	sld [smem:$0x3FFE];
	_ =	sdelay $0x1  }
0x8a: {  	s1 =	srdreg.scid  }
0x8b: {  	s0 =	sand.u32 $0x1, s1  }
0x8c: {  	s18 =	sshll.u32 s0, $0xA;
	s2 =	sadd.s32 s3, s2  }
0x8d: {  	s2 =	sadd.s32 s2, s18  }
0x8e: {  	[smem:$0x3FC6] =	sst s2  }
0x8f: {  	_ = 	snop  }
0x90: {  	s2 =	sld [smem:$0x3FC9]  }
0x91: {  	s19 =	sld [smem:$0x3FC8]  }
0x92: {  	s4 =	sld [smem:$0x3FD0];
	(tm) =	ssettm $0x1  }
0x93: {  	s5 =	sld [smem:$0x3FFB];
	_ =	sdelay $0x3  }
0x94: {  	_ =	strace s5  }
0x95: {  	s5 =	sld [smem:$0x3FFC];
	_ =	sdelay $0x3  }
0x96: {  	_ =	strace s5  }
0x97: {  	s5 =	sld [smem:$0x3FFD];
	_ =	sdelay $0x3  }
0x98: {  	_ =	strace s5  }
0x99: {  	_ =	strace $0x8FFFFFFF  }
0x9a: {  	s20 =	sld [smem:$0x3FDB];
	_ =	sdelay $0x1  }
0x9b: {  	s6 =	simm.s32 $_scs_section_size  }
0x9c: {  	s7 =	simm.s32 $_size__tile_overlayer_lowered;
	s8 =	simm.s32 $_tile_overlayer_lowered  }
0x9d: {  	s23 =	simm.s32 $0x1BFF;
	s22 =	sshll.u32 s8, $0x1;
	s5 =	sadd.s32 s6, s20  }
0x9e: {  	s9 =	simm.s32 $0x0;
	s21 =	sshll.u32 s7, $0x1;
	s7 =	sadd.s32 s22, s5  }
0x9f: {  	[timem:s9], [sflag:s23] =	dma.local [hbm:s7], s21  }
0xa0: {  	_ =	swait.ge [sflag:s23], s21  }
0xa1: {  	s6 =	ssub.s32 $0x0, s21;
	[sflag:s23] =	ssyncset.done $0x0  }
0xa2: {  	[sflag:s23] =	ssyncadd.s32 s6;
	_ =	sdelay $0x1  }
0xa3: {  	s24 =	simm.s32 $0x1B8B  }
0xa4: {  	_ =	swait.ge [sflag:s24], $0x1  }
0xa5: {  	[sflag:s24] =	ssyncset.done $0x0  }
0xa6: {  	s25 =	simm.s32 $0x1B8E;
	[sflag:s24] =	ssyncadd.s32 $0xFFFFFFFF  }
0xa7: {  	s26 =	simm.s32 $execute0_lowered;
	[smem:$0x3FD2] =	sst s25  }
0xa8: {  	s6 =	sshll.u32 s26, $0x1;
	_ =	strace $0x80000046;
	[dreg:$0x1] =	wrdreg $0xFFFFFFFF  }
0xa9: {  	s28 =	simm.s32 $_size_execute0_lowered;
	s5 =	sadd.s32 s5, s6;
	[dreg:$0x0] =	wrdreg $0x0  }
0xaa: {  	s6 =	sshll.u32 s28, $0x1;
	[dreg:$0x2] =	wrdreg s5  }
0xab: {  	[dreg:$0x3] =	wrdreg s6  }
0xac: {  	[dreg:$0x4] =	wrdreg $0xC0  }
0xad: {  	_ =	task [dreg:s9], $0x5FFFF  }
0xae: {  	[dreg:$0x1] =	wrdreg $0xFFFFFFFF  }
0xaf: {  	[dreg:$0x0] =	wrdreg $0x60  }
0xb0: {  	[dreg:$0x2] =	wrdreg s2  }
0xb1: {  	[dreg:$0x3] =	wrdreg s19  }
0xb2: {  	[dreg:$0x4] =	wrdreg s4  }
0xb3: {  	[dreg:$0x5] =	wrdreg $0x0  }
0xb4: {  	[dreg:$0x6] =	wrdreg $0x9  }
0xb5: {  	_ =	task.clear_ibuf [dreg:s9], $0x7FFFF;
	_ =	strace $0x90000046  }
0xb6: {  	s29 =	simm.s32 $0x9;
	_ =	strace $0x80000048  }
0xb7: {  	_ =	swait.ge [sflag:s29], $0x1  }
0xb8: {  	[sflag:s29] =	ssyncadd.s32 $0xFFFFFFFF  }
0xb9: {  	_ =	strace $0x90000048  }
0xba: {  	_ =	sfence  }
0xbb: {  	s30 =	sld [smem:$0x0];
	_ =	sdelay $0x2  }
0xbc: {  	s31 =	sshll.u32 s1, $0xD;
	s1 =	sshrl.u32 s1, $0x2  }
0xbd: {  	s3 =	sand.u32 $0x4000, s31;
	s1 =	sadd.s32 s1, s30  }
0xbe: {  	s0 =	sor.u32 s3, s0;
	s1 =	sshll.u32 s1, $0x11  }
0xbf: {  	s0 =	sor.u32 s1, s0  }
0xc0: {  	s0 =	sadd.s32 $0x8F2B, s0  }
0xc1: {  	[sflag:s0] =	ssyncadd.remote.s32 $0x1  }
0xc2: {  	_ =	sfence.sel $0xFFFF  }
0xc3: {  	[dreg:$0x0] =	wrdreg $0xFFFFFFFF;
	(pc) =	sbr.abs _section_cstart, $3  }
0xc4: {  	[dreg:$0x1] =	wrdreg $0xFFFFFFFF  }
0xc5: {  	_ =	task.clear_ibuf [dreg:s9], $0x2FFFF;
	_ =	strace $0x9FFFFFFF  }
0xc6: {  	(tm) =	ssettm $0x7FFFFFFF  }
0xc7: {  	_ =	shalt  }
tec
execute0_lowered:
.L_overlay_start_1:
0x0: {  	(tag) =	ssettag $0x1  }
0x1: {  	s0 =	rddreg [dreg:$0x0];
	s1 =	srdreg.scid  }
0x2: {  	s2 =	stileid.u32;
	s19 =	rddreg [dreg:$0x2];
	s21 =	simm.s32 $0x19F70  }
0x3: {  	s22 =	simm.s32 $0x1870;
	s23 =	simm.s32 $0x5;
	s28 =	simm.s32 $0x2  }
0x4: {  	s29 =	simm.s32 $0x1C4F0;
	s1 =	sand.u32 $0x1, s1;
	s3 =	sshll.u32 s2, $0x1  }
0x5: {  	s30 =	simm.s32 $0x3;
	s31 =	simm.s32 $0x4;
	s3 =	sor.u32 s1, s3  }
0x6: {  	s1 =	ssub.s32 $0x2, s1;
	s4 =	smul.u32 $0x6400, s3;
	s3 =	simm.s32 $0x0  }
0x7: {  	p0 =	sne.s32 s2, $0x0;
	s24 =	sshrl.u32 s1, $0x1;
	[smem:$0x7FF] =	sst s3  }
0x8: {  	s1 =	ssub.s32 s1, s24;
	s24 =	simm.s32 $0x1;
	s15 =	sshrl.u32 s4, $0x3  }
0x9: {  	_ =	strace $0x80000047;
	s8 =	sadd.s32 $0x190, s15;
	s25 =	sadd.s32 s0, s15  }
0xa: {  	s6 =	sadd.s32 s19, s15;
	s10 =	sadd.s32 $0x320, s15;
	s12 =	sadd.s32 $0x4B0, s15  }
0xb: {  	s14 =	sadd.s32 $0x640, s15;
	s16 =	sadd.s32 $0x7D0, s15;
	s18 =	sadd.s32 $0x960, s15  }
0xc: {  	s20 =	sadd.s32 $0xAF0, s15;
	[dreg:$0x5] =	wrdreg s25;
	s26 =	sadd.s32 s0, s8  }
0xd: {  	s7 =	sadd.s32 s0, s10;
	s8 =	sadd.s32 s19, s8;
	s9 =	sadd.s32 s0, s12  }
0xe: {  	s10 =	sadd.s32 s19, s10;
	s11 =	sadd.s32 s0, s14;
	s12 =	sadd.s32 s19, s12  }
0xf: {  	s13 =	sadd.s32 s0, s16;
	s14 =	sadd.s32 s19, s14;
	s15 =	sadd.s32 s0, s18  }
0x10: {  	v1 =	vlaneseq.u32;
	s16 =	sadd.s32 s19, s16;
	s17 =	sadd.s32 s0, s20;
	s18 =	sadd.s32 s19, s18  }
0x11: {  	v1 =	vmul.u32 $0xC8, v1;
	s19 =	sadd.s32 s19, s20;
	s20 =	smax.u32 s1, $0x1;
	s25 =	simm.s32 $0x1ABF0  }
0x12: {  	v0 =	vimm.f32 $-1.000000020e+30;
	s1 =	simm.s32 $0x0;
	[dreg:$0x6] =	wrdreg s26;
	s26 =	simm.s32 $0x1B870  }
.LBB2_1:
0x13: {  	s0 =	rddreg [dreg:$0x5]  }
0x14: {  	s5 =	rddreg [dreg:$0x3]  }
0x15: {  	[tilespmem:s21], [sflag:$0x1] =	stream.linear.gather [hbm4b:s0+s3], $0xC80, $0x38;
	[tilespmem:$0x1D170] =	vst v63  }
0x16: {  	s2 =	simm.s32 @!p0 $0x1C05;
	s4 =	rddreg [dreg:$0x1];
	s0 =	sshrl.u32 @!p0 s5, $0x3  }
0x17: {  	[spmem:s0], [sflag:s2] =	dma.local @!p0 [hbm:s4], $0x30E0  }
0x18: {  	s0 =	simm.s32 @!p0 $0x5  }
0x19: {  	_ =	swait.ge @!p0 [sflag:s0], $0x30E0  }
0x1a: {  	[sflag:s0] =	ssyncset.done @!p0 $0x0  }
0x1b: {  	[sflag:s0] =	ssyncadd.s32 @!p0 $0xFFFFCF20  }
0x1c: {  	[bflag:$0x0] =	sbarrier.arrive $0xFFFF  }
0x1d: {  	[tilespmem:s22], [sflag:$0x5] =	stream.linear.gather [spmem:s5], $0x186A0, $0x38;
	[tilespmem:$0x1D170] =	vst v63  }
0x1e: {  	_ =	swait.ge [sflag:s23], $0x186A0  }
0x1f: {  	[sflag:s23] =	ssyncset.done $0x0  }
0x20: {  	[sflag:s23] =	ssyncadd.s32 $0xFFFE7960  }
0x21: {  	v16 =	vadd.s32 s3, v1;
	[tilespmem:$0x19F10] =	vst v0  }
0x22: {  	_ =	swait.ge [sflag:s24], $0xC80  }
0x23: {  	s2 =	simm.s32 $0x1;
	s4 =	simm.s32 $0x2;
	[sflag:s24] =	ssyncset.done $0x0  }
0x24: {  	v8 =	vadd.s32 s2, v1;
	v9 =	vadd.s32 s4, v1;
	s4 =	simm.s32 $0x3;
	s5 =	rddreg [dreg:$0x6];
	[sflag:s24] =	ssyncadd.s32 $0xFFFFF380  }
0x25: {  	[tilespmem:s25], [sflag:$0x2] =	stream.linear.gather [hbm4b:s5+s3], $0xC80, $0x38;
	[tilespmem:$0x1D170] =	vst v63  }
0x26: {  	s2 =	simm.s32 $0x5;
	v4 =	vadd.s32 s4, v1;
	v2 =	vld.idx.msk [tilespmem:v16+s21+$0x0], $0xffff  }
0x27: {  	v5 =	vadd.s32 s2, v1;
	s5 =	simm.s32 $0x4  }
0x28: {  	v7 =	vadd.s32 s5, v1  }
0x29: {  	s4 =	simm.s32 $0x6;
	v3 =	vld.idx.msk [tilespmem:v8+s21+$0x0], $0xffff  }
0x2a: {  	v10 =	vadd.s32 s4, v1;
	v11 =	vld.idx.msk [tilespmem:v9+s21+$0x0], $0xffff;
	s5 =	simm.s32 $0x7  }
0x2b: {  	v13 =	vld.idx.msk [tilespmem:v4+s21+$0x0], $0xffff;
	v6 =	vadd.s32 s5, v1  }
0x2c: {  	s2 =	simm.s32 $0x8;
	v17 =	vld.idx.msk [tilespmem:v5+s21+$0x0], $0xffff  }
0x2d: {  	v12 =	vadd.s32 s2, v1;
	v14 =	vld.idx.msk [tilespmem:v7+s21+$0x0], $0xffff  }
0x2e: {  	v15 =	vld.idx.msk [tilespmem:v2+s22+$0x0], $0xffff  }
0x2f: {  	v19 =	vld.idx.msk [tilespmem:v10+s21+$0x0], $0xffff  }
0x30: {  	v22 =	vld.idx.msk [tilespmem:v6+s21+$0x0], $0xffff  }
0x31: {  	s4 =	simm.s32 $0x9;
	v18 =	vld.idx.msk [tilespmem:v3+s22+$0x0], $0xffff  }
0x32: {  	v26 =	vld.idx.msk [tilespmem:v12+s21+$0x0], $0xffff;
	s5 =	simm.s32 $0xA;
	v2 =	vadd.s32 s4, v1  }
0x33: {  	v21 =	vld.idx.msk [tilespmem:v11+s22+$0x0], $0xffff;
	v3 =	vadd.s32 s5, v1;
	v15 =	vmul.f32 $1.442695020e+00, v15  }
0x34: {  	v24 =	vld.idx.msk [tilespmem:v13+s22+$0x0], $0xffff  }
0x35: {  	v17 =	vld.idx.msk [tilespmem:v17+s22+$0x0], $0xffff;
	(erf) = vpow2.f32 v15  }
0x36: {  	s2 =	simm.s32 $0xB;
	v18 =	vmul.f32 $1.442695020e+00, v18;
	v27 =	vld.idx.msk [tilespmem:v14+s22+$0x0], $0xffff  }
0x37: {  	v11 =	vadd.s32 s2, v1;
	v28 =	vld.idx.msk [tilespmem:v2+s21+$0x0], $0xffff  }
0x38: {  	s4 =	simm.s32 $0xC;
	v23 =	vld.idx.msk [tilespmem:v3+s21+$0x0], $0xffff;
	v21 =	vmul.f32 $1.442695020e+00, v21;
	(erf) = vpow2.f32 v18  }
0x39: {  	s5 =	simm.s32 $0xD;
	v13 =	vadd.s32 s4, v1;
	v25 =	vld.idx.msk [tilespmem:v22+s22+$0x0], $0xffff  }
0x3a: {  	v14 =	vadd.s32 s5, v1;
	v22 =	vmul.f32 $1.442695020e+00, v24;
	v18 =	vld.idx.msk [tilespmem:v19+s22+$0x0], $0xffff;
	(erf) = vpow2.f32 v21  }
0x3b: {  	s2 =	simm.s32 $0xE  }
0x3c: {  	v20 =	vld.idx.msk [tilespmem:v11+s21+$0x0], $0xffff;
	v15 =	vadd.s32 s2, v1;
	v27 =	vmul.f32 $1.442695020e+00, v27;
	(erf) = vpow2.f32 v22  }
0x3d: {  	v26 =	vld.idx.msk [tilespmem:v26+s22+$0x0], $0xffff;
	s4 =	simm.s32 $0xF;
	v17 =	vmul.f32 $1.442695020e+00, v17  }
0x3e: {  	v29 =	vadd.s32 s4, v1;
	v19 =	vld.idx.msk [tilespmem:v13+s21+$0x0], $0xffff;
	v22 =	vpop (erf);
	(erf) = vpow2.f32 v27  }
0x3f: {  	s0 =	simm.s32 $0x10;
	v24 =	vimm.f32 $0.0e+00;
	v21 =	vld.idx.msk [tilespmem:v14+s21+$0x0], $0xffff;
	v30 =	vmul.f32 $1.442695020e+00, v18  }
0x40: {  	s5 =	simm.s32 $0x11;
	v28 =	vld.idx.msk [tilespmem:v28+s22+$0x0], $0xffff;
	v27 =	vadd.s32 s0, v1;
	v31 =	vadd.f32 v22, v24;
	(erf) = vpow2.f32 v17  }
0x41: {  	s2 =	simm.s32 $0x18;
	v18 =	vadd.s32 s5, v1;
	[tilespmem:v16+s26+$0x0] =	vst.idx.msk $0xffff, v22;
	v24 =	vld.idx.msk [tilespmem:v15+s21+$0x0], $0xffff;
	v22 =	vpop (erf);
	v17 =	vmov v29;
	v16 =	vmov v27  }
.LBB2_2:
0x42: {  	p1 =	slt.u32 s2, $0xC0;
	s4 =	sadd.s32 $0x2, s0;
	v23 =	vld.idx.msk [tilespmem:v23+s22+$0x0], $0xffff;
	[tilespmem:v8+s26+$0x0] =	vst.idx.msk $0xffff, v22;
	v22 =	vadd.f32 v22, v31;
	v25 =	vmul.f32 $1.442695020e+00, v25;
	(erf) = vpow2.f32 v30  }
0x43: {  	v8 =	vmov v2;
	v2 =	vmov v18;
	v30 =	vadd.s32 s4, v1;
	v29 =	vld.idx.msk [tilespmem:v29+s21+$0x0], $0xffff;
	v31 =	vpop (erf)  }
0x44: {  	s4 =	sadd.s32 $0x3, s0;
	v26 =	vmul.f32 $1.442695020e+00, v26;
	v20 =	vld.idx.msk [tilespmem:v20+s22+$0x0], $0xffff;
	[tilespmem:v9+s26+$0x0] =	vst.idx.msk $0xffff, v31;
	v22 =	vadd.f32 v31, v22;
	(erf) = vpow2.f32 v25  }
0x45: {  	v25 =	vadd.s32 s4, v1;
	v9 =	vmov v3;
	v3 =	vmov v30;
	v27 =	vld.idx.msk [tilespmem:v27+s21+$0x0], $0xffff;
	v31 =	vpop (erf)  }
0x46: {  	s4 =	sadd.s32 $0x4, s0;
	v28 =	vmul.f32 $1.442695020e+00, v28;
	v19 =	vld.idx.msk [tilespmem:v19+s22+$0x0], $0xffff;
	(erf) = vpow2.f32 v26;
	[tilespmem:v4+s26+$0x0] =	vst.idx.msk $0xffff, v31;
	v22 =	vadd.f32 v31, v22  }
0x47: {  	v26 =	vadd.s32 s4, v1;
	v4 =	vmov v11;
	v11 =	vmov v25;
	v18 =	vld.idx.msk [tilespmem:v18+s21+$0x0], $0xffff;
	v31 =	vpop (erf)  }
0x48: {  	s4 =	sadd.s32 $0x5, s0;
	v32 =	vmul.f32 $1.442695020e+00, v23;
	v21 =	vld.idx.msk [tilespmem:v21+s22+$0x0], $0xffff;
	(erf) = vpow2.f32 v28;
	[tilespmem:v7+s26+$0x0] =	vst.idx.msk $0xffff, v31;
	v22 =	vadd.f32 v31, v22  }
0x49: {  	v28 =	vadd.s32 s4, v1;
	v7 =	vmov v13;
	v13 =	vmov v26;
	v23 =	vld.idx.msk [tilespmem:v30+s21+$0x0], $0xffff;
	v30 =	vpop (erf)  }
0x4a: {  	s4 =	sadd.s32 $0x6, s0;
	v31 =	vmul.f32 $1.442695020e+00, v20;
	v24 =	vld.idx.msk [tilespmem:v24+s22+$0x0], $0xffff;
	(erf) = vpow2.f32 v32;
	[tilespmem:v5+s26+$0x0] =	vst.idx.msk $0xffff, v30;
	v22 =	vadd.f32 v30, v22  }
0x4b: {  	v32 =	vadd.s32 s4, v1;
	v5 =	vmov v14;
	v14 =	vmov v28;
	v20 =	vld.idx.msk [tilespmem:v25+s21+$0x0], $0xffff;
	v30 =	vpop (erf)  }
0x4c: {  	s4 =	sadd.s32 $0x7, s0;
	s0 =	smov.u32 s2;
	v33 =	vmul.f32 $1.442695020e+00, v19;
	v25 =	vld.idx.msk [tilespmem:v29+s22+$0x0], $0xffff;
	(erf) = vpow2.f32 v31;
	[tilespmem:v10+s26+$0x0] =	vst.idx.msk $0xffff, v30;
	v22 =	vadd.f32 v30, v22  }
.Ltmp0:
0x4d: {  	v29 =	vadd.s32 s4, v1;
	v10 =	vmov v15;
	v15 =	vmov v32;
	v19 =	vld.idx.msk [tilespmem:v26+s21+$0x0], $0xffff;
	v30 =	vpop (erf);
	(pc) =	sbr.rel @p1 .LBB2_2-.Ltmp0, $4  }
0x4e: {  	v34 =	vmul.f32 $1.442695020e+00, v21;
	v26 =	vld.idx.msk [tilespmem:v27+s22+$0x0], $0xffff;
	(erf) = vpow2.f32 v33;
	[tilespmem:v6+s26+$0x0] =	vst.idx.msk $0xffff, v30;
	v33 =	vadd.f32 v30, v22  }
0x4f: {  	v27 =	vadd.s32 s2, v1;
	v6 =	vmov v17;
	v17 =	vmov v29;
	v21 =	vld.idx.msk [tilespmem:v28+s21+$0x0], $0xffff;
	v30 =	vpop (erf)  }
0x50: {  	s4 =	sadd.s32 $0x1, s2;
	v28 =	vld.idx.msk [tilespmem:v18+s22+$0x0], $0xffff;
	[tilespmem:v12+s26+$0x0] =	vst.idx.msk $0xffff, v30;
	v31 =	vadd.f32 v30, v33;
	v30 =	vmul.f32 $1.442695020e+00, v24;
	(erf) = vpow2.f32 v34  }
0x51: {  	s2 =	sadd.s32 $0x8, s2;
	v18 =	vadd.s32 s4, v1;
	v12 =	vmov v16;
	v16 =	vmov v27;
	v24 =	vld.idx.msk [tilespmem:v32+s21+$0x0], $0xffff;
	v22 =	vpop (erf)  }
0x52: {  	_ =	sdelay $0x2  }
0x53: {  	v31 =	vadd.f32 v22, v31;
	v25 =	vmul.f32 $1.442695020e+00, v25;
	(erf) = vpow2.f32 v30  }
0x54: {  	v23 =	vld.idx.msk [tilespmem:v23+s22+$0x0], $0xffff;
	v62 =	vpop (erf)  }
0x55: {  	s2 =	sadd.s32 $0x2, s0;
	v29 =	vld.idx.msk [tilespmem:v29+s21+$0x0], $0xffff;
	v26 =	vmul.f32 $1.442695020e+00, v26;
	v31 =	vadd.f32 v62, v31;
	(erf) = vpow2.f32 v25  }
0x56: {  	v20 =	vld.idx.msk [tilespmem:v20+s22+$0x0], $0xffff;
	v63 =	vadd.s32 s2, v1;
	v32 =	vpop (erf)  }
0x57: {  	s4 =	sadd.s32 $0x3, s0;
	v27 =	vld.idx.msk [tilespmem:v27+s21+$0x0], $0xffff;
	v28 =	vmul.f32 $1.442695020e+00, v28;
	(erf) = vpow2.f32 v26;
	v48 =	vadd.f32 v32, v31  }
0x58: {  	v19 =	vld.idx.msk [tilespmem:v19+s22+$0x0], $0xffff;
	v49 =	vadd.s32 s4, v1;
	v33 =	vpop (erf)  }
0x59: {  	v34 =	vld.idx.msk [tilespmem:v18+s21+$0x0], $0xffff;
	v23 =	vmul.f32 $1.442695020e+00, v23;
	(erf) = vpow2.f32 v28;
	v26 =	vadd.f32 v33, v48  }
0x5a: {  	v21 =	vld.idx.msk [tilespmem:v21+s22+$0x0], $0xffff;
	v35 =	vpop (erf)  }
0x5b: {  	s5 =	sadd.s32 $0x4, s0;
	v24 =	vld.idx.msk [tilespmem:v24+s22+$0x0], $0xffff;
	v20 =	vmul.f32 $1.442695020e+00, v20;
	(erf) = vpow2.f32 v23;
	v23 =	vadd.f32 v35, v26  }
0x5c: {  	v50 =	vadd.s32 s5, v1;
	v36 =	vld.idx.msk [tilespmem:v63+s21+$0x0], $0xffff;
	v37 =	vpop (erf)  }
0x5d: {  	s4 =	sadd.s32 $0x5, s0;
	v19 =	vmul.f32 $1.442695020e+00, v19;
	v38 =	vld.idx.msk [tilespmem:v49+s21+$0x0], $0xffff;
	(erf) = vpow2.f32 v20;
	v20 =	vadd.f32 v37, v23  }
0x5e: {  	v51 =	vadd.s32 s4, v1;
	v29 =	vld.idx.msk [tilespmem:v29+s22+$0x0], $0xffff;
	v39 =	vpop (erf)  }
0x5f: {  	s5 =	sadd.s32 $0x6, s0;
	v21 =	vmul.f32 $1.442695020e+00, v21;
	(erf) = vpow2.f32 v19;
	v19 =	vadd.f32 v39, v20  }
0x60: {  	v27 =	vld.idx.msk [tilespmem:v27+s22+$0x0], $0xffff;
	v23 =	vadd.s32 s5, v1;
	v41 =	vpop (erf)  }
0x61: {  	s4 =	sadd.s32 $0x7, s0;
	v40 =	vld.idx.msk [tilespmem:v50+s21+$0x0], $0xffff;
	v24 =	vmul.f32 $1.442695020e+00, v24;
	(erf) = vpow2.f32 v21;
	v19 =	vadd.f32 v41, v19  }
0x62: {  	v20 =	vadd.s32 s4, v1;
	v21 =	vld.idx.msk [tilespmem:v34+s22+$0x0], $0xffff;
	v52 =	vpop (erf)  }
0x63: {  	v42 =	vld.idx.msk [tilespmem:v51+s21+$0x0], $0xffff;
	v29 =	vmul.f32 $1.442695020e+00, v29;
	(erf) = vpow2.f32 v24;
	v19 =	vadd.f32 v52, v19  }
0x64: {  	v53 =	vld.idx.msk [tilespmem:v36+s22+$0x0], $0xffff;
	v54 =	vpop (erf)  }
0x65: {  	v27 =	vmul.f32 $1.442695020e+00, v27;
	v43 =	vld.idx.msk [tilespmem:v23+s21+$0x0], $0xffff;
	(erf) = vpow2.f32 v29;
	v19 =	vadd.f32 v54, v19  }
0x66: {  	v55 =	vld.idx.msk [tilespmem:v38+s22+$0x0], $0xffff;
	v56 =	vpop (erf)  }
0x67: {  	v44 =	vld.idx.msk [tilespmem:v20+s21+$0x0], $0xffff;
	v21 =	vmul.f32 $1.442695020e+00, v21;
	(erf) = vpow2.f32 v27;
	v19 =	vadd.f32 v56, v19  }
0x68: {  	v58 =	vpop (erf)  }
0x69: {  	v57 =	vld.idx.msk [tilespmem:v40+s22+$0x0], $0xffff;
	v24 =	vmul.f32 $1.442695020e+00, v53;
	(erf) = vpow2.f32 v21;
	v19 =	vadd.f32 v58, v19  }
0x6a: {  	v59 =	vpop (erf)  }
0x6b: {  	v21 =	vld.idx.msk [tilespmem:v42+s22+$0x0], $0xffff;
	(erf) = vpow2.f32 v24;
	v19 =	vadd.f32 v59, v19  }
0x6c: {  	v29 =	vmul.f32 $1.442695020e+00, v55;
	v61 =	vpop (erf)  }
0x6d: {  	v60 =	vld.idx.msk [tilespmem:v43+s22+$0x0], $0xffff;
	v19 =	vadd.f32 v61, v19  }
0x6e: {  	[tilespmem:v8+s26+$0x0] =	vst.idx.msk $0xffff, v22;
	v27 =	vmul.f32 $1.442695020e+00, v57;
	(erf) = vpow2.f32 v29;
	v22 =	vpop (erf)  }
0x6f: {  	[tilespmem:v9+s26+$0x0] =	vst.idx.msk $0xffff, v62;
	v8 =	vld.idx.msk [tilespmem:v44+s22+$0x0], $0xffff;
	v19 =	vadd.f32 v22, v19  }
0x70: {  	[tilespmem:v4+s26+$0x0] =	vst.idx.msk $0xffff, v32;
	(erf) = vpow2.f32 v27;
	v9 =	vmul.f32 $1.442695020e+00, v21;
	v4 =	vpop (erf)  }
0x71: {  	[tilespmem:v7+s26+$0x0] =	vst.idx.msk $0xffff, v33;
	v7 =	vadd.f32 v4, v19  }
0x72: {  	[tilespmem:v5+s26+$0x0] =	vst.idx.msk $0xffff, v35;
	(erf) = vpow2.f32 v9;
	v9 =	vmul.f32 $1.442695020e+00, v60;
	v5 =	vpop (erf)  }
0x73: {  	v7 =	vadd.f32 v5, v7  }
0x74: {  	[tilespmem:v6+s26+$0x0] =	vst.idx.msk $0xffff, v39;
	(erf) = vpow2.f32 v9;
	v8 =	vmul.f32 $1.442695020e+00, v8;
	v6 =	vpop (erf)  }
0x75: {  	v7 =	vadd.f32 v6, v7  }
0x76: {  	[tilespmem:v10+s26+$0x0] =	vst.idx.msk $0xffff, v37;
	(erf) = vpow2.f32 v8  }
0x77: {  	[tilespmem:v2+s26+$0x0] =	vst.idx.msk $0xffff, v52;
	v2 =	vpop (erf)  }
0x78: {  	[tilespmem:v3+s26+$0x0] =	vst.idx.msk $0xffff, v54;
	v3 =	vadd.f32 v2, v7  }
0x79: {  	[tilespmem:v12+s26+$0x0] =	vst.idx.msk $0xffff, v41;
	v7 =	vpop (erf)  }
0x7a: {  	[tilespmem:v11+s26+$0x0] =	vst.idx.msk $0xffff, v56;
	v3 =	vadd.f32 v7, v3  }
0x7b: {  	[tilespmem:v13+s26+$0x0] =	vst.idx.msk $0xffff, v58;
	v8 =	vpop (erf)  }
0x7c: {  	[tilespmem:v14+s26+$0x0] =	vst.idx.msk $0xffff, v59;
	v3 =	vadd.f32 v8, v3  }
0x7d: {  	[tilespmem:v15+s26+$0x0] =	vst.idx.msk $0xffff, v61;
	v9 =	vpop (erf)  }
0x7e: {  	[tilespmem:v17+s26+$0x0] =	vst.idx.msk $0xffff, v22;
	v3 =	vadd.f32 v9, v3  }
0x7f: {  	[tilespmem:v16+s26+$0x0] =	vst.idx.msk $0xffff, v4;
	v4 =	vpop (erf)  }
0x80: {  	[tilespmem:v18+s26+$0x0] =	vst.idx.msk $0xffff, v5;
	v3 =	vadd.f32 v4, v3  }
0x81: {  	s5 =	simm.s32 $0x0;
	[tilespmem:v63+s26+$0x0] =	vst.idx.msk $0xffff, v6  }
0x82: {  	s2 =	simm.s32 $0x7;
	v14 =	vadd.s32 s5, v1;
	[tilespmem:v49+s26+$0x0] =	vst.idx.msk $0xffff, v2;
	(erf) = vrcp.f32 v3  }
0x83: {  	v62 =	vadd.s32 s2, v1;
	s4 =	simm.s32 $0x6;
	[tilespmem:v50+s26+$0x0] =	vst.idx.msk $0xffff, v7  }
0x84: {  	v10 =	vadd.s32 s4, v1;
	s5 =	simm.s32 $0x5;
	[tilespmem:v51+s26+$0x0] =	vst.idx.msk $0xffff, v8  }
0x85: {  	s4 =	simm.s32 $0x4;
	v6 =	vadd.s32 s5, v1;
	[tilespmem:v23+s26+$0x0] =	vst.idx.msk $0xffff, v9  }
0x86: {  	s5 =	simm.s32 $0x3;
	v7 =	vadd.s32 s4, v1;
	[tilespmem:v20+s26+$0x0] =	vst.idx.msk $0xffff, v4  }
0x87: {  	v8 =	vadd.s32 s5, v1;
	s5 =	simm.s32 $0x1;
	v11 =	vld.idx.msk [tilespmem:v14+s26+$0x0], $0xffff  }
0x88: {  	s4 =	simm.s32 $0x2;
	v12 =	vld.idx.msk [tilespmem:v62+s26+$0x0], $0xffff;
	v4 =	vadd.s32 s5, v1  }
0x89: {  	v15 =	vld.idx.msk [tilespmem:v10+s26+$0x0], $0xffff;
	v3 =	vadd.s32 s4, v1;
	s4 =	simm.s32 $0x8  }
0x8a: {  	v23 =	vld.idx.msk [tilespmem:v6+s26+$0x0], $0xffff;
	s5 =	simm.s32 $0xF;
	v9 =	vadd.s32 s4, v1  }
0x8b: {  	s2 =	simm.s32 $0xE;
	v19 =	vld.idx.msk [tilespmem:v7+s26+$0x0], $0xffff;
	v5 =	vadd.s32 s5, v1;
	v2 =	vpop (erf)  }
0x8c: {  	v16 =	vld.idx.msk [tilespmem:v8+s26+$0x0], $0xffff;
	s4 =	simm.s32 $0xD;
	v21 =	vmul.f32 v11, v2;
	v11 =	vadd.s32 s2, v1  }
0x8d: {  	s5 =	simm.s32 $0xC;
	v18 =	vld.idx.msk [tilespmem:v4+s26+$0x0], $0xffff;
	v63 =	vmul.f32 v12, v2;
	v12 =	vadd.s32 s4, v1  }
0x8e: {  	v13 =	vadd.s32 s5, v1;
	v17 =	vld.idx.msk [tilespmem:v3+s26+$0x0], $0xffff;
	s4 =	simm.s32 $0xB  }
0x8f: {  	s5 =	simm.s32 $0xA;
	v20 =	vld.idx.msk [tilespmem:v9+s26+$0x0], $0xffff;
	v22 =	vmul.f32 v15, v2;
	[tilespmem:v14+s26+$0x0] =	vst.idx.msk $0xffff, v21;
	v14 =	vadd.s32 s4, v1  }
0x90: {  	s0 =	simm.s32 $0x10;
	s2 =	simm.s32 $0x9;
	v15 =	vadd.s32 s5, v1;
	v23 =	vmul.f32 v23, v2;
	v21 =	vld.idx.msk [tilespmem:v5+s26+$0x0], $0xffff;
	[tilespmem:v62+s26+$0x0] =	vst.idx.msk $0xffff, v63  }
.LBB2_4:
0x91: {  	p1 =	slt.u32 s0, $0xC0;
	v24 =	vadd.s32 s2, v1;
	v25 =	vld.idx.msk [tilespmem:v11+s26+$0x0], $0xffff;
	v26 =	vmul.f32 v19, v2;
	[tilespmem:v10+s26+$0x0] =	vst.idx.msk $0xffff, v22;
	v10 =	vmov v11  }
0x92: {  	v27 =	vadd.s32 s0, v1;
	s2 =	sadd.s32 $0x7, s0;
	v22 =	vmul.f32 v16, v2;
	v28 =	vld.idx.msk [tilespmem:v12+s26+$0x0], $0xffff;
	[tilespmem:v6+s26+$0x0] =	vst.idx.msk $0xffff, v23;
	v6 =	vmov v12  }
0x93: {  	s4 =	sadd.s32 $0x6, s0;
	v29 =	vadd.s32 s2, v1;
	v23 =	vmul.f32 v17, v2;
	v19 =	vld.idx.msk [tilespmem:v13+s26+$0x0], $0xffff;
	[tilespmem:v7+s26+$0x0] =	vst.idx.msk $0xffff, v26;
	v7 =	vmov v13  }
.Ltmp1:
0x94: {  	s2 =	sadd.s32 $0x5, s0;
	v11 =	vadd.s32 s4, v1;
	v26 =	vmul.f32 v18, v2;
	v16 =	vld.idx.msk [tilespmem:v14+s26+$0x0], $0xffff;
	[tilespmem:v8+s26+$0x0] =	vst.idx.msk $0xffff, v22;
	v8 =	vmov v14;
	(pc) =	sbr.rel @p1 .LBB2_4-.Ltmp1, $4  }
0x95: {  	s4 =	sadd.s32 $0x4, s0;
	v12 =	vadd.s32 s2, v1;
	v22 =	vmul.f32 v20, v2;
	v17 =	vld.idx.msk [tilespmem:v15+s26+$0x0], $0xffff;
	[tilespmem:v3+s26+$0x0] =	vst.idx.msk $0xffff, v23;
	v3 =	vmov v15  }
0x96: {  	s2 =	sadd.s32 $0x3, s0;
	v13 =	vadd.s32 s4, v1;
	v30 =	vmul.f32 v21, v2;
	v18 =	vld.idx.msk [tilespmem:v24+s26+$0x0], $0xffff;
	[tilespmem:v4+s26+$0x0] =	vst.idx.msk $0xffff, v26;
	v4 =	vmov v24  }
0x97: {  	s4 =	sadd.s32 $0x2, s0;
	v14 =	vadd.s32 s2, v1;
	v20 =	vld.idx.msk [tilespmem:v27+s26+$0x0], $0xffff;
	[tilespmem:v9+s26+$0x0] =	vst.idx.msk $0xffff, v22;
	v22 =	vmul.f32 v25, v2;
	v9 =	vmov v27  }
0x98: {  	s2 =	sadd.s32 $0x1, s0;
	s0 =	sadd.s32 $0x8, s0;
	v15 =	vadd.s32 s4, v1;
	v23 =	vmul.f32 v28, v2;
	v21 =	vld.idx.msk [tilespmem:v29+s26+$0x0], $0xffff;
	[tilespmem:v5+s26+$0x0] =	vst.idx.msk $0xffff, v30;
	v5 =	vmov v29  }
0x99: {  	_ =	sdelay $0x3  }
0x9a: {  	v19 =	vmul.f32 v19, v2;
	[tilespmem:v10+s26+$0x0] =	vst.idx.msk $0xffff, v22  }
0x9b: {  	v10 =	vadd.s32 s2, v1;
	v22 =	vld.idx.msk [tilespmem:v11+s26+$0x0], $0xffff;
	v16 =	vmul.f32 v16, v2;
	[tilespmem:v6+s26+$0x0] =	vst.idx.msk $0xffff, v23  }
0x9c: {  	v6 =	vld.idx.msk [tilespmem:v12+s26+$0x0], $0xffff;
	v17 =	vmul.f32 v17, v2;
	[tilespmem:v7+s26+$0x0] =	vst.idx.msk $0xffff, v19  }
0x9d: {  	v7 =	vld.idx.msk [tilespmem:v13+s26+$0x0], $0xffff;
	v18 =	vmul.f32 v18, v2;
	[tilespmem:v8+s26+$0x0] =	vst.idx.msk $0xffff, v16  }
0x9e: {  	v8 =	vld.idx.msk [tilespmem:v14+s26+$0x0], $0xffff;
	v16 =	vmul.f32 v20, v2;
	[tilespmem:v3+s26+$0x0] =	vst.idx.msk $0xffff, v17  }
0x9f: {  	v3 =	vld.idx.msk [tilespmem:v15+s26+$0x0], $0xffff;
	v17 =	vmul.f32 v21, v2;
	[tilespmem:v4+s26+$0x0] =	vst.idx.msk $0xffff, v18  }
0xa0: {  	v4 =	vld.idx.msk [tilespmem:v10+s26+$0x0], $0xffff;
	[tilespmem:v9+s26+$0x0] =	vst.idx.msk $0xffff, v16;
	v9 =	vmul.f32 v22, v2  }
0xa1: {  	v6 =	vmul.f32 v6, v2;
	[tilespmem:v5+s26+$0x0] =	vst.idx.msk $0xffff, v17  }
0xa2: {  	v5 =	vmul.f32 v7, v2;
	[tilespmem:v11+s26+$0x0] =	vst.idx.msk $0xffff, v9  }
0xa3: {  	v7 =	vmul.f32 v8, v2;
	[tilespmem:v12+s26+$0x0] =	vst.idx.msk $0xffff, v6  }
0xa4: {  	v3 =	vmul.f32 v3, v2;
	[tilespmem:v13+s26+$0x0] =	vst.idx.msk $0xffff, v5  }
0xa5: {  	[tilespmem:v14+s26+$0x0] =	vst.idx.msk $0xffff, v7;
	v2 =	vmul.f32 v4, v2  }
0xa6: {  	[tilespmem:v15+s26+$0x0] =	vst.idx.msk $0xffff, v3  }
0xa7: {  	s0 =	simm.s32 $0x0;
	[tilespmem:v10+s26+$0x0] =	vst.idx.msk $0xffff, v2  }
0xa8: {  	v16 =	vadd.s32 s0, v1;
	[hbm4b:s6+s0] =	stream.linear.scatter [tilespmem:s26], [sflag:$0x3], $0xC80, $0x38;
	[tilespmem:$0x1D170] =	vst v63  }
0xa9: {  	_ =	swait.ge [sflag:s28], $0xC80  }
0xaa: {  	s4 =	simm.s32 $0x1;
	[sflag:s28] =	ssyncset.done $0x0  }
0xab: {  	s5 =	simm.s32 $0x2;
	v8 =	vadd.s32 s4, v1;
	s4 =	simm.s32 $0x3;
	[sflag:s28] =	ssyncadd.s32 $0xFFFFF380  }
0xac: {  	v9 =	vadd.s32 s5, v1;
	[tilespmem:s21], [sflag:$0x1] =	stream.linear.gather [hbm4b:s7+s0], $0xC80, $0x38;
	[tilespmem:$0x1D170] =	vst v63  }
0xad: {  	s5 =	simm.s32 $0x4;
	v4 =	vadd.s32 s4, v1;
	v2 =	vld.idx.msk [tilespmem:v16+s25+$0x0], $0xffff  }
0xae: {  	s2 =	simm.s32 $0x5;
	v7 =	vadd.s32 s5, v1  }
0xaf: {  	v5 =	vadd.s32 s2, v1  }
0xb0: {  	s5 =	simm.s32 $0x7;
	v3 =	vld.idx.msk [tilespmem:v8+s25+$0x0], $0xffff  }
0xb1: {  	s4 =	simm.s32 $0x6;
	v6 =	vadd.s32 s5, v1;
	v11 =	vld.idx.msk [tilespmem:v9+s25+$0x0], $0xffff  }
0xb2: {  	v10 =	vadd.s32 s4, v1;
	v13 =	vld.idx.msk [tilespmem:v4+s25+$0x0], $0xffff  }
0xb3: {  	s2 =	simm.s32 $0x8;
	v14 =	vld.idx.msk [tilespmem:v7+s25+$0x0], $0xffff  }
0xb4: {  	v12 =	vadd.s32 s2, v1;
	v17 =	vld.idx.msk [tilespmem:v5+s25+$0x0], $0xffff  }
0xb5: {  	v15 =	vld.idx.msk [tilespmem:v2+s22+$0x0], $0xffff  }
0xb6: {  	v22 =	vld.idx.msk [tilespmem:v6+s25+$0x0], $0xffff  }
0xb7: {  	v19 =	vld.idx.msk [tilespmem:v10+s25+$0x0], $0xffff  }
0xb8: {  	v18 =	vld.idx.msk [tilespmem:v3+s22+$0x0], $0xffff  }
0xb9: {  	s4 =	simm.s32 $0x9;
	v26 =	vld.idx.msk [tilespmem:v12+s25+$0x0], $0xffff  }
0xba: {  	s5 =	simm.s32 $0xA;
	v2 =	vadd.s32 s4, v1;
	v21 =	vld.idx.msk [tilespmem:v11+s22+$0x0], $0xffff;
	v15 =	vmul.f32 $1.442695020e+00, v15  }
0xbb: {  	v3 =	vadd.s32 s5, v1;
	v24 =	vld.idx.msk [tilespmem:v13+s22+$0x0], $0xffff  }
0xbc: {  	v27 =	vld.idx.msk [tilespmem:v14+s22+$0x0], $0xffff;
	(erf) = vpow2.f32 v15  }
0xbd: {  	s2 =	simm.s32 $0xB;
	v17 =	vld.idx.msk [tilespmem:v17+s22+$0x0], $0xffff;
	v18 =	vmul.f32 $1.442695020e+00, v18  }
0xbe: {  	v11 =	vadd.s32 s2, v1;
	v25 =	vld.idx.msk [tilespmem:v22+s22+$0x0], $0xffff  }
0xbf: {  	s4 =	simm.s32 $0xC;
	v28 =	vld.idx.msk [tilespmem:v2+s25+$0x0], $0xffff;
	v21 =	vmul.f32 $1.442695020e+00, v21;
	(erf) = vpow2.f32 v18  }
0xc0: {  	s5 =	simm.s32 $0xD;
	v13 =	vadd.s32 s4, v1;
	v23 =	vld.idx.msk [tilespmem:v3+s25+$0x0], $0xffff  }
0xc1: {  	v14 =	vadd.s32 s5, v1;
	v22 =	vmul.f32 $1.442695020e+00, v24;
	v18 =	vld.idx.msk [tilespmem:v19+s22+$0x0], $0xffff;
	(erf) = vpow2.f32 v21  }
0xc2: {  	s2 =	simm.s32 $0xE  }
0xc3: {  	v20 =	vld.idx.msk [tilespmem:v11+s25+$0x0], $0xffff;
	v27 =	vmul.f32 $1.442695020e+00, v27;
	v15 =	vadd.s32 s2, v1;
	(erf) = vpow2.f32 v22  }
0xc4: {  	v26 =	vld.idx.msk [tilespmem:v26+s22+$0x0], $0xffff;
	s4 =	simm.s32 $0xF;
	v17 =	vmul.f32 $1.442695020e+00, v17  }
0xc5: {  	v29 =	vadd.s32 s4, v1;
	v19 =	vld.idx.msk [tilespmem:v13+s25+$0x0], $0xffff;
	v22 =	vpop (erf);
	(erf) = vpow2.f32 v27  }
0xc6: {  	s0 =	simm.s32 $0x10;
	v24 =	vimm.f32 $0.0e+00;
	v21 =	vld.idx.msk [tilespmem:v14+s25+$0x0], $0xffff;
	v30 =	vmul.f32 $1.442695020e+00, v18  }
0xc7: {  	s5 =	simm.s32 $0x11;
	v28 =	vld.idx.msk [tilespmem:v28+s22+$0x0], $0xffff;
	v27 =	vadd.s32 s0, v1;
	v31 =	vadd.f32 v22, v24;
	(erf) = vpow2.f32 v17  }
0xc8: {  	s2 =	simm.s32 $0x18;
	v18 =	vadd.s32 s5, v1;
	[tilespmem:v16+s29+$0x0] =	vst.idx.msk $0xffff, v22;
	v24 =	vld.idx.msk [tilespmem:v15+s25+$0x0], $0xffff;
	v22 =	vpop (erf);
	v17 =	vmov v29;
	v16 =	vmov v27  }
.LBB2_6:
0xc9: {  	p1 =	slt.u32 s2, $0xC0;
	s4 =	sadd.s32 $0x2, s0;
	v23 =	vld.idx.msk [tilespmem:v23+s22+$0x0], $0xffff;
	[tilespmem:v8+s29+$0x0] =	vst.idx.msk $0xffff, v22;
	v22 =	vadd.f32 v22, v31;
	v25 =	vmul.f32 $1.442695020e+00, v25;
	(erf) = vpow2.f32 v30  }
0xca: {  	v8 =	vmov v2;
	v2 =	vmov v18;
	v30 =	vadd.s32 s4, v1;
	v29 =	vld.idx.msk [tilespmem:v29+s25+$0x0], $0xffff;
	v31 =	vpop (erf)  }
0xcb: {  	s4 =	sadd.s32 $0x3, s0;
	v26 =	vmul.f32 $1.442695020e+00, v26;
	v20 =	vld.idx.msk [tilespmem:v20+s22+$0x0], $0xffff;
	[tilespmem:v9+s29+$0x0] =	vst.idx.msk $0xffff, v31;
	v22 =	vadd.f32 v31, v22;
	(erf) = vpow2.f32 v25  }
0xcc: {  	v25 =	vadd.s32 s4, v1;
	v9 =	vmov v3;
	v3 =	vmov v30;
	v27 =	vld.idx.msk [tilespmem:v27+s25+$0x0], $0xffff;
	v31 =	vpop (erf)  }
0xcd: {  	s4 =	sadd.s32 $0x4, s0;
	v28 =	vmul.f32 $1.442695020e+00, v28;
	v19 =	vld.idx.msk [tilespmem:v19+s22+$0x0], $0xffff;
	(erf) = vpow2.f32 v26;
	[tilespmem:v4+s29+$0x0] =	vst.idx.msk $0xffff, v31;
	v22 =	vadd.f32 v31, v22  }
0xce: {  	v26 =	vadd.s32 s4, v1;
	v4 =	vmov v11;
	v11 =	vmov v25;
	v18 =	vld.idx.msk [tilespmem:v18+s25+$0x0], $0xffff;
	v31 =	vpop (erf)  }
0xcf: {  	s4 =	sadd.s32 $0x5, s0;
	v32 =	vmul.f32 $1.442695020e+00, v23;
	v21 =	vld.idx.msk [tilespmem:v21+s22+$0x0], $0xffff;
	(erf) = vpow2.f32 v28;
	[tilespmem:v7+s29+$0x0] =	vst.idx.msk $0xffff, v31;
	v22 =	vadd.f32 v31, v22  }
0xd0: {  	v28 =	vadd.s32 s4, v1;
	v7 =	vmov v13;
	v13 =	vmov v26;
	v23 =	vld.idx.msk [tilespmem:v30+s25+$0x0], $0xffff;
	v30 =	vpop (erf)  }
0xd1: {  	s4 =	sadd.s32 $0x6, s0;
	v31 =	vmul.f32 $1.442695020e+00, v20;
	v24 =	vld.idx.msk [tilespmem:v24+s22+$0x0], $0xffff;
	(erf) = vpow2.f32 v32;
	[tilespmem:v5+s29+$0x0] =	vst.idx.msk $0xffff, v30;
	v22 =	vadd.f32 v30, v22  }
0xd2: {  	v32 =	vadd.s32 s4, v1;
	v5 =	vmov v14;
	v14 =	vmov v28;
	v20 =	vld.idx.msk [tilespmem:v25+s25+$0x0], $0xffff;
	v30 =	vpop (erf)  }
0xd3: {  	s4 =	sadd.s32 $0x7, s0;
	s0 =	smov.u32 s2;
	v33 =	vmul.f32 $1.442695020e+00, v19;
	v25 =	vld.idx.msk [tilespmem:v29+s22+$0x0], $0xffff;
	(erf) = vpow2.f32 v31;
	[tilespmem:v10+s29+$0x0] =	vst.idx.msk $0xffff, v30;
	v22 =	vadd.f32 v30, v22  }
.Ltmp2:
0xd4: {  	v29 =	vadd.s32 s4, v1;
	v10 =	vmov v15;
	v15 =	vmov v32;
	v19 =	vld.idx.msk [tilespmem:v26+s25+$0x0], $0xffff;
	v30 =	vpop (erf);
	(pc) =	sbr.rel @p1 .LBB2_6-.Ltmp2, $4  }
0xd5: {  	v34 =	vmul.f32 $1.442695020e+00, v21;
	v26 =	vld.idx.msk [tilespmem:v27+s22+$0x0], $0xffff;
	(erf) = vpow2.f32 v33;
	[tilespmem:v6+s29+$0x0] =	vst.idx.msk $0xffff, v30;
	v33 =	vadd.f32 v30, v22  }
0xd6: {  	v27 =	vadd.s32 s2, v1;
	v6 =	vmov v17;
	v17 =	vmov v29;
	v21 =	vld.idx.msk [tilespmem:v28+s25+$0x0], $0xffff;
	v30 =	vpop (erf)  }
0xd7: {  	s4 =	sadd.s32 $0x1, s2;
	v28 =	vld.idx.msk [tilespmem:v18+s22+$0x0], $0xffff;
	[tilespmem:v12+s29+$0x0] =	vst.idx.msk $0xffff, v30;
	v31 =	vadd.f32 v30, v33;
	v30 =	vmul.f32 $1.442695020e+00, v24;
	(erf) = vpow2.f32 v34  }
0xd8: {  	s2 =	sadd.s32 $0x8, s2;
	v18 =	vadd.s32 s4, v1;
	v12 =	vmov v16;
	v16 =	vmov v27;
	v24 =	vld.idx.msk [tilespmem:v32+s25+$0x0], $0xffff;
	v22 =	vpop (erf)  }
0xd9: {  	_ =	sdelay $0x2  }
0xda: {  	v31 =	vadd.f32 v22, v31;
	v25 =	vmul.f32 $1.442695020e+00, v25;
	(erf) = vpow2.f32 v30  }
0xdb: {  	v23 =	vld.idx.msk [tilespmem:v23+s22+$0x0], $0xffff;
	v62 =	vpop (erf)  }
0xdc: {  	s2 =	sadd.s32 $0x2, s0;
	v29 =	vld.idx.msk [tilespmem:v29+s25+$0x0], $0xffff;
	v26 =	vmul.f32 $1.442695020e+00, v26;
	v31 =	vadd.f32 v62, v31;
	(erf) = vpow2.f32 v25  }
0xdd: {  	v20 =	vld.idx.msk [tilespmem:v20+s22+$0x0], $0xffff;
	v63 =	vadd.s32 s2, v1;
	v32 =	vpop (erf)  }
0xde: {  	s4 =	sadd.s32 $0x3, s0;
	v27 =	vld.idx.msk [tilespmem:v27+s25+$0x0], $0xffff;
	v28 =	vmul.f32 $1.442695020e+00, v28;
	(erf) = vpow2.f32 v26;
	v48 =	vadd.f32 v32, v31  }
0xdf: {  	v19 =	vld.idx.msk [tilespmem:v19+s22+$0x0], $0xffff;
	v49 =	vadd.s32 s4, v1;
	v33 =	vpop (erf)  }
0xe0: {  	v34 =	vld.idx.msk [tilespmem:v18+s25+$0x0], $0xffff;
	v23 =	vmul.f32 $1.442695020e+00, v23;
	(erf) = vpow2.f32 v28;
	v26 =	vadd.f32 v33, v48  }
0xe1: {  	v21 =	vld.idx.msk [tilespmem:v21+s22+$0x0], $0xffff;
	v35 =	vpop (erf)  }
0xe2: {  	s5 =	sadd.s32 $0x4, s0;
	v24 =	vld.idx.msk [tilespmem:v24+s22+$0x0], $0xffff;
	v20 =	vmul.f32 $1.442695020e+00, v20;
	(erf) = vpow2.f32 v23;
	v23 =	vadd.f32 v35, v26  }
0xe3: {  	v50 =	vadd.s32 s5, v1;
	v36 =	vld.idx.msk [tilespmem:v63+s25+$0x0], $0xffff;
	v37 =	vpop (erf)  }
0xe4: {  	s4 =	sadd.s32 $0x5, s0;
	v19 =	vmul.f32 $1.442695020e+00, v19;
	v38 =	vld.idx.msk [tilespmem:v49+s25+$0x0], $0xffff;
	(erf) = vpow2.f32 v20;
	v20 =	vadd.f32 v37, v23  }
0xe5: {  	v51 =	vadd.s32 s4, v1;
	v29 =	vld.idx.msk [tilespmem:v29+s22+$0x0], $0xffff;
	v39 =	vpop (erf)  }
0xe6: {  	s5 =	sadd.s32 $0x6, s0;
	v21 =	vmul.f32 $1.442695020e+00, v21;
	(erf) = vpow2.f32 v19;
	v19 =	vadd.f32 v39, v20  }
0xe7: {  	v27 =	vld.idx.msk [tilespmem:v27+s22+$0x0], $0xffff;
	v23 =	vadd.s32 s5, v1;
	v41 =	vpop (erf)  }
0xe8: {  	s4 =	sadd.s32 $0x7, s0;
	v40 =	vld.idx.msk [tilespmem:v50+s25+$0x0], $0xffff;
	v24 =	vmul.f32 $1.442695020e+00, v24;
	(erf) = vpow2.f32 v21;
	v19 =	vadd.f32 v41, v19  }
0xe9: {  	v20 =	vadd.s32 s4, v1;
	v21 =	vld.idx.msk [tilespmem:v34+s22+$0x0], $0xffff;
	v52 =	vpop (erf)  }
0xea: {  	v42 =	vld.idx.msk [tilespmem:v51+s25+$0x0], $0xffff;
	v29 =	vmul.f32 $1.442695020e+00, v29;
	(erf) = vpow2.f32 v24;
	v19 =	vadd.f32 v52, v19  }
0xeb: {  	v53 =	vld.idx.msk [tilespmem:v36+s22+$0x0], $0xffff;
	v54 =	vpop (erf)  }
0xec: {  	v27 =	vmul.f32 $1.442695020e+00, v27;
	v43 =	vld.idx.msk [tilespmem:v23+s25+$0x0], $0xffff;
	(erf) = vpow2.f32 v29;
	v19 =	vadd.f32 v54, v19  }
0xed: {  	v55 =	vld.idx.msk [tilespmem:v38+s22+$0x0], $0xffff;
	v56 =	vpop (erf)  }
0xee: {  	v44 =	vld.idx.msk [tilespmem:v20+s25+$0x0], $0xffff;
	v21 =	vmul.f32 $1.442695020e+00, v21;
	(erf) = vpow2.f32 v27;
	v19 =	vadd.f32 v56, v19  }
0xef: {  	v58 =	vpop (erf)  }
0xf0: {  	v57 =	vld.idx.msk [tilespmem:v40+s22+$0x0], $0xffff;
	v24 =	vmul.f32 $1.442695020e+00, v53;
	(erf) = vpow2.f32 v21;
	v19 =	vadd.f32 v58, v19  }
0xf1: {  	v59 =	vpop (erf)  }
0xf2: {  	v21 =	vld.idx.msk [tilespmem:v42+s22+$0x0], $0xffff;
	(erf) = vpow2.f32 v24;
	v19 =	vadd.f32 v59, v19  }
0xf3: {  	v29 =	vmul.f32 $1.442695020e+00, v55;
	v61 =	vpop (erf)  }
0xf4: {  	v60 =	vld.idx.msk [tilespmem:v43+s22+$0x0], $0xffff;
	v19 =	vadd.f32 v61, v19  }
0xf5: {  	[tilespmem:v8+s29+$0x0] =	vst.idx.msk $0xffff, v22;
	v27 =	vmul.f32 $1.442695020e+00, v57;
	(erf) = vpow2.f32 v29;
	v22 =	vpop (erf)  }
0xf6: {  	[tilespmem:v9+s29+$0x0] =	vst.idx.msk $0xffff, v62;
	v8 =	vld.idx.msk [tilespmem:v44+s22+$0x0], $0xffff;
	v19 =	vadd.f32 v22, v19  }
0xf7: {  	[tilespmem:v4+s29+$0x0] =	vst.idx.msk $0xffff, v32;
	(erf) = vpow2.f32 v27;
	v9 =	vmul.f32 $1.442695020e+00, v21;
	v4 =	vpop (erf)  }
0xf8: {  	[tilespmem:v7+s29+$0x0] =	vst.idx.msk $0xffff, v33;
	v7 =	vadd.f32 v4, v19  }
0xf9: {  	[tilespmem:v5+s29+$0x0] =	vst.idx.msk $0xffff, v35;
	(erf) = vpow2.f32 v9;
	v9 =	vmul.f32 $1.442695020e+00, v60;
	v5 =	vpop (erf)  }
0xfa: {  	v7 =	vadd.f32 v5, v7  }
0xfb: {  	[tilespmem:v6+s29+$0x0] =	vst.idx.msk $0xffff, v39;
	(erf) = vpow2.f32 v9;
	v8 =	vmul.f32 $1.442695020e+00, v8;
	v6 =	vpop (erf)  }
0xfc: {  	v7 =	vadd.f32 v6, v7  }
0xfd: {  	[tilespmem:v10+s29+$0x0] =	vst.idx.msk $0xffff, v37;
	(erf) = vpow2.f32 v8  }
0xfe: {  	[tilespmem:v2+s29+$0x0] =	vst.idx.msk $0xffff, v52;
	v2 =	vpop (erf)  }
0xff: {  	[tilespmem:v3+s29+$0x0] =	vst.idx.msk $0xffff, v54;
	v3 =	vadd.f32 v2, v7  }
0x100: {  	[tilespmem:v12+s29+$0x0] =	vst.idx.msk $0xffff, v41;
	v7 =	vpop (erf)  }
0x101: {  	[tilespmem:v11+s29+$0x0] =	vst.idx.msk $0xffff, v56;
	v3 =	vadd.f32 v7, v3  }
0x102: {  	[tilespmem:v13+s29+$0x0] =	vst.idx.msk $0xffff, v58;
	v8 =	vpop (erf)  }
0x103: {  	[tilespmem:v14+s29+$0x0] =	vst.idx.msk $0xffff, v59;
	v3 =	vadd.f32 v8, v3  }
0x104: {  	[tilespmem:v15+s29+$0x0] =	vst.idx.msk $0xffff, v61;
	v9 =	vpop (erf)  }
0x105: {  	[tilespmem:v17+s29+$0x0] =	vst.idx.msk $0xffff, v22;
	v3 =	vadd.f32 v9, v3  }
0x106: {  	[tilespmem:v16+s29+$0x0] =	vst.idx.msk $0xffff, v4;
	v4 =	vpop (erf)  }
0x107: {  	[tilespmem:v18+s29+$0x0] =	vst.idx.msk $0xffff, v5;
	v3 =	vadd.f32 v4, v3  }
0x108: {  	s5 =	simm.s32 $0x0;
	[tilespmem:v63+s29+$0x0] =	vst.idx.msk $0xffff, v6  }
0x109: {  	s2 =	simm.s32 $0x7;
	v14 =	vadd.s32 s5, v1;
	[tilespmem:v49+s29+$0x0] =	vst.idx.msk $0xffff, v2;
	(erf) = vrcp.f32 v3  }
0x10a: {  	v62 =	vadd.s32 s2, v1;
	s4 =	simm.s32 $0x6;
	[tilespmem:v50+s29+$0x0] =	vst.idx.msk $0xffff, v7  }
0x10b: {  	v10 =	vadd.s32 s4, v1;
	s5 =	simm.s32 $0x5;
	[tilespmem:v51+s29+$0x0] =	vst.idx.msk $0xffff, v8  }
0x10c: {  	s4 =	simm.s32 $0x4;
	v6 =	vadd.s32 s5, v1;
	[tilespmem:v23+s29+$0x0] =	vst.idx.msk $0xffff, v9  }
0x10d: {  	s5 =	simm.s32 $0x3;
	v7 =	vadd.s32 s4, v1;
	[tilespmem:v20+s29+$0x0] =	vst.idx.msk $0xffff, v4  }
0x10e: {  	v8 =	vadd.s32 s5, v1;
	s5 =	simm.s32 $0x1;
	v11 =	vld.idx.msk [tilespmem:v14+s29+$0x0], $0xffff  }
0x10f: {  	s4 =	simm.s32 $0x2;
	v12 =	vld.idx.msk [tilespmem:v62+s29+$0x0], $0xffff;
	v4 =	vadd.s32 s5, v1  }
0x110: {  	v15 =	vld.idx.msk [tilespmem:v10+s29+$0x0], $0xffff;
	v3 =	vadd.s32 s4, v1;
	s4 =	simm.s32 $0x8  }
0x111: {  	v23 =	vld.idx.msk [tilespmem:v6+s29+$0x0], $0xffff;
	s5 =	simm.s32 $0xF;
	v9 =	vadd.s32 s4, v1  }
0x112: {  	s2 =	simm.s32 $0xE;
	v19 =	vld.idx.msk [tilespmem:v7+s29+$0x0], $0xffff;
	v5 =	vadd.s32 s5, v1;
	v2 =	vpop (erf)  }
0x113: {  	v16 =	vld.idx.msk [tilespmem:v8+s29+$0x0], $0xffff;
	s4 =	simm.s32 $0xD;
	v21 =	vmul.f32 v11, v2;
	v11 =	vadd.s32 s2, v1  }
0x114: {  	s5 =	simm.s32 $0xC;
	v18 =	vld.idx.msk [tilespmem:v4+s29+$0x0], $0xffff;
	v63 =	vmul.f32 v12, v2;
	v12 =	vadd.s32 s4, v1  }
0x115: {  	v13 =	vadd.s32 s5, v1;
	v17 =	vld.idx.msk [tilespmem:v3+s29+$0x0], $0xffff;
	s4 =	simm.s32 $0xB  }
0x116: {  	s5 =	simm.s32 $0xA;
	v20 =	vld.idx.msk [tilespmem:v9+s29+$0x0], $0xffff;
	v22 =	vmul.f32 v15, v2;
	[tilespmem:v14+s29+$0x0] =	vst.idx.msk $0xffff, v21;
	v14 =	vadd.s32 s4, v1  }
0x117: {  	s0 =	simm.s32 $0x10;
	s2 =	simm.s32 $0x9;
	v15 =	vadd.s32 s5, v1;
	v23 =	vmul.f32 v23, v2;
	v21 =	vld.idx.msk [tilespmem:v5+s29+$0x0], $0xffff;
	[tilespmem:v62+s29+$0x0] =	vst.idx.msk $0xffff, v63  }
.LBB2_8:
0x118: {  	p1 =	slt.u32 s0, $0xC0;
	v24 =	vadd.s32 s2, v1;
	v25 =	vld.idx.msk [tilespmem:v11+s29+$0x0], $0xffff;
	v26 =	vmul.f32 v19, v2;
	[tilespmem:v10+s29+$0x0] =	vst.idx.msk $0xffff, v22;
	v10 =	vmov v11  }
0x119: {  	v27 =	vadd.s32 s0, v1;
	s2 =	sadd.s32 $0x7, s0;
	v22 =	vmul.f32 v16, v2;
	v28 =	vld.idx.msk [tilespmem:v12+s29+$0x0], $0xffff;
	[tilespmem:v6+s29+$0x0] =	vst.idx.msk $0xffff, v23;
	v6 =	vmov v12  }
0x11a: {  	s4 =	sadd.s32 $0x6, s0;
	v29 =	vadd.s32 s2, v1;
	v23 =	vmul.f32 v17, v2;
	v19 =	vld.idx.msk [tilespmem:v13+s29+$0x0], $0xffff;
	[tilespmem:v7+s29+$0x0] =	vst.idx.msk $0xffff, v26;
	v7 =	vmov v13  }
.Ltmp3:
0x11b: {  	s2 =	sadd.s32 $0x5, s0;
	v11 =	vadd.s32 s4, v1;
	v26 =	vmul.f32 v18, v2;
	v16 =	vld.idx.msk [tilespmem:v14+s29+$0x0], $0xffff;
	[tilespmem:v8+s29+$0x0] =	vst.idx.msk $0xffff, v22;
	v8 =	vmov v14;
	(pc) =	sbr.rel @p1 .LBB2_8-.Ltmp3, $4  }
0x11c: {  	s4 =	sadd.s32 $0x4, s0;
	v12 =	vadd.s32 s2, v1;
	v22 =	vmul.f32 v20, v2;
	v17 =	vld.idx.msk [tilespmem:v15+s29+$0x0], $0xffff;
	[tilespmem:v3+s29+$0x0] =	vst.idx.msk $0xffff, v23;
	v3 =	vmov v15  }
0x11d: {  	s2 =	sadd.s32 $0x3, s0;
	v13 =	vadd.s32 s4, v1;
	v30 =	vmul.f32 v21, v2;
	v18 =	vld.idx.msk [tilespmem:v24+s29+$0x0], $0xffff;
	[tilespmem:v4+s29+$0x0] =	vst.idx.msk $0xffff, v26;
	v4 =	vmov v24  }
0x11e: {  	s4 =	sadd.s32 $0x2, s0;
	v14 =	vadd.s32 s2, v1;
	v20 =	vld.idx.msk [tilespmem:v27+s29+$0x0], $0xffff;
	[tilespmem:v9+s29+$0x0] =	vst.idx.msk $0xffff, v22;
	v22 =	vmul.f32 v25, v2;
	v9 =	vmov v27  }
0x11f: {  	s2 =	sadd.s32 $0x1, s0;
	s0 =	sadd.s32 $0x8, s0;
	v15 =	vadd.s32 s4, v1;
	v23 =	vmul.f32 v28, v2;
	v21 =	vld.idx.msk [tilespmem:v29+s29+$0x0], $0xffff;
	[tilespmem:v5+s29+$0x0] =	vst.idx.msk $0xffff, v30;
	v5 =	vmov v29  }
0x120: {  	_ =	sdelay $0x3  }
0x121: {  	v19 =	vmul.f32 v19, v2;
	[tilespmem:v10+s29+$0x0] =	vst.idx.msk $0xffff, v22  }
0x122: {  	v10 =	vadd.s32 s2, v1;
	v22 =	vld.idx.msk [tilespmem:v11+s29+$0x0], $0xffff;
	v16 =	vmul.f32 v16, v2;
	[tilespmem:v6+s29+$0x0] =	vst.idx.msk $0xffff, v23  }
0x123: {  	v6 =	vld.idx.msk [tilespmem:v12+s29+$0x0], $0xffff;
	v17 =	vmul.f32 v17, v2;
	[tilespmem:v7+s29+$0x0] =	vst.idx.msk $0xffff, v19  }
0x124: {  	v7 =	vld.idx.msk [tilespmem:v13+s29+$0x0], $0xffff;
	v18 =	vmul.f32 v18, v2;
	[tilespmem:v8+s29+$0x0] =	vst.idx.msk $0xffff, v16  }
0x125: {  	v8 =	vld.idx.msk [tilespmem:v14+s29+$0x0], $0xffff;
	v16 =	vmul.f32 v20, v2;
	[tilespmem:v3+s29+$0x0] =	vst.idx.msk $0xffff, v17  }
0x126: {  	v3 =	vld.idx.msk [tilespmem:v15+s29+$0x0], $0xffff;
	v17 =	vmul.f32 v21, v2;
	[tilespmem:v4+s29+$0x0] =	vst.idx.msk $0xffff, v18  }
0x127: {  	v4 =	vld.idx.msk [tilespmem:v10+s29+$0x0], $0xffff;
	[tilespmem:v9+s29+$0x0] =	vst.idx.msk $0xffff, v16;
	v9 =	vmul.f32 v22, v2  }
0x128: {  	v6 =	vmul.f32 v6, v2;
	[tilespmem:v5+s29+$0x0] =	vst.idx.msk $0xffff, v17  }
0x129: {  	v5 =	vmul.f32 v7, v2;
	[tilespmem:v11+s29+$0x0] =	vst.idx.msk $0xffff, v9  }
0x12a: {  	v7 =	vmul.f32 v8, v2;
	[tilespmem:v12+s29+$0x0] =	vst.idx.msk $0xffff, v6  }
0x12b: {  	v3 =	vmul.f32 v3, v2;
	[tilespmem:v13+s29+$0x0] =	vst.idx.msk $0xffff, v5  }
0x12c: {  	[tilespmem:v14+s29+$0x0] =	vst.idx.msk $0xffff, v7;
	v2 =	vmul.f32 v4, v2  }
0x12d: {  	[tilespmem:v15+s29+$0x0] =	vst.idx.msk $0xffff, v3  }
0x12e: {  	s0 =	simm.s32 $0x0;
	[tilespmem:v10+s29+$0x0] =	vst.idx.msk $0xffff, v2  }
0x12f: {  	[hbm4b:s8+s0] =	stream.linear.scatter [tilespmem:s29], [sflag:$0x4], $0xC80, $0x38;
	[tilespmem:$0x1D170] =	vst v63  }
0x130: {  	_ =	swait.ge [sflag:s24], $0xC80  }
0x131: {  	[sflag:s24] =	ssyncset.done $0x0  }
0x132: {  	v16 =	vadd.s32 s0, v1;
	[sflag:s24] =	ssyncadd.s32 $0xFFFFF380  }
0x133: {  	[tilespmem:s25], [sflag:$0x2] =	stream.linear.gather [hbm4b:s9+s0], $0xC80, $0x38;
	[tilespmem:$0x1D170] =	vst v63  }
0x134: {  	s5 =	simm.s32 $0x1;
	_ =	swait.ge [sflag:s30], $0xC80  }
0x135: {  	s2 =	simm.s32 $0x2;
	v8 =	vadd.s32 s5, v1;
	[sflag:s30] =	ssyncset.done $0x0  }
0x136: {  	s4 =	simm.s32 $0x3;
	v9 =	vadd.s32 s2, v1;
	[sflag:s30] =	ssyncadd.s32 $0xFFFFF380  }
0x137: {  	s5 =	simm.s32 $0x4;
	v4 =	vadd.s32 s4, v1;
	v2 =	vld.idx.msk [tilespmem:v16+s21+$0x0], $0xffff  }
0x138: {  	s2 =	simm.s32 $0x5;
	v7 =	vadd.s32 s5, v1  }
0x139: {  	v5 =	vadd.s32 s2, v1  }
0x13a: {  	s5 =	simm.s32 $0x7;
	v3 =	vld.idx.msk [tilespmem:v8+s21+$0x0], $0xffff  }
0x13b: {  	s4 =	simm.s32 $0x6;
	v6 =	vadd.s32 s5, v1;
	v11 =	vld.idx.msk [tilespmem:v9+s21+$0x0], $0xffff  }
0x13c: {  	v10 =	vadd.s32 s4, v1;
	v13 =	vld.idx.msk [tilespmem:v4+s21+$0x0], $0xffff  }
0x13d: {  	s2 =	simm.s32 $0x8;
	v14 =	vld.idx.msk [tilespmem:v7+s21+$0x0], $0xffff  }
0x13e: {  	v12 =	vadd.s32 s2, v1;
	v17 =	vld.idx.msk [tilespmem:v5+s21+$0x0], $0xffff  }
0x13f: {  	v15 =	vld.idx.msk [tilespmem:v2+s22+$0x0], $0xffff  }
0x140: {  	v22 =	vld.idx.msk [tilespmem:v6+s21+$0x0], $0xffff  }
0x141: {  	v19 =	vld.idx.msk [tilespmem:v10+s21+$0x0], $0xffff  }
0x142: {  	v18 =	vld.idx.msk [tilespmem:v3+s22+$0x0], $0xffff  }
0x143: {  	s4 =	simm.s32 $0x9;
	v26 =	vld.idx.msk [tilespmem:v12+s21+$0x0], $0xffff  }
0x144: {  	s5 =	simm.s32 $0xA;
	v2 =	vadd.s32 s4, v1;
	v21 =	vld.idx.msk [tilespmem:v11+s22+$0x0], $0xffff;
	v15 =	vmul.f32 $1.442695020e+00, v15  }
0x145: {  	v3 =	vadd.s32 s5, v1;
	v24 =	vld.idx.msk [tilespmem:v13+s22+$0x0], $0xffff  }
0x146: {  	v27 =	vld.idx.msk [tilespmem:v14+s22+$0x0], $0xffff;
	(erf) = vpow2.f32 v15  }
0x147: {  	s2 =	simm.s32 $0xB;
	v17 =	vld.idx.msk [tilespmem:v17+s22+$0x0], $0xffff;
	v18 =	vmul.f32 $1.442695020e+00, v18  }
0x148: {  	v11 =	vadd.s32 s2, v1;
	v25 =	vld.idx.msk [tilespmem:v22+s22+$0x0], $0xffff  }
0x149: {  	s4 =	simm.s32 $0xC;
	v28 =	vld.idx.msk [tilespmem:v2+s21+$0x0], $0xffff;
	v21 =	vmul.f32 $1.442695020e+00, v21;
	(erf) = vpow2.f32 v18  }
0x14a: {  	s5 =	simm.s32 $0xD;
	v13 =	vadd.s32 s4, v1;
	v23 =	vld.idx.msk [tilespmem:v3+s21+$0x0], $0xffff  }
0x14b: {  	v14 =	vadd.s32 s5, v1;
	v22 =	vmul.f32 $1.442695020e+00, v24;
	v18 =	vld.idx.msk [tilespmem:v19+s22+$0x0], $0xffff;
	(erf) = vpow2.f32 v21  }
0x14c: {  	s2 =	simm.s32 $0xE  }
0x14d: {  	v20 =	vld.idx.msk [tilespmem:v11+s21+$0x0], $0xffff;
	v27 =	vmul.f32 $1.442695020e+00, v27;
	v15 =	vadd.s32 s2, v1;
	(erf) = vpow2.f32 v22  }
0x14e: {  	v26 =	vld.idx.msk [tilespmem:v26+s22+$0x0], $0xffff;
	s4 =	simm.s32 $0xF;
	v17 =	vmul.f32 $1.442695020e+00, v17  }
0x14f: {  	v29 =	vadd.s32 s4, v1;
	v19 =	vld.idx.msk [tilespmem:v13+s21+$0x0], $0xffff;
	v22 =	vpop (erf);
	(erf) = vpow2.f32 v27  }
0x150: {  	s0 =	simm.s32 $0x10;
	v24 =	vimm.f32 $0.0e+00;
	v21 =	vld.idx.msk [tilespmem:v14+s21+$0x0], $0xffff;
	v30 =	vmul.f32 $1.442695020e+00, v18  }
0x151: {  	s5 =	simm.s32 $0x11;
	v28 =	vld.idx.msk [tilespmem:v28+s22+$0x0], $0xffff;
	v27 =	vadd.s32 s0, v1;
	v31 =	vadd.f32 v22, v24;
	(erf) = vpow2.f32 v17  }
0x152: {  	s2 =	simm.s32 $0x18;
	v18 =	vadd.s32 s5, v1;
	[tilespmem:v16+s26+$0x0] =	vst.idx.msk $0xffff, v22;
	v24 =	vld.idx.msk [tilespmem:v15+s21+$0x0], $0xffff;
	v22 =	vpop (erf);
	v17 =	vmov v29;
	v16 =	vmov v27  }
.LBB2_10:
0x153: {  	p1 =	slt.u32 s2, $0xC0;
	s4 =	sadd.s32 $0x2, s0;
	v23 =	vld.idx.msk [tilespmem:v23+s22+$0x0], $0xffff;
	[tilespmem:v8+s26+$0x0] =	vst.idx.msk $0xffff, v22;
	v22 =	vadd.f32 v22, v31;
	v25 =	vmul.f32 $1.442695020e+00, v25;
	(erf) = vpow2.f32 v30  }
0x154: {  	v8 =	vmov v2;
	v2 =	vmov v18;
	v30 =	vadd.s32 s4, v1;
	v29 =	vld.idx.msk [tilespmem:v29+s21+$0x0], $0xffff;
	v31 =	vpop (erf)  }
0x155: {  	s4 =	sadd.s32 $0x3, s0;
	v26 =	vmul.f32 $1.442695020e+00, v26;
	v20 =	vld.idx.msk [tilespmem:v20+s22+$0x0], $0xffff;
	[tilespmem:v9+s26+$0x0] =	vst.idx.msk $0xffff, v31;
	v22 =	vadd.f32 v31, v22;
	(erf) = vpow2.f32 v25  }
0x156: {  	v25 =	vadd.s32 s4, v1;
	v9 =	vmov v3;
	v3 =	vmov v30;
	v27 =	vld.idx.msk [tilespmem:v27+s21+$0x0], $0xffff;
	v31 =	vpop (erf)  }
0x157: {  	s4 =	sadd.s32 $0x4, s0;
	v28 =	vmul.f32 $1.442695020e+00, v28;
	v19 =	vld.idx.msk [tilespmem:v19+s22+$0x0], $0xffff;
	(erf) = vpow2.f32 v26;
	[tilespmem:v4+s26+$0x0] =	vst.idx.msk $0xffff, v31;
	v22 =	vadd.f32 v31, v22  }
0x158: {  	v26 =	vadd.s32 s4, v1;
	v4 =	vmov v11;
	v11 =	vmov v25;
	v18 =	vld.idx.msk [tilespmem:v18+s21+$0x0], $0xffff;
	v31 =	vpop (erf)  }
0x159: {  	s4 =	sadd.s32 $0x5, s0;
	v32 =	vmul.f32 $1.442695020e+00, v23;
	v21 =	vld.idx.msk [tilespmem:v21+s22+$0x0], $0xffff;
	(erf) = vpow2.f32 v28;
	[tilespmem:v7+s26+$0x0] =	vst.idx.msk $0xffff, v31;
	v22 =	vadd.f32 v31, v22  }
0x15a: {  	v28 =	vadd.s32 s4, v1;
	v7 =	vmov v13;
	v13 =	vmov v26;
	v23 =	vld.idx.msk [tilespmem:v30+s21+$0x0], $0xffff;
	v30 =	vpop (erf)  }
0x15b: {  	s4 =	sadd.s32 $0x6, s0;
	v31 =	vmul.f32 $1.442695020e+00, v20;
	v24 =	vld.idx.msk [tilespmem:v24+s22+$0x0], $0xffff;
	(erf) = vpow2.f32 v32;
	[tilespmem:v5+s26+$0x0] =	vst.idx.msk $0xffff, v30;
	v22 =	vadd.f32 v30, v22  }
0x15c: {  	v32 =	vadd.s32 s4, v1;
	v5 =	vmov v14;
	v14 =	vmov v28;
	v20 =	vld.idx.msk [tilespmem:v25+s21+$0x0], $0xffff;
	v30 =	vpop (erf)  }
0x15d: {  	s4 =	sadd.s32 $0x7, s0;
	s0 =	smov.u32 s2;
	v33 =	vmul.f32 $1.442695020e+00, v19;
	v25 =	vld.idx.msk [tilespmem:v29+s22+$0x0], $0xffff;
	(erf) = vpow2.f32 v31;
	[tilespmem:v10+s26+$0x0] =	vst.idx.msk $0xffff, v30;
	v22 =	vadd.f32 v30, v22  }
.Ltmp4:
0x15e: {  	v29 =	vadd.s32 s4, v1;
	v10 =	vmov v15;
	v15 =	vmov v32;
	v19 =	vld.idx.msk [tilespmem:v26+s21+$0x0], $0xffff;
	v30 =	vpop (erf);
	(pc) =	sbr.rel @p1 .LBB2_10-.Ltmp4, $4  }
0x15f: {  	v34 =	vmul.f32 $1.442695020e+00, v21;
	v26 =	vld.idx.msk [tilespmem:v27+s22+$0x0], $0xffff;
	(erf) = vpow2.f32 v33;
	[tilespmem:v6+s26+$0x0] =	vst.idx.msk $0xffff, v30;
	v33 =	vadd.f32 v30, v22  }
0x160: {  	v27 =	vadd.s32 s2, v1;
	v6 =	vmov v17;
	v17 =	vmov v29;
	v21 =	vld.idx.msk [tilespmem:v28+s21+$0x0], $0xffff;
	v30 =	vpop (erf)  }
0x161: {  	s4 =	sadd.s32 $0x1, s2;
	v28 =	vld.idx.msk [tilespmem:v18+s22+$0x0], $0xffff;
	[tilespmem:v12+s26+$0x0] =	vst.idx.msk $0xffff, v30;
	v31 =	vadd.f32 v30, v33;
	v30 =	vmul.f32 $1.442695020e+00, v24;
	(erf) = vpow2.f32 v34  }
0x162: {  	s2 =	sadd.s32 $0x8, s2;
	v18 =	vadd.s32 s4, v1;
	v12 =	vmov v16;
	v16 =	vmov v27;
	v24 =	vld.idx.msk [tilespmem:v32+s21+$0x0], $0xffff;
	v22 =	vpop (erf)  }
0x163: {  	_ =	sdelay $0x2  }
0x164: {  	v31 =	vadd.f32 v22, v31;
	v25 =	vmul.f32 $1.442695020e+00, v25;
	(erf) = vpow2.f32 v30  }
0x165: {  	v23 =	vld.idx.msk [tilespmem:v23+s22+$0x0], $0xffff;
	v62 =	vpop (erf)  }
0x166: {  	s2 =	sadd.s32 $0x2, s0;
	v29 =	vld.idx.msk [tilespmem:v29+s21+$0x0], $0xffff;
	v26 =	vmul.f32 $1.442695020e+00, v26;
	v31 =	vadd.f32 v62, v31;
	(erf) = vpow2.f32 v25  }
0x167: {  	v20 =	vld.idx.msk [tilespmem:v20+s22+$0x0], $0xffff;
	v63 =	vadd.s32 s2, v1;
	v32 =	vpop (erf)  }
0x168: {  	s4 =	sadd.s32 $0x3, s0;
	v27 =	vld.idx.msk [tilespmem:v27+s21+$0x0], $0xffff;
	v28 =	vmul.f32 $1.442695020e+00, v28;
	(erf) = vpow2.f32 v26;
	v48 =	vadd.f32 v32, v31  }
0x169: {  	v19 =	vld.idx.msk [tilespmem:v19+s22+$0x0], $0xffff;
	v49 =	vadd.s32 s4, v1;
	v33 =	vpop (erf)  }
0x16a: {  	v34 =	vld.idx.msk [tilespmem:v18+s21+$0x0], $0xffff;
	v23 =	vmul.f32 $1.442695020e+00, v23;
	(erf) = vpow2.f32 v28;
	v26 =	vadd.f32 v33, v48  }
0x16b: {  	v21 =	vld.idx.msk [tilespmem:v21+s22+$0x0], $0xffff;
	v35 =	vpop (erf)  }
0x16c: {  	s5 =	sadd.s32 $0x4, s0;
	v24 =	vld.idx.msk [tilespmem:v24+s22+$0x0], $0xffff;
	v20 =	vmul.f32 $1.442695020e+00, v20;
	(erf) = vpow2.f32 v23;
	v23 =	vadd.f32 v35, v26  }
0x16d: {  	v50 =	vadd.s32 s5, v1;
	v36 =	vld.idx.msk [tilespmem:v63+s21+$0x0], $0xffff;
	v37 =	vpop (erf)  }
0x16e: {  	s4 =	sadd.s32 $0x5, s0;
	v19 =	vmul.f32 $1.442695020e+00, v19;
	v38 =	vld.idx.msk [tilespmem:v49+s21+$0x0], $0xffff;
	(erf) = vpow2.f32 v20;
	v20 =	vadd.f32 v37, v23  }
0x16f: {  	v51 =	vadd.s32 s4, v1;
	v29 =	vld.idx.msk [tilespmem:v29+s22+$0x0], $0xffff;
	v39 =	vpop (erf)  }
0x170: {  	s5 =	sadd.s32 $0x6, s0;
	v21 =	vmul.f32 $1.442695020e+00, v21;
	(erf) = vpow2.f32 v19;
	v19 =	vadd.f32 v39, v20  }
0x171: {  	v27 =	vld.idx.msk [tilespmem:v27+s22+$0x0], $0xffff;
	v23 =	vadd.s32 s5, v1;
	v41 =	vpop (erf)  }
0x172: {  	s4 =	sadd.s32 $0x7, s0;
	v40 =	vld.idx.msk [tilespmem:v50+s21+$0x0], $0xffff;
	v24 =	vmul.f32 $1.442695020e+00, v24;
	(erf) = vpow2.f32 v21;
	v19 =	vadd.f32 v41, v19  }
0x173: {  	v20 =	vadd.s32 s4, v1;
	v21 =	vld.idx.msk [tilespmem:v34+s22+$0x0], $0xffff;
	v52 =	vpop (erf)  }
0x174: {  	v42 =	vld.idx.msk [tilespmem:v51+s21+$0x0], $0xffff;
	v29 =	vmul.f32 $1.442695020e+00, v29;
	(erf) = vpow2.f32 v24;
	v19 =	vadd.f32 v52, v19  }
0x175: {  	v53 =	vld.idx.msk [tilespmem:v36+s22+$0x0], $0xffff;
	v54 =	vpop (erf)  }
0x176: {  	v27 =	vmul.f32 $1.442695020e+00, v27;
	v43 =	vld.idx.msk [tilespmem:v23+s21+$0x0], $0xffff;
	(erf) = vpow2.f32 v29;
	v19 =	vadd.f32 v54, v19  }
0x177: {  	v55 =	vld.idx.msk [tilespmem:v38+s22+$0x0], $0xffff;
	v56 =	vpop (erf)  }
0x178: {  	v44 =	vld.idx.msk [tilespmem:v20+s21+$0x0], $0xffff;
	v21 =	vmul.f32 $1.442695020e+00, v21;
	(erf) = vpow2.f32 v27;
	v19 =	vadd.f32 v56, v19  }
0x179: {  	v58 =	vpop (erf)  }
0x17a: {  	v57 =	vld.idx.msk [tilespmem:v40+s22+$0x0], $0xffff;
	v24 =	vmul.f32 $1.442695020e+00, v53;
	(erf) = vpow2.f32 v21;
	v19 =	vadd.f32 v58, v19  }
0x17b: {  	v59 =	vpop (erf)  }
0x17c: {  	v21 =	vld.idx.msk [tilespmem:v42+s22+$0x0], $0xffff;
	(erf) = vpow2.f32 v24;
	v19 =	vadd.f32 v59, v19  }
0x17d: {  	v29 =	vmul.f32 $1.442695020e+00, v55;
	v61 =	vpop (erf)  }
0x17e: {  	v60 =	vld.idx.msk [tilespmem:v43+s22+$0x0], $0xffff;
	v19 =	vadd.f32 v61, v19  }
0x17f: {  	[tilespmem:v8+s26+$0x0] =	vst.idx.msk $0xffff, v22;
	v27 =	vmul.f32 $1.442695020e+00, v57;
	(erf) = vpow2.f32 v29;
	v22 =	vpop (erf)  }
0x180: {  	[tilespmem:v9+s26+$0x0] =	vst.idx.msk $0xffff, v62;
	v8 =	vld.idx.msk [tilespmem:v44+s22+$0x0], $0xffff;
	v19 =	vadd.f32 v22, v19  }
0x181: {  	[tilespmem:v4+s26+$0x0] =	vst.idx.msk $0xffff, v32;
	(erf) = vpow2.f32 v27;
	v9 =	vmul.f32 $1.442695020e+00, v21;
	v4 =	vpop (erf)  }
0x182: {  	[tilespmem:v7+s26+$0x0] =	vst.idx.msk $0xffff, v33;
	v7 =	vadd.f32 v4, v19  }
0x183: {  	[tilespmem:v5+s26+$0x0] =	vst.idx.msk $0xffff, v35;
	(erf) = vpow2.f32 v9;
	v9 =	vmul.f32 $1.442695020e+00, v60;
	v5 =	vpop (erf)  }
0x184: {  	v7 =	vadd.f32 v5, v7  }
0x185: {  	[tilespmem:v6+s26+$0x0] =	vst.idx.msk $0xffff, v39;
	(erf) = vpow2.f32 v9;
	v8 =	vmul.f32 $1.442695020e+00, v8;
	v6 =	vpop (erf)  }
0x186: {  	v7 =	vadd.f32 v6, v7  }
0x187: {  	[tilespmem:v10+s26+$0x0] =	vst.idx.msk $0xffff, v37;
	(erf) = vpow2.f32 v8  }
0x188: {  	[tilespmem:v2+s26+$0x0] =	vst.idx.msk $0xffff, v52;
	v2 =	vpop (erf)  }
0x189: {  	[tilespmem:v3+s26+$0x0] =	vst.idx.msk $0xffff, v54;
	v3 =	vadd.f32 v2, v7  }
0x18a: {  	[tilespmem:v12+s26+$0x0] =	vst.idx.msk $0xffff, v41;
	v7 =	vpop (erf)  }
0x18b: {  	[tilespmem:v11+s26+$0x0] =	vst.idx.msk $0xffff, v56;
	v3 =	vadd.f32 v7, v3  }
0x18c: {  	[tilespmem:v13+s26+$0x0] =	vst.idx.msk $0xffff, v58;
	v8 =	vpop (erf)  }
0x18d: {  	[tilespmem:v14+s26+$0x0] =	vst.idx.msk $0xffff, v59;
	v3 =	vadd.f32 v8, v3  }
0x18e: {  	[tilespmem:v15+s26+$0x0] =	vst.idx.msk $0xffff, v61;
	v9 =	vpop (erf)  }
0x18f: {  	[tilespmem:v17+s26+$0x0] =	vst.idx.msk $0xffff, v22;
	v3 =	vadd.f32 v9, v3  }
0x190: {  	[tilespmem:v16+s26+$0x0] =	vst.idx.msk $0xffff, v4;
	v4 =	vpop (erf)  }
0x191: {  	[tilespmem:v18+s26+$0x0] =	vst.idx.msk $0xffff, v5;
	v3 =	vadd.f32 v4, v3  }
0x192: {  	s5 =	simm.s32 $0x0;
	[tilespmem:v63+s26+$0x0] =	vst.idx.msk $0xffff, v6  }
0x193: {  	s2 =	simm.s32 $0x7;
	v14 =	vadd.s32 s5, v1;
	[tilespmem:v49+s26+$0x0] =	vst.idx.msk $0xffff, v2;
	(erf) = vrcp.f32 v3  }
0x194: {  	v62 =	vadd.s32 s2, v1;
	s4 =	simm.s32 $0x6;
	[tilespmem:v50+s26+$0x0] =	vst.idx.msk $0xffff, v7  }
0x195: {  	v10 =	vadd.s32 s4, v1;
	s5 =	simm.s32 $0x5;
	[tilespmem:v51+s26+$0x0] =	vst.idx.msk $0xffff, v8  }
0x196: {  	s4 =	simm.s32 $0x4;
	v6 =	vadd.s32 s5, v1;
	[tilespmem:v23+s26+$0x0] =	vst.idx.msk $0xffff, v9  }
0x197: {  	s5 =	simm.s32 $0x3;
	v7 =	vadd.s32 s4, v1;
	[tilespmem:v20+s26+$0x0] =	vst.idx.msk $0xffff, v4  }
0x198: {  	v8 =	vadd.s32 s5, v1;
	s5 =	simm.s32 $0x1;
	v11 =	vld.idx.msk [tilespmem:v14+s26+$0x0], $0xffff  }
0x199: {  	s4 =	simm.s32 $0x2;
	v12 =	vld.idx.msk [tilespmem:v62+s26+$0x0], $0xffff;
	v4 =	vadd.s32 s5, v1  }
0x19a: {  	v15 =	vld.idx.msk [tilespmem:v10+s26+$0x0], $0xffff;
	v3 =	vadd.s32 s4, v1;
	s4 =	simm.s32 $0x8  }
0x19b: {  	v23 =	vld.idx.msk [tilespmem:v6+s26+$0x0], $0xffff;
	s5 =	simm.s32 $0xF;
	v9 =	vadd.s32 s4, v1  }
0x19c: {  	s2 =	simm.s32 $0xE;
	v19 =	vld.idx.msk [tilespmem:v7+s26+$0x0], $0xffff;
	v5 =	vadd.s32 s5, v1;
	v2 =	vpop (erf)  }
0x19d: {  	v16 =	vld.idx.msk [tilespmem:v8+s26+$0x0], $0xffff;
	s4 =	simm.s32 $0xD;
	v21 =	vmul.f32 v11, v2;
	v11 =	vadd.s32 s2, v1  }
0x19e: {  	s5 =	simm.s32 $0xC;
	v18 =	vld.idx.msk [tilespmem:v4+s26+$0x0], $0xffff;
	v63 =	vmul.f32 v12, v2;
	v12 =	vadd.s32 s4, v1  }
0x19f: {  	v13 =	vadd.s32 s5, v1;
	v17 =	vld.idx.msk [tilespmem:v3+s26+$0x0], $0xffff;
	s4 =	simm.s32 $0xB  }
0x1a0: {  	s5 =	simm.s32 $0xA;
	v20 =	vld.idx.msk [tilespmem:v9+s26+$0x0], $0xffff;
	v22 =	vmul.f32 v15, v2;
	[tilespmem:v14+s26+$0x0] =	vst.idx.msk $0xffff, v21;
	v14 =	vadd.s32 s4, v1  }
0x1a1: {  	s0 =	simm.s32 $0x10;
	s2 =	simm.s32 $0x9;
	v15 =	vadd.s32 s5, v1;
	v23 =	vmul.f32 v23, v2;
	v21 =	vld.idx.msk [tilespmem:v5+s26+$0x0], $0xffff;
	[tilespmem:v62+s26+$0x0] =	vst.idx.msk $0xffff, v63  }
.LBB2_12:
0x1a2: {  	p1 =	slt.u32 s0, $0xC0;
	v24 =	vadd.s32 s2, v1;
	v25 =	vld.idx.msk [tilespmem:v11+s26+$0x0], $0xffff;
	v26 =	vmul.f32 v19, v2;
	[tilespmem:v10+s26+$0x0] =	vst.idx.msk $0xffff, v22;
	v10 =	vmov v11  }
0x1a3: {  	v27 =	vadd.s32 s0, v1;
	s2 =	sadd.s32 $0x7, s0;
	v22 =	vmul.f32 v16, v2;
	v28 =	vld.idx.msk [tilespmem:v12+s26+$0x0], $0xffff;
	[tilespmem:v6+s26+$0x0] =	vst.idx.msk $0xffff, v23;
	v6 =	vmov v12  }
0x1a4: {  	s4 =	sadd.s32 $0x6, s0;
	v29 =	vadd.s32 s2, v1;
	v23 =	vmul.f32 v17, v2;
	v19 =	vld.idx.msk [tilespmem:v13+s26+$0x0], $0xffff;
	[tilespmem:v7+s26+$0x0] =	vst.idx.msk $0xffff, v26;
	v7 =	vmov v13  }
.Ltmp5:
0x1a5: {  	s2 =	sadd.s32 $0x5, s0;
	v11 =	vadd.s32 s4, v1;
	v26 =	vmul.f32 v18, v2;
	v16 =	vld.idx.msk [tilespmem:v14+s26+$0x0], $0xffff;
	[tilespmem:v8+s26+$0x0] =	vst.idx.msk $0xffff, v22;
	v8 =	vmov v14;
	(pc) =	sbr.rel @p1 .LBB2_12-.Ltmp5, $4  }
0x1a6: {  	s4 =	sadd.s32 $0x4, s0;
	v12 =	vadd.s32 s2, v1;
	v22 =	vmul.f32 v20, v2;
	v17 =	vld.idx.msk [tilespmem:v15+s26+$0x0], $0xffff;
	[tilespmem:v3+s26+$0x0] =	vst.idx.msk $0xffff, v23;
	v3 =	vmov v15  }
0x1a7: {  	s2 =	sadd.s32 $0x3, s0;
	v13 =	vadd.s32 s4, v1;
	v30 =	vmul.f32 v21, v2;
	v18 =	vld.idx.msk [tilespmem:v24+s26+$0x0], $0xffff;
	[tilespmem:v4+s26+$0x0] =	vst.idx.msk $0xffff, v26;
	v4 =	vmov v24  }
0x1a8: {  	s4 =	sadd.s32 $0x2, s0;
	v14 =	vadd.s32 s2, v1;
	v20 =	vld.idx.msk [tilespmem:v27+s26+$0x0], $0xffff;
	[tilespmem:v9+s26+$0x0] =	vst.idx.msk $0xffff, v22;
	v22 =	vmul.f32 v25, v2;
	v9 =	vmov v27  }
0x1a9: {  	s2 =	sadd.s32 $0x1, s0;
	s0 =	sadd.s32 $0x8, s0;
	v15 =	vadd.s32 s4, v1;
	v23 =	vmul.f32 v28, v2;
	v21 =	vld.idx.msk [tilespmem:v29+s26+$0x0], $0xffff;
	[tilespmem:v5+s26+$0x0] =	vst.idx.msk $0xffff, v30;
	v5 =	vmov v29  }
0x1aa: {  	_ =	sdelay $0x3  }
0x1ab: {  	v19 =	vmul.f32 v19, v2;
	[tilespmem:v10+s26+$0x0] =	vst.idx.msk $0xffff, v22  }
0x1ac: {  	v10 =	vadd.s32 s2, v1;
	v22 =	vld.idx.msk [tilespmem:v11+s26+$0x0], $0xffff;
	v16 =	vmul.f32 v16, v2;
	[tilespmem:v6+s26+$0x0] =	vst.idx.msk $0xffff, v23  }
0x1ad: {  	v6 =	vld.idx.msk [tilespmem:v12+s26+$0x0], $0xffff;
	v17 =	vmul.f32 v17, v2;
	[tilespmem:v7+s26+$0x0] =	vst.idx.msk $0xffff, v19  }
0x1ae: {  	v7 =	vld.idx.msk [tilespmem:v13+s26+$0x0], $0xffff;
	v18 =	vmul.f32 v18, v2;
	[tilespmem:v8+s26+$0x0] =	vst.idx.msk $0xffff, v16  }
0x1af: {  	v8 =	vld.idx.msk [tilespmem:v14+s26+$0x0], $0xffff;
	v16 =	vmul.f32 v20, v2;
	[tilespmem:v3+s26+$0x0] =	vst.idx.msk $0xffff, v17  }
0x1b0: {  	v3 =	vld.idx.msk [tilespmem:v15+s26+$0x0], $0xffff;
	v17 =	vmul.f32 v21, v2;
	[tilespmem:v4+s26+$0x0] =	vst.idx.msk $0xffff, v18  }
0x1b1: {  	v4 =	vld.idx.msk [tilespmem:v10+s26+$0x0], $0xffff;
	[tilespmem:v9+s26+$0x0] =	vst.idx.msk $0xffff, v16;
	v9 =	vmul.f32 v22, v2  }
0x1b2: {  	v6 =	vmul.f32 v6, v2;
	[tilespmem:v5+s26+$0x0] =	vst.idx.msk $0xffff, v17  }
0x1b3: {  	v5 =	vmul.f32 v7, v2;
	[tilespmem:v11+s26+$0x0] =	vst.idx.msk $0xffff, v9  }
0x1b4: {  	v7 =	vmul.f32 v8, v2;
	[tilespmem:v12+s26+$0x0] =	vst.idx.msk $0xffff, v6  }
0x1b5: {  	v3 =	vmul.f32 v3, v2;
	[tilespmem:v13+s26+$0x0] =	vst.idx.msk $0xffff, v5  }
0x1b6: {  	[tilespmem:v14+s26+$0x0] =	vst.idx.msk $0xffff, v7;
	v2 =	vmul.f32 v4, v2  }
0x1b7: {  	[tilespmem:v15+s26+$0x0] =	vst.idx.msk $0xffff, v3  }
0x1b8: {  	s0 =	simm.s32 $0x0;
	[tilespmem:v10+s26+$0x0] =	vst.idx.msk $0xffff, v2  }
0x1b9: {  	[hbm4b:s10+s0] =	stream.linear.scatter [tilespmem:s26], [sflag:$0x3], $0xC80, $0x38;
	[tilespmem:$0x1D170] =	vst v63  }
0x1ba: {  	_ =	swait.ge [sflag:s28], $0xC80  }
0x1bb: {  	[sflag:s28] =	ssyncset.done $0x0  }
0x1bc: {  	v16 =	vadd.s32 s0, v1;
	[sflag:s28] =	ssyncadd.s32 $0xFFFFF380  }
0x1bd: {  	[tilespmem:s21], [sflag:$0x1] =	stream.linear.gather [hbm4b:s11+s0], $0xC80, $0x38;
	[tilespmem:$0x1D170] =	vst v63  }
0x1be: {  	s5 =	simm.s32 $0x1;
	_ =	swait.ge [sflag:s31], $0xC80  }
0x1bf: {  	s2 =	simm.s32 $0x2;
	v8 =	vadd.s32 s5, v1;
	[sflag:s31] =	ssyncset.done $0x0  }
0x1c0: {  	s4 =	simm.s32 $0x3;
	v9 =	vadd.s32 s2, v1;
	[sflag:s31] =	ssyncadd.s32 $0xFFFFF380  }
0x1c1: {  	s5 =	simm.s32 $0x4;
	v4 =	vadd.s32 s4, v1;
	v2 =	vld.idx.msk [tilespmem:v16+s25+$0x0], $0xffff  }
0x1c2: {  	s2 =	simm.s32 $0x5;
	v7 =	vadd.s32 s5, v1  }
0x1c3: {  	v5 =	vadd.s32 s2, v1  }
0x1c4: {  	s5 =	simm.s32 $0x7;
	v3 =	vld.idx.msk [tilespmem:v8+s25+$0x0], $0xffff  }
0x1c5: {  	s4 =	simm.s32 $0x6;
	v6 =	vadd.s32 s5, v1;
	v11 =	vld.idx.msk [tilespmem:v9+s25+$0x0], $0xffff  }
0x1c6: {  	v10 =	vadd.s32 s4, v1;
	v13 =	vld.idx.msk [tilespmem:v4+s25+$0x0], $0xffff  }
0x1c7: {  	s2 =	simm.s32 $0x8;
	v14 =	vld.idx.msk [tilespmem:v7+s25+$0x0], $0xffff  }
0x1c8: {  	v12 =	vadd.s32 s2, v1;
	v17 =	vld.idx.msk [tilespmem:v5+s25+$0x0], $0xffff  }
0x1c9: {  	v15 =	vld.idx.msk [tilespmem:v2+s22+$0x0], $0xffff  }
0x1ca: {  	v22 =	vld.idx.msk [tilespmem:v6+s25+$0x0], $0xffff  }
0x1cb: {  	v19 =	vld.idx.msk [tilespmem:v10+s25+$0x0], $0xffff  }
0x1cc: {  	v18 =	vld.idx.msk [tilespmem:v3+s22+$0x0], $0xffff  }
0x1cd: {  	s4 =	simm.s32 $0x9;
	v26 =	vld.idx.msk [tilespmem:v12+s25+$0x0], $0xffff  }
0x1ce: {  	s5 =	simm.s32 $0xA;
	v2 =	vadd.s32 s4, v1;
	v21 =	vld.idx.msk [tilespmem:v11+s22+$0x0], $0xffff;
	v15 =	vmul.f32 $1.442695020e+00, v15  }
0x1cf: {  	v3 =	vadd.s32 s5, v1;
	v24 =	vld.idx.msk [tilespmem:v13+s22+$0x0], $0xffff  }
0x1d0: {  	v27 =	vld.idx.msk [tilespmem:v14+s22+$0x0], $0xffff;
	(erf) = vpow2.f32 v15  }
0x1d1: {  	s2 =	simm.s32 $0xB;
	v17 =	vld.idx.msk [tilespmem:v17+s22+$0x0], $0xffff;
	v18 =	vmul.f32 $1.442695020e+00, v18  }
0x1d2: {  	v11 =	vadd.s32 s2, v1;
	v25 =	vld.idx.msk [tilespmem:v22+s22+$0x0], $0xffff  }
0x1d3: {  	s4 =	simm.s32 $0xC;
	v28 =	vld.idx.msk [tilespmem:v2+s25+$0x0], $0xffff;
	v21 =	vmul.f32 $1.442695020e+00, v21;
	(erf) = vpow2.f32 v18  }
0x1d4: {  	s5 =	simm.s32 $0xD;
	v13 =	vadd.s32 s4, v1;
	v23 =	vld.idx.msk [tilespmem:v3+s25+$0x0], $0xffff  }
0x1d5: {  	v14 =	vadd.s32 s5, v1;
	v22 =	vmul.f32 $1.442695020e+00, v24;
	v18 =	vld.idx.msk [tilespmem:v19+s22+$0x0], $0xffff;
	(erf) = vpow2.f32 v21  }
0x1d6: {  	s2 =	simm.s32 $0xE  }
0x1d7: {  	v20 =	vld.idx.msk [tilespmem:v11+s25+$0x0], $0xffff;
	v27 =	vmul.f32 $1.442695020e+00, v27;
	v15 =	vadd.s32 s2, v1;
	(erf) = vpow2.f32 v22  }
0x1d8: {  	v26 =	vld.idx.msk [tilespmem:v26+s22+$0x0], $0xffff;
	s4 =	simm.s32 $0xF;
	v17 =	vmul.f32 $1.442695020e+00, v17  }
0x1d9: {  	v29 =	vadd.s32 s4, v1;
	v19 =	vld.idx.msk [tilespmem:v13+s25+$0x0], $0xffff;
	v22 =	vpop (erf);
	(erf) = vpow2.f32 v27  }
0x1da: {  	s0 =	simm.s32 $0x10;
	v24 =	vimm.f32 $0.0e+00;
	v21 =	vld.idx.msk [tilespmem:v14+s25+$0x0], $0xffff;
	v30 =	vmul.f32 $1.442695020e+00, v18  }
0x1db: {  	s5 =	simm.s32 $0x11;
	v28 =	vld.idx.msk [tilespmem:v28+s22+$0x0], $0xffff;
	v27 =	vadd.s32 s0, v1;
	v31 =	vadd.f32 v22, v24;
	(erf) = vpow2.f32 v17  }
0x1dc: {  	s2 =	simm.s32 $0x18;
	v18 =	vadd.s32 s5, v1;
	[tilespmem:v16+s29+$0x0] =	vst.idx.msk $0xffff, v22;
	v24 =	vld.idx.msk [tilespmem:v15+s25+$0x0], $0xffff;
	v22 =	vpop (erf);
	v17 =	vmov v29;
	v16 =	vmov v27  }
.LBB2_14:
0x1dd: {  	p1 =	slt.u32 s2, $0xC0;
	s4 =	sadd.s32 $0x2, s0;
	v23 =	vld.idx.msk [tilespmem:v23+s22+$0x0], $0xffff;
	[tilespmem:v8+s29+$0x0] =	vst.idx.msk $0xffff, v22;
	v22 =	vadd.f32 v22, v31;
	v25 =	vmul.f32 $1.442695020e+00, v25;
	(erf) = vpow2.f32 v30  }
0x1de: {  	v8 =	vmov v2;
	v2 =	vmov v18;
	v30 =	vadd.s32 s4, v1;
	v29 =	vld.idx.msk [tilespmem:v29+s25+$0x0], $0xffff;
	v31 =	vpop (erf)  }
0x1df: {  	s4 =	sadd.s32 $0x3, s0;
	v26 =	vmul.f32 $1.442695020e+00, v26;
	v20 =	vld.idx.msk [tilespmem:v20+s22+$0x0], $0xffff;
	[tilespmem:v9+s29+$0x0] =	vst.idx.msk $0xffff, v31;
	v22 =	vadd.f32 v31, v22;
	(erf) = vpow2.f32 v25  }
0x1e0: {  	v25 =	vadd.s32 s4, v1;
	v9 =	vmov v3;
	v3 =	vmov v30;
	v27 =	vld.idx.msk [tilespmem:v27+s25+$0x0], $0xffff;
	v31 =	vpop (erf)  }
0x1e1: {  	s4 =	sadd.s32 $0x4, s0;
	v28 =	vmul.f32 $1.442695020e+00, v28;
	v19 =	vld.idx.msk [tilespmem:v19+s22+$0x0], $0xffff;
	(erf) = vpow2.f32 v26;
	[tilespmem:v4+s29+$0x0] =	vst.idx.msk $0xffff, v31;
	v22 =	vadd.f32 v31, v22  }
0x1e2: {  	v26 =	vadd.s32 s4, v1;
	v4 =	vmov v11;
	v11 =	vmov v25;
	v18 =	vld.idx.msk [tilespmem:v18+s25+$0x0], $0xffff;
	v31 =	vpop (erf)  }
0x1e3: {  	s4 =	sadd.s32 $0x5, s0;
	v32 =	vmul.f32 $1.442695020e+00, v23;
	v21 =	vld.idx.msk [tilespmem:v21+s22+$0x0], $0xffff;
	(erf) = vpow2.f32 v28;
	[tilespmem:v7+s29+$0x0] =	vst.idx.msk $0xffff, v31;
	v22 =	vadd.f32 v31, v22  }
0x1e4: {  	v28 =	vadd.s32 s4, v1;
	v7 =	vmov v13;
	v13 =	vmov v26;
	v23 =	vld.idx.msk [tilespmem:v30+s25+$0x0], $0xffff;
	v30 =	vpop (erf)  }
0x1e5: {  	s4 =	sadd.s32 $0x6, s0;
	v31 =	vmul.f32 $1.442695020e+00, v20;
	v24 =	vld.idx.msk [tilespmem:v24+s22+$0x0], $0xffff;
	(erf) = vpow2.f32 v32;
	[tilespmem:v5+s29+$0x0] =	vst.idx.msk $0xffff, v30;
	v22 =	vadd.f32 v30, v22  }
0x1e6: {  	v32 =	vadd.s32 s4, v1;
	v5 =	vmov v14;
	v14 =	vmov v28;
	v20 =	vld.idx.msk [tilespmem:v25+s25+$0x0], $0xffff;
	v30 =	vpop (erf)  }
0x1e7: {  	s4 =	sadd.s32 $0x7, s0;
	s0 =	smov.u32 s2;
	v33 =	vmul.f32 $1.442695020e+00, v19;
	v25 =	vld.idx.msk [tilespmem:v29+s22+$0x0], $0xffff;
	(erf) = vpow2.f32 v31;
	[tilespmem:v10+s29+$0x0] =	vst.idx.msk $0xffff, v30;
	v22 =	vadd.f32 v30, v22  }
.Ltmp6:
0x1e8: {  	v29 =	vadd.s32 s4, v1;
	v10 =	vmov v15;
	v15 =	vmov v32;
	v19 =	vld.idx.msk [tilespmem:v26+s25+$0x0], $0xffff;
	v30 =	vpop (erf);
	(pc) =	sbr.rel @p1 .LBB2_14-.Ltmp6, $4  }
0x1e9: {  	v34 =	vmul.f32 $1.442695020e+00, v21;
	v26 =	vld.idx.msk [tilespmem:v27+s22+$0x0], $0xffff;
	(erf) = vpow2.f32 v33;
	[tilespmem:v6+s29+$0x0] =	vst.idx.msk $0xffff, v30;
	v33 =	vadd.f32 v30, v22  }
0x1ea: {  	v27 =	vadd.s32 s2, v1;
	v6 =	vmov v17;
	v17 =	vmov v29;
	v21 =	vld.idx.msk [tilespmem:v28+s25+$0x0], $0xffff;
	v30 =	vpop (erf)  }
0x1eb: {  	s4 =	sadd.s32 $0x1, s2;
	v28 =	vld.idx.msk [tilespmem:v18+s22+$0x0], $0xffff;
	[tilespmem:v12+s29+$0x0] =	vst.idx.msk $0xffff, v30;
	v31 =	vadd.f32 v30, v33;
	v30 =	vmul.f32 $1.442695020e+00, v24;
	(erf) = vpow2.f32 v34  }
0x1ec: {  	s2 =	sadd.s32 $0x8, s2;
	v18 =	vadd.s32 s4, v1;
	v12 =	vmov v16;
	v16 =	vmov v27;
	v24 =	vld.idx.msk [tilespmem:v32+s25+$0x0], $0xffff;
	v22 =	vpop (erf)  }
0x1ed: {  	_ =	sdelay $0x2  }
0x1ee: {  	v31 =	vadd.f32 v22, v31;
	v25 =	vmul.f32 $1.442695020e+00, v25;
	(erf) = vpow2.f32 v30  }
0x1ef: {  	v23 =	vld.idx.msk [tilespmem:v23+s22+$0x0], $0xffff;
	v62 =	vpop (erf)  }
0x1f0: {  	s2 =	sadd.s32 $0x2, s0;
	v29 =	vld.idx.msk [tilespmem:v29+s25+$0x0], $0xffff;
	v26 =	vmul.f32 $1.442695020e+00, v26;
	v31 =	vadd.f32 v62, v31;
	(erf) = vpow2.f32 v25  }
0x1f1: {  	v20 =	vld.idx.msk [tilespmem:v20+s22+$0x0], $0xffff;
	v63 =	vadd.s32 s2, v1;
	v32 =	vpop (erf)  }
0x1f2: {  	s4 =	sadd.s32 $0x3, s0;
	v27 =	vld.idx.msk [tilespmem:v27+s25+$0x0], $0xffff;
	v28 =	vmul.f32 $1.442695020e+00, v28;
	(erf) = vpow2.f32 v26;
	v48 =	vadd.f32 v32, v31  }
0x1f3: {  	v19 =	vld.idx.msk [tilespmem:v19+s22+$0x0], $0xffff;
	v49 =	vadd.s32 s4, v1;
	v33 =	vpop (erf)  }
0x1f4: {  	v34 =	vld.idx.msk [tilespmem:v18+s25+$0x0], $0xffff;
	v23 =	vmul.f32 $1.442695020e+00, v23;
	(erf) = vpow2.f32 v28;
	v26 =	vadd.f32 v33, v48  }
0x1f5: {  	v21 =	vld.idx.msk [tilespmem:v21+s22+$0x0], $0xffff;
	v35 =	vpop (erf)  }
0x1f6: {  	s5 =	sadd.s32 $0x4, s0;
	v24 =	vld.idx.msk [tilespmem:v24+s22+$0x0], $0xffff;
	v20 =	vmul.f32 $1.442695020e+00, v20;
	(erf) = vpow2.f32 v23;
	v23 =	vadd.f32 v35, v26  }
0x1f7: {  	v50 =	vadd.s32 s5, v1;
	v36 =	vld.idx.msk [tilespmem:v63+s25+$0x0], $0xffff;
	v37 =	vpop (erf)  }
0x1f8: {  	s4 =	sadd.s32 $0x5, s0;
	v19 =	vmul.f32 $1.442695020e+00, v19;
	v38 =	vld.idx.msk [tilespmem:v49+s25+$0x0], $0xffff;
	(erf) = vpow2.f32 v20;
	v20 =	vadd.f32 v37, v23  }
0x1f9: {  	v51 =	vadd.s32 s4, v1;
	v29 =	vld.idx.msk [tilespmem:v29+s22+$0x0], $0xffff;
	v39 =	vpop (erf)  }
0x1fa: {  	s5 =	sadd.s32 $0x6, s0;
	v21 =	vmul.f32 $1.442695020e+00, v21;
	(erf) = vpow2.f32 v19;
	v19 =	vadd.f32 v39, v20  }
0x1fb: {  	v27 =	vld.idx.msk [tilespmem:v27+s22+$0x0], $0xffff;
	v23 =	vadd.s32 s5, v1;
	v41 =	vpop (erf)  }
0x1fc: {  	s4 =	sadd.s32 $0x7, s0;
	v40 =	vld.idx.msk [tilespmem:v50+s25+$0x0], $0xffff;
	v24 =	vmul.f32 $1.442695020e+00, v24;
	(erf) = vpow2.f32 v21;
	v19 =	vadd.f32 v41, v19  }
0x1fd: {  	v20 =	vadd.s32 s4, v1;
	v21 =	vld.idx.msk [tilespmem:v34+s22+$0x0], $0xffff;
	v52 =	vpop (erf)  }
0x1fe: {  	v42 =	vld.idx.msk [tilespmem:v51+s25+$0x0], $0xffff;
	v29 =	vmul.f32 $1.442695020e+00, v29;
	(erf) = vpow2.f32 v24;
	v19 =	vadd.f32 v52, v19  }
0x1ff: {  	v53 =	vld.idx.msk [tilespmem:v36+s22+$0x0], $0xffff;
	v54 =	vpop (erf)  }
0x200: {  	v27 =	vmul.f32 $1.442695020e+00, v27;
	v43 =	vld.idx.msk [tilespmem:v23+s25+$0x0], $0xffff;
	(erf) = vpow2.f32 v29;
	v19 =	vadd.f32 v54, v19  }
0x201: {  	v55 =	vld.idx.msk [tilespmem:v38+s22+$0x0], $0xffff;
	v56 =	vpop (erf)  }
0x202: {  	v44 =	vld.idx.msk [tilespmem:v20+s25+$0x0], $0xffff;
	v21 =	vmul.f32 $1.442695020e+00, v21;
	(erf) = vpow2.f32 v27;
	v19 =	vadd.f32 v56, v19  }
0x203: {  	v58 =	vpop (erf)  }
0x204: {  	v57 =	vld.idx.msk [tilespmem:v40+s22+$0x0], $0xffff;
	v24 =	vmul.f32 $1.442695020e+00, v53;
	(erf) = vpow2.f32 v21;
	v19 =	vadd.f32 v58, v19  }
0x205: {  	v59 =	vpop (erf)  }
0x206: {  	v21 =	vld.idx.msk [tilespmem:v42+s22+$0x0], $0xffff;
	(erf) = vpow2.f32 v24;
	v19 =	vadd.f32 v59, v19  }
0x207: {  	v29 =	vmul.f32 $1.442695020e+00, v55;
	v61 =	vpop (erf)  }
0x208: {  	v60 =	vld.idx.msk [tilespmem:v43+s22+$0x0], $0xffff;
	v19 =	vadd.f32 v61, v19  }
0x209: {  	[tilespmem:v8+s29+$0x0] =	vst.idx.msk $0xffff, v22;
	v27 =	vmul.f32 $1.442695020e+00, v57;
	(erf) = vpow2.f32 v29;
	v22 =	vpop (erf)  }
0x20a: {  	[tilespmem:v9+s29+$0x0] =	vst.idx.msk $0xffff, v62;
	v8 =	vld.idx.msk [tilespmem:v44+s22+$0x0], $0xffff;
	v19 =	vadd.f32 v22, v19  }
0x20b: {  	[tilespmem:v4+s29+$0x0] =	vst.idx.msk $0xffff, v32;
	(erf) = vpow2.f32 v27;
	v9 =	vmul.f32 $1.442695020e+00, v21;
	v4 =	vpop (erf)  }
0x20c: {  	[tilespmem:v7+s29+$0x0] =	vst.idx.msk $0xffff, v33;
	v7 =	vadd.f32 v4, v19  }
0x20d: {  	[tilespmem:v5+s29+$0x0] =	vst.idx.msk $0xffff, v35;
	(erf) = vpow2.f32 v9;
	v9 =	vmul.f32 $1.442695020e+00, v60;
	v5 =	vpop (erf)  }
0x20e: {  	v7 =	vadd.f32 v5, v7  }
0x20f: {  	[tilespmem:v6+s29+$0x0] =	vst.idx.msk $0xffff, v39;
	(erf) = vpow2.f32 v9;
	v8 =	vmul.f32 $1.442695020e+00, v8;
	v6 =	vpop (erf)  }
0x210: {  	v7 =	vadd.f32 v6, v7  }
0x211: {  	[tilespmem:v10+s29+$0x0] =	vst.idx.msk $0xffff, v37;
	(erf) = vpow2.f32 v8  }
0x212: {  	[tilespmem:v2+s29+$0x0] =	vst.idx.msk $0xffff, v52;
	v2 =	vpop (erf)  }
0x213: {  	[tilespmem:v3+s29+$0x0] =	vst.idx.msk $0xffff, v54;
	v3 =	vadd.f32 v2, v7  }
0x214: {  	[tilespmem:v12+s29+$0x0] =	vst.idx.msk $0xffff, v41;
	v7 =	vpop (erf)  }
0x215: {  	[tilespmem:v11+s29+$0x0] =	vst.idx.msk $0xffff, v56;
	v3 =	vadd.f32 v7, v3  }
0x216: {  	[tilespmem:v13+s29+$0x0] =	vst.idx.msk $0xffff, v58;
	v8 =	vpop (erf)  }
0x217: {  	[tilespmem:v14+s29+$0x0] =	vst.idx.msk $0xffff, v59;
	v3 =	vadd.f32 v8, v3  }
0x218: {  	[tilespmem:v15+s29+$0x0] =	vst.idx.msk $0xffff, v61;
	v9 =	vpop (erf)  }
0x219: {  	[tilespmem:v17+s29+$0x0] =	vst.idx.msk $0xffff, v22;
	v3 =	vadd.f32 v9, v3  }
0x21a: {  	[tilespmem:v16+s29+$0x0] =	vst.idx.msk $0xffff, v4;
	v4 =	vpop (erf)  }
0x21b: {  	[tilespmem:v18+s29+$0x0] =	vst.idx.msk $0xffff, v5;
	v3 =	vadd.f32 v4, v3  }
0x21c: {  	s5 =	simm.s32 $0x0;
	[tilespmem:v63+s29+$0x0] =	vst.idx.msk $0xffff, v6  }
0x21d: {  	s2 =	simm.s32 $0x7;
	v14 =	vadd.s32 s5, v1;
	[tilespmem:v49+s29+$0x0] =	vst.idx.msk $0xffff, v2;
	(erf) = vrcp.f32 v3  }
0x21e: {  	v62 =	vadd.s32 s2, v1;
	s4 =	simm.s32 $0x6;
	[tilespmem:v50+s29+$0x0] =	vst.idx.msk $0xffff, v7  }
0x21f: {  	v10 =	vadd.s32 s4, v1;
	s5 =	simm.s32 $0x5;
	[tilespmem:v51+s29+$0x0] =	vst.idx.msk $0xffff, v8  }
0x220: {  	s4 =	simm.s32 $0x4;
	v6 =	vadd.s32 s5, v1;
	[tilespmem:v23+s29+$0x0] =	vst.idx.msk $0xffff, v9  }
0x221: {  	s5 =	simm.s32 $0x3;
	v7 =	vadd.s32 s4, v1;
	[tilespmem:v20+s29+$0x0] =	vst.idx.msk $0xffff, v4  }
0x222: {  	v8 =	vadd.s32 s5, v1;
	s5 =	simm.s32 $0x1;
	v11 =	vld.idx.msk [tilespmem:v14+s29+$0x0], $0xffff  }
0x223: {  	s4 =	simm.s32 $0x2;
	v12 =	vld.idx.msk [tilespmem:v62+s29+$0x0], $0xffff;
	v4 =	vadd.s32 s5, v1  }
0x224: {  	v15 =	vld.idx.msk [tilespmem:v10+s29+$0x0], $0xffff;
	v3 =	vadd.s32 s4, v1;
	s4 =	simm.s32 $0x8  }
0x225: {  	v23 =	vld.idx.msk [tilespmem:v6+s29+$0x0], $0xffff;
	s5 =	simm.s32 $0xF;
	v9 =	vadd.s32 s4, v1  }
0x226: {  	s2 =	simm.s32 $0xE;
	v19 =	vld.idx.msk [tilespmem:v7+s29+$0x0], $0xffff;
	v5 =	vadd.s32 s5, v1;
	v2 =	vpop (erf)  }
0x227: {  	v16 =	vld.idx.msk [tilespmem:v8+s29+$0x0], $0xffff;
	s4 =	simm.s32 $0xD;
	v21 =	vmul.f32 v11, v2;
	v11 =	vadd.s32 s2, v1  }
0x228: {  	s5 =	simm.s32 $0xC;
	v18 =	vld.idx.msk [tilespmem:v4+s29+$0x0], $0xffff;
	v63 =	vmul.f32 v12, v2;
	v12 =	vadd.s32 s4, v1  }
0x229: {  	v13 =	vadd.s32 s5, v1;
	v17 =	vld.idx.msk [tilespmem:v3+s29+$0x0], $0xffff;
	s4 =	simm.s32 $0xB  }
0x22a: {  	s5 =	simm.s32 $0xA;
	v20 =	vld.idx.msk [tilespmem:v9+s29+$0x0], $0xffff;
	v22 =	vmul.f32 v15, v2;
	[tilespmem:v14+s29+$0x0] =	vst.idx.msk $0xffff, v21;
	v14 =	vadd.s32 s4, v1  }
0x22b: {  	s0 =	simm.s32 $0x10;
	s2 =	simm.s32 $0x9;
	v15 =	vadd.s32 s5, v1;
	v23 =	vmul.f32 v23, v2;
	v21 =	vld.idx.msk [tilespmem:v5+s29+$0x0], $0xffff;
	[tilespmem:v62+s29+$0x0] =	vst.idx.msk $0xffff, v63  }
.LBB2_16:
0x22c: {  	p1 =	slt.u32 s0, $0xC0;
	v24 =	vadd.s32 s2, v1;
	v25 =	vld.idx.msk [tilespmem:v11+s29+$0x0], $0xffff;
	v26 =	vmul.f32 v19, v2;
	[tilespmem:v10+s29+$0x0] =	vst.idx.msk $0xffff, v22;
	v10 =	vmov v11  }
0x22d: {  	v27 =	vadd.s32 s0, v1;
	s2 =	sadd.s32 $0x7, s0;
	v22 =	vmul.f32 v16, v2;
	v28 =	vld.idx.msk [tilespmem:v12+s29+$0x0], $0xffff;
	[tilespmem:v6+s29+$0x0] =	vst.idx.msk $0xffff, v23;
	v6 =	vmov v12  }
0x22e: {  	s4 =	sadd.s32 $0x6, s0;
	v29 =	vadd.s32 s2, v1;
	v23 =	vmul.f32 v17, v2;
	v19 =	vld.idx.msk [tilespmem:v13+s29+$0x0], $0xffff;
	[tilespmem:v7+s29+$0x0] =	vst.idx.msk $0xffff, v26;
	v7 =	vmov v13  }
.Ltmp7:
0x22f: {  	s2 =	sadd.s32 $0x5, s0;
	v11 =	vadd.s32 s4, v1;
	v26 =	vmul.f32 v18, v2;
	v16 =	vld.idx.msk [tilespmem:v14+s29+$0x0], $0xffff;
	[tilespmem:v8+s29+$0x0] =	vst.idx.msk $0xffff, v22;
	v8 =	vmov v14;
	(pc) =	sbr.rel @p1 .LBB2_16-.Ltmp7, $4  }
0x230: {  	s4 =	sadd.s32 $0x4, s0;
	v12 =	vadd.s32 s2, v1;
	v22 =	vmul.f32 v20, v2;
	v17 =	vld.idx.msk [tilespmem:v15+s29+$0x0], $0xffff;
	[tilespmem:v3+s29+$0x0] =	vst.idx.msk $0xffff, v23;
	v3 =	vmov v15  }
0x231: {  	s2 =	sadd.s32 $0x3, s0;
	v13 =	vadd.s32 s4, v1;
	v30 =	vmul.f32 v21, v2;
	v18 =	vld.idx.msk [tilespmem:v24+s29+$0x0], $0xffff;
	[tilespmem:v4+s29+$0x0] =	vst.idx.msk $0xffff, v26;
	v4 =	vmov v24  }
0x232: {  	s4 =	sadd.s32 $0x2, s0;
	v14 =	vadd.s32 s2, v1;
	v20 =	vld.idx.msk [tilespmem:v27+s29+$0x0], $0xffff;
	[tilespmem:v9+s29+$0x0] =	vst.idx.msk $0xffff, v22;
	v22 =	vmul.f32 v25, v2;
	v9 =	vmov v27  }
0x233: {  	s2 =	sadd.s32 $0x1, s0;
	s0 =	sadd.s32 $0x8, s0;
	v15 =	vadd.s32 s4, v1;
	v23 =	vmul.f32 v28, v2;
	v21 =	vld.idx.msk [tilespmem:v29+s29+$0x0], $0xffff;
	[tilespmem:v5+s29+$0x0] =	vst.idx.msk $0xffff, v30;
	v5 =	vmov v29  }
0x234: {  	_ =	sdelay $0x3  }
0x235: {  	v19 =	vmul.f32 v19, v2;
	[tilespmem:v10+s29+$0x0] =	vst.idx.msk $0xffff, v22  }
0x236: {  	v10 =	vadd.s32 s2, v1;
	v22 =	vld.idx.msk [tilespmem:v11+s29+$0x0], $0xffff;
	v16 =	vmul.f32 v16, v2;
	[tilespmem:v6+s29+$0x0] =	vst.idx.msk $0xffff, v23  }
0x237: {  	v6 =	vld.idx.msk [tilespmem:v12+s29+$0x0], $0xffff;
	v17 =	vmul.f32 v17, v2;
	[tilespmem:v7+s29+$0x0] =	vst.idx.msk $0xffff, v19  }
0x238: {  	v7 =	vld.idx.msk [tilespmem:v13+s29+$0x0], $0xffff;
	v18 =	vmul.f32 v18, v2;
	[tilespmem:v8+s29+$0x0] =	vst.idx.msk $0xffff, v16  }
0x239: {  	v8 =	vld.idx.msk [tilespmem:v14+s29+$0x0], $0xffff;
	v16 =	vmul.f32 v20, v2;
	[tilespmem:v3+s29+$0x0] =	vst.idx.msk $0xffff, v17  }
0x23a: {  	v3 =	vld.idx.msk [tilespmem:v15+s29+$0x0], $0xffff;
	v17 =	vmul.f32 v21, v2;
	[tilespmem:v4+s29+$0x0] =	vst.idx.msk $0xffff, v18  }
0x23b: {  	v4 =	vld.idx.msk [tilespmem:v10+s29+$0x0], $0xffff;
	[tilespmem:v9+s29+$0x0] =	vst.idx.msk $0xffff, v16;
	v9 =	vmul.f32 v22, v2  }
0x23c: {  	v6 =	vmul.f32 v6, v2;
	[tilespmem:v5+s29+$0x0] =	vst.idx.msk $0xffff, v17  }
0x23d: {  	v5 =	vmul.f32 v7, v2;
	[tilespmem:v11+s29+$0x0] =	vst.idx.msk $0xffff, v9  }
0x23e: {  	v7 =	vmul.f32 v8, v2;
	[tilespmem:v12+s29+$0x0] =	vst.idx.msk $0xffff, v6  }
0x23f: {  	v3 =	vmul.f32 v3, v2;
	[tilespmem:v13+s29+$0x0] =	vst.idx.msk $0xffff, v5  }
0x240: {  	[tilespmem:v14+s29+$0x0] =	vst.idx.msk $0xffff, v7;
	v2 =	vmul.f32 v4, v2  }
0x241: {  	[tilespmem:v15+s29+$0x0] =	vst.idx.msk $0xffff, v3  }
0x242: {  	s0 =	simm.s32 $0x0;
	[tilespmem:v10+s29+$0x0] =	vst.idx.msk $0xffff, v2  }
0x243: {  	[hbm4b:s12+s0] =	stream.linear.scatter [tilespmem:s29], [sflag:$0x4], $0xC80, $0x38;
	[tilespmem:$0x1D170] =	vst v63  }
0x244: {  	_ =	swait.ge [sflag:s24], $0xC80  }
0x245: {  	[sflag:s24] =	ssyncset.done $0x0  }
0x246: {  	v16 =	vadd.s32 s0, v1;
	[sflag:s24] =	ssyncadd.s32 $0xFFFFF380  }
0x247: {  	[tilespmem:s25], [sflag:$0x2] =	stream.linear.gather [hbm4b:s13+s0], $0xC80, $0x38;
	[tilespmem:$0x1D170] =	vst v63  }
0x248: {  	s5 =	simm.s32 $0x1;
	_ =	swait.ge [sflag:s30], $0xC80  }
0x249: {  	s2 =	simm.s32 $0x2;
	v8 =	vadd.s32 s5, v1;
	[sflag:s30] =	ssyncset.done $0x0  }
0x24a: {  	s4 =	simm.s32 $0x3;
	v9 =	vadd.s32 s2, v1;
	[sflag:s30] =	ssyncadd.s32 $0xFFFFF380  }
0x24b: {  	s5 =	simm.s32 $0x4;
	v4 =	vadd.s32 s4, v1;
	v2 =	vld.idx.msk [tilespmem:v16+s21+$0x0], $0xffff  }
0x24c: {  	s2 =	simm.s32 $0x5;
	v7 =	vadd.s32 s5, v1  }
0x24d: {  	v5 =	vadd.s32 s2, v1  }
0x24e: {  	s5 =	simm.s32 $0x7;
	v3 =	vld.idx.msk [tilespmem:v8+s21+$0x0], $0xffff  }
0x24f: {  	s4 =	simm.s32 $0x6;
	v6 =	vadd.s32 s5, v1;
	v11 =	vld.idx.msk [tilespmem:v9+s21+$0x0], $0xffff  }
0x250: {  	v10 =	vadd.s32 s4, v1;
	v13 =	vld.idx.msk [tilespmem:v4+s21+$0x0], $0xffff  }
0x251: {  	s2 =	simm.s32 $0x8;
	v14 =	vld.idx.msk [tilespmem:v7+s21+$0x0], $0xffff  }
0x252: {  	v12 =	vadd.s32 s2, v1;
	v17 =	vld.idx.msk [tilespmem:v5+s21+$0x0], $0xffff  }
0x253: {  	v15 =	vld.idx.msk [tilespmem:v2+s22+$0x0], $0xffff  }
0x254: {  	v22 =	vld.idx.msk [tilespmem:v6+s21+$0x0], $0xffff  }
0x255: {  	v19 =	vld.idx.msk [tilespmem:v10+s21+$0x0], $0xffff  }
0x256: {  	v18 =	vld.idx.msk [tilespmem:v3+s22+$0x0], $0xffff  }
0x257: {  	s4 =	simm.s32 $0x9;
	v26 =	vld.idx.msk [tilespmem:v12+s21+$0x0], $0xffff  }
0x258: {  	s5 =	simm.s32 $0xA;
	v2 =	vadd.s32 s4, v1;
	v21 =	vld.idx.msk [tilespmem:v11+s22+$0x0], $0xffff;
	v15 =	vmul.f32 $1.442695020e+00, v15  }
0x259: {  	v3 =	vadd.s32 s5, v1;
	v24 =	vld.idx.msk [tilespmem:v13+s22+$0x0], $0xffff  }
0x25a: {  	v27 =	vld.idx.msk [tilespmem:v14+s22+$0x0], $0xffff;
	(erf) = vpow2.f32 v15  }
0x25b: {  	s2 =	simm.s32 $0xB;
	v17 =	vld.idx.msk [tilespmem:v17+s22+$0x0], $0xffff;
	v18 =	vmul.f32 $1.442695020e+00, v18  }
0x25c: {  	v11 =	vadd.s32 s2, v1;
	v25 =	vld.idx.msk [tilespmem:v22+s22+$0x0], $0xffff  }
0x25d: {  	s4 =	simm.s32 $0xC;
	v28 =	vld.idx.msk [tilespmem:v2+s21+$0x0], $0xffff;
	v21 =	vmul.f32 $1.442695020e+00, v21;
	(erf) = vpow2.f32 v18  }
0x25e: {  	s5 =	simm.s32 $0xD;
	v13 =	vadd.s32 s4, v1;
	v23 =	vld.idx.msk [tilespmem:v3+s21+$0x0], $0xffff  }
0x25f: {  	v14 =	vadd.s32 s5, v1;
	v22 =	vmul.f32 $1.442695020e+00, v24;
	v18 =	vld.idx.msk [tilespmem:v19+s22+$0x0], $0xffff;
	(erf) = vpow2.f32 v21  }
0x260: {  	s2 =	simm.s32 $0xE  }
0x261: {  	v20 =	vld.idx.msk [tilespmem:v11+s21+$0x0], $0xffff;
	v27 =	vmul.f32 $1.442695020e+00, v27;
	v15 =	vadd.s32 s2, v1;
	(erf) = vpow2.f32 v22  }
0x262: {  	v26 =	vld.idx.msk [tilespmem:v26+s22+$0x0], $0xffff;
	s4 =	simm.s32 $0xF;
	v17 =	vmul.f32 $1.442695020e+00, v17  }
0x263: {  	v29 =	vadd.s32 s4, v1;
	v19 =	vld.idx.msk [tilespmem:v13+s21+$0x0], $0xffff;
	v22 =	vpop (erf);
	(erf) = vpow2.f32 v27  }
0x264: {  	s0 =	simm.s32 $0x10;
	v24 =	vimm.f32 $0.0e+00;
	v21 =	vld.idx.msk [tilespmem:v14+s21+$0x0], $0xffff;
	v30 =	vmul.f32 $1.442695020e+00, v18  }
0x265: {  	s5 =	simm.s32 $0x11;
	v28 =	vld.idx.msk [tilespmem:v28+s22+$0x0], $0xffff;
	v27 =	vadd.s32 s0, v1;
	v31 =	vadd.f32 v22, v24;
	(erf) = vpow2.f32 v17  }
0x266: {  	s2 =	simm.s32 $0x18;
	v18 =	vadd.s32 s5, v1;
	[tilespmem:v16+s26+$0x0] =	vst.idx.msk $0xffff, v22;
	v24 =	vld.idx.msk [tilespmem:v15+s21+$0x0], $0xffff;
	v22 =	vpop (erf);
	v17 =	vmov v29;
	v16 =	vmov v27  }
.LBB2_18:
0x267: {  	p1 =	slt.u32 s2, $0xC0;
	s4 =	sadd.s32 $0x2, s0;
	v23 =	vld.idx.msk [tilespmem:v23+s22+$0x0], $0xffff;
	[tilespmem:v8+s26+$0x0] =	vst.idx.msk $0xffff, v22;
	v22 =	vadd.f32 v22, v31;
	v25 =	vmul.f32 $1.442695020e+00, v25;
	(erf) = vpow2.f32 v30  }
0x268: {  	v8 =	vmov v2;
	v2 =	vmov v18;
	v30 =	vadd.s32 s4, v1;
	v29 =	vld.idx.msk [tilespmem:v29+s21+$0x0], $0xffff;
	v31 =	vpop (erf)  }
0x269: {  	s4 =	sadd.s32 $0x3, s0;
	v26 =	vmul.f32 $1.442695020e+00, v26;
	v20 =	vld.idx.msk [tilespmem:v20+s22+$0x0], $0xffff;
	[tilespmem:v9+s26+$0x0] =	vst.idx.msk $0xffff, v31;
	v22 =	vadd.f32 v31, v22;
	(erf) = vpow2.f32 v25  }
0x26a: {  	v25 =	vadd.s32 s4, v1;
	v9 =	vmov v3;
	v3 =	vmov v30;
	v27 =	vld.idx.msk [tilespmem:v27+s21+$0x0], $0xffff;
	v31 =	vpop (erf)  }
0x26b: {  	s4 =	sadd.s32 $0x4, s0;
	v28 =	vmul.f32 $1.442695020e+00, v28;
	v19 =	vld.idx.msk [tilespmem:v19+s22+$0x0], $0xffff;
	(erf) = vpow2.f32 v26;
	[tilespmem:v4+s26+$0x0] =	vst.idx.msk $0xffff, v31;
	v22 =	vadd.f32 v31, v22  }
0x26c: {  	v26 =	vadd.s32 s4, v1;
	v4 =	vmov v11;
	v11 =	vmov v25;
	v18 =	vld.idx.msk [tilespmem:v18+s21+$0x0], $0xffff;
	v31 =	vpop (erf)  }
0x26d: {  	s4 =	sadd.s32 $0x5, s0;
	v32 =	vmul.f32 $1.442695020e+00, v23;
	v21 =	vld.idx.msk [tilespmem:v21+s22+$0x0], $0xffff;
	(erf) = vpow2.f32 v28;
	[tilespmem:v7+s26+$0x0] =	vst.idx.msk $0xffff, v31;
	v22 =	vadd.f32 v31, v22  }
0x26e: {  	v28 =	vadd.s32 s4, v1;
	v7 =	vmov v13;
	v13 =	vmov v26;
	v23 =	vld.idx.msk [tilespmem:v30+s21+$0x0], $0xffff;
	v30 =	vpop (erf)  }
0x26f: {  	s4 =	sadd.s32 $0x6, s0;
	v31 =	vmul.f32 $1.442695020e+00, v20;
	v24 =	vld.idx.msk [tilespmem:v24+s22+$0x0], $0xffff;
	(erf) = vpow2.f32 v32;
	[tilespmem:v5+s26+$0x0] =	vst.idx.msk $0xffff, v30;
	v22 =	vadd.f32 v30, v22  }
0x270: {  	v32 =	vadd.s32 s4, v1;
	v5 =	vmov v14;
	v14 =	vmov v28;
	v20 =	vld.idx.msk [tilespmem:v25+s21+$0x0], $0xffff;
	v30 =	vpop (erf)  }
0x271: {  	s4 =	sadd.s32 $0x7, s0;
	s0 =	smov.u32 s2;
	v33 =	vmul.f32 $1.442695020e+00, v19;
	v25 =	vld.idx.msk [tilespmem:v29+s22+$0x0], $0xffff;
	(erf) = vpow2.f32 v31;
	[tilespmem:v10+s26+$0x0] =	vst.idx.msk $0xffff, v30;
	v22 =	vadd.f32 v30, v22  }
.Ltmp8:
0x272: {  	v29 =	vadd.s32 s4, v1;
	v10 =	vmov v15;
	v15 =	vmov v32;
	v19 =	vld.idx.msk [tilespmem:v26+s21+$0x0], $0xffff;
	v30 =	vpop (erf);
	(pc) =	sbr.rel @p1 .LBB2_18-.Ltmp8, $4  }
0x273: {  	v34 =	vmul.f32 $1.442695020e+00, v21;
	v26 =	vld.idx.msk [tilespmem:v27+s22+$0x0], $0xffff;
	(erf) = vpow2.f32 v33;
	[tilespmem:v6+s26+$0x0] =	vst.idx.msk $0xffff, v30;
	v33 =	vadd.f32 v30, v22  }
0x274: {  	v27 =	vadd.s32 s2, v1;
	v6 =	vmov v17;
	v17 =	vmov v29;
	v21 =	vld.idx.msk [tilespmem:v28+s21+$0x0], $0xffff;
	v30 =	vpop (erf)  }
0x275: {  	s4 =	sadd.s32 $0x1, s2;
	v28 =	vld.idx.msk [tilespmem:v18+s22+$0x0], $0xffff;
	[tilespmem:v12+s26+$0x0] =	vst.idx.msk $0xffff, v30;
	v31 =	vadd.f32 v30, v33;
	v30 =	vmul.f32 $1.442695020e+00, v24;
	(erf) = vpow2.f32 v34  }
0x276: {  	s2 =	sadd.s32 $0x8, s2;
	v18 =	vadd.s32 s4, v1;
	v12 =	vmov v16;
	v16 =	vmov v27;
	v24 =	vld.idx.msk [tilespmem:v32+s21+$0x0], $0xffff;
	v22 =	vpop (erf)  }
0x277: {  	_ =	sdelay $0x2  }
0x278: {  	v31 =	vadd.f32 v22, v31;
	v25 =	vmul.f32 $1.442695020e+00, v25;
	(erf) = vpow2.f32 v30  }
0x279: {  	v23 =	vld.idx.msk [tilespmem:v23+s22+$0x0], $0xffff;
	v62 =	vpop (erf)  }
0x27a: {  	s2 =	sadd.s32 $0x2, s0;
	v29 =	vld.idx.msk [tilespmem:v29+s21+$0x0], $0xffff;
	v26 =	vmul.f32 $1.442695020e+00, v26;
	v31 =	vadd.f32 v62, v31;
	(erf) = vpow2.f32 v25  }
0x27b: {  	v20 =	vld.idx.msk [tilespmem:v20+s22+$0x0], $0xffff;
	v63 =	vadd.s32 s2, v1;
	v32 =	vpop (erf)  }
0x27c: {  	s4 =	sadd.s32 $0x3, s0;
	v27 =	vld.idx.msk [tilespmem:v27+s21+$0x0], $0xffff;
	v28 =	vmul.f32 $1.442695020e+00, v28;
	(erf) = vpow2.f32 v26;
	v48 =	vadd.f32 v32, v31  }
0x27d: {  	v19 =	vld.idx.msk [tilespmem:v19+s22+$0x0], $0xffff;
	v49 =	vadd.s32 s4, v1;
	v33 =	vpop (erf)  }
0x27e: {  	v34 =	vld.idx.msk [tilespmem:v18+s21+$0x0], $0xffff;
	v23 =	vmul.f32 $1.442695020e+00, v23;
	(erf) = vpow2.f32 v28;
	v26 =	vadd.f32 v33, v48  }
0x27f: {  	v21 =	vld.idx.msk [tilespmem:v21+s22+$0x0], $0xffff;
	v35 =	vpop (erf)  }
0x280: {  	s5 =	sadd.s32 $0x4, s0;
	v24 =	vld.idx.msk [tilespmem:v24+s22+$0x0], $0xffff;
	v20 =	vmul.f32 $1.442695020e+00, v20;
	(erf) = vpow2.f32 v23;
	v23 =	vadd.f32 v35, v26  }
0x281: {  	v50 =	vadd.s32 s5, v1;
	v36 =	vld.idx.msk [tilespmem:v63+s21+$0x0], $0xffff;
	v37 =	vpop (erf)  }
0x282: {  	s4 =	sadd.s32 $0x5, s0;
	v19 =	vmul.f32 $1.442695020e+00, v19;
	v38 =	vld.idx.msk [tilespmem:v49+s21+$0x0], $0xffff;
	(erf) = vpow2.f32 v20;
	v20 =	vadd.f32 v37, v23  }
0x283: {  	v51 =	vadd.s32 s4, v1;
	v29 =	vld.idx.msk [tilespmem:v29+s22+$0x0], $0xffff;
	v39 =	vpop (erf)  }
0x284: {  	s5 =	sadd.s32 $0x6, s0;
	v21 =	vmul.f32 $1.442695020e+00, v21;
	(erf) = vpow2.f32 v19;
	v19 =	vadd.f32 v39, v20  }
0x285: {  	v27 =	vld.idx.msk [tilespmem:v27+s22+$0x0], $0xffff;
	v23 =	vadd.s32 s5, v1;
	v41 =	vpop (erf)  }
0x286: {  	s4 =	sadd.s32 $0x7, s0;
	v40 =	vld.idx.msk [tilespmem:v50+s21+$0x0], $0xffff;
	v24 =	vmul.f32 $1.442695020e+00, v24;
	(erf) = vpow2.f32 v21;
	v19 =	vadd.f32 v41, v19  }
0x287: {  	v20 =	vadd.s32 s4, v1;
	v21 =	vld.idx.msk [tilespmem:v34+s22+$0x0], $0xffff;
	v52 =	vpop (erf)  }
0x288: {  	v42 =	vld.idx.msk [tilespmem:v51+s21+$0x0], $0xffff;
	v29 =	vmul.f32 $1.442695020e+00, v29;
	(erf) = vpow2.f32 v24;
	v19 =	vadd.f32 v52, v19  }
0x289: {  	v53 =	vld.idx.msk [tilespmem:v36+s22+$0x0], $0xffff;
	v54 =	vpop (erf)  }
0x28a: {  	v27 =	vmul.f32 $1.442695020e+00, v27;
	v43 =	vld.idx.msk [tilespmem:v23+s21+$0x0], $0xffff;
	(erf) = vpow2.f32 v29;
	v19 =	vadd.f32 v54, v19  }
0x28b: {  	v55 =	vld.idx.msk [tilespmem:v38+s22+$0x0], $0xffff;
	v56 =	vpop (erf)  }
0x28c: {  	v44 =	vld.idx.msk [tilespmem:v20+s21+$0x0], $0xffff;
	v21 =	vmul.f32 $1.442695020e+00, v21;
	(erf) = vpow2.f32 v27;
	v19 =	vadd.f32 v56, v19  }
0x28d: {  	v58 =	vpop (erf)  }
0x28e: {  	v57 =	vld.idx.msk [tilespmem:v40+s22+$0x0], $0xffff;
	v24 =	vmul.f32 $1.442695020e+00, v53;
	(erf) = vpow2.f32 v21;
	v19 =	vadd.f32 v58, v19  }
0x28f: {  	v59 =	vpop (erf)  }
0x290: {  	v21 =	vld.idx.msk [tilespmem:v42+s22+$0x0], $0xffff;
	(erf) = vpow2.f32 v24;
	v19 =	vadd.f32 v59, v19  }
0x291: {  	v29 =	vmul.f32 $1.442695020e+00, v55;
	v61 =	vpop (erf)  }
0x292: {  	v60 =	vld.idx.msk [tilespmem:v43+s22+$0x0], $0xffff;
	v19 =	vadd.f32 v61, v19  }
0x293: {  	[tilespmem:v8+s26+$0x0] =	vst.idx.msk $0xffff, v22;
	v27 =	vmul.f32 $1.442695020e+00, v57;
	(erf) = vpow2.f32 v29;
	v22 =	vpop (erf)  }
0x294: {  	[tilespmem:v9+s26+$0x0] =	vst.idx.msk $0xffff, v62;
	v8 =	vld.idx.msk [tilespmem:v44+s22+$0x0], $0xffff;
	v19 =	vadd.f32 v22, v19  }
0x295: {  	[tilespmem:v4+s26+$0x0] =	vst.idx.msk $0xffff, v32;
	(erf) = vpow2.f32 v27;
	v9 =	vmul.f32 $1.442695020e+00, v21;
	v4 =	vpop (erf)  }
0x296: {  	[tilespmem:v7+s26+$0x0] =	vst.idx.msk $0xffff, v33;
	v7 =	vadd.f32 v4, v19  }
0x297: {  	[tilespmem:v5+s26+$0x0] =	vst.idx.msk $0xffff, v35;
	(erf) = vpow2.f32 v9;
	v9 =	vmul.f32 $1.442695020e+00, v60;
	v5 =	vpop (erf)  }
0x298: {  	v7 =	vadd.f32 v5, v7  }
0x299: {  	[tilespmem:v6+s26+$0x0] =	vst.idx.msk $0xffff, v39;
	(erf) = vpow2.f32 v9;
	v8 =	vmul.f32 $1.442695020e+00, v8;
	v6 =	vpop (erf)  }
0x29a: {  	v7 =	vadd.f32 v6, v7  }
0x29b: {  	[tilespmem:v10+s26+$0x0] =	vst.idx.msk $0xffff, v37;
	(erf) = vpow2.f32 v8  }
0x29c: {  	[tilespmem:v2+s26+$0x0] =	vst.idx.msk $0xffff, v52;
	v2 =	vpop (erf)  }
0x29d: {  	[tilespmem:v3+s26+$0x0] =	vst.idx.msk $0xffff, v54;
	v3 =	vadd.f32 v2, v7  }
0x29e: {  	[tilespmem:v12+s26+$0x0] =	vst.idx.msk $0xffff, v41;
	v7 =	vpop (erf)  }
0x29f: {  	[tilespmem:v11+s26+$0x0] =	vst.idx.msk $0xffff, v56;
	v3 =	vadd.f32 v7, v3  }
0x2a0: {  	[tilespmem:v13+s26+$0x0] =	vst.idx.msk $0xffff, v58;
	v8 =	vpop (erf)  }
0x2a1: {  	[tilespmem:v14+s26+$0x0] =	vst.idx.msk $0xffff, v59;
	v3 =	vadd.f32 v8, v3  }
0x2a2: {  	[tilespmem:v15+s26+$0x0] =	vst.idx.msk $0xffff, v61;
	v9 =	vpop (erf)  }
0x2a3: {  	[tilespmem:v17+s26+$0x0] =	vst.idx.msk $0xffff, v22;
	v3 =	vadd.f32 v9, v3  }
0x2a4: {  	[tilespmem:v16+s26+$0x0] =	vst.idx.msk $0xffff, v4;
	v4 =	vpop (erf)  }
0x2a5: {  	[tilespmem:v18+s26+$0x0] =	vst.idx.msk $0xffff, v5;
	v3 =	vadd.f32 v4, v3  }
0x2a6: {  	s5 =	simm.s32 $0x0;
	[tilespmem:v63+s26+$0x0] =	vst.idx.msk $0xffff, v6  }
0x2a7: {  	s2 =	simm.s32 $0x7;
	v14 =	vadd.s32 s5, v1;
	[tilespmem:v49+s26+$0x0] =	vst.idx.msk $0xffff, v2;
	(erf) = vrcp.f32 v3  }
0x2a8: {  	v62 =	vadd.s32 s2, v1;
	s4 =	simm.s32 $0x6;
	[tilespmem:v50+s26+$0x0] =	vst.idx.msk $0xffff, v7  }
0x2a9: {  	v10 =	vadd.s32 s4, v1;
	s5 =	simm.s32 $0x5;
	[tilespmem:v51+s26+$0x0] =	vst.idx.msk $0xffff, v8  }
0x2aa: {  	s4 =	simm.s32 $0x4;
	v6 =	vadd.s32 s5, v1;
	[tilespmem:v23+s26+$0x0] =	vst.idx.msk $0xffff, v9  }
0x2ab: {  	s5 =	simm.s32 $0x3;
	v7 =	vadd.s32 s4, v1;
	[tilespmem:v20+s26+$0x0] =	vst.idx.msk $0xffff, v4  }
0x2ac: {  	v8 =	vadd.s32 s5, v1;
	s5 =	simm.s32 $0x1;
	v11 =	vld.idx.msk [tilespmem:v14+s26+$0x0], $0xffff  }
0x2ad: {  	s4 =	simm.s32 $0x2;
	v12 =	vld.idx.msk [tilespmem:v62+s26+$0x0], $0xffff;
	v4 =	vadd.s32 s5, v1  }
0x2ae: {  	v15 =	vld.idx.msk [tilespmem:v10+s26+$0x0], $0xffff;
	v3 =	vadd.s32 s4, v1;
	s4 =	simm.s32 $0x8  }
0x2af: {  	v23 =	vld.idx.msk [tilespmem:v6+s26+$0x0], $0xffff;
	s5 =	simm.s32 $0xF;
	v9 =	vadd.s32 s4, v1  }
0x2b0: {  	s2 =	simm.s32 $0xE;
	v19 =	vld.idx.msk [tilespmem:v7+s26+$0x0], $0xffff;
	v5 =	vadd.s32 s5, v1;
	v2 =	vpop (erf)  }
0x2b1: {  	v16 =	vld.idx.msk [tilespmem:v8+s26+$0x0], $0xffff;
	s4 =	simm.s32 $0xD;
	v21 =	vmul.f32 v11, v2;
	v11 =	vadd.s32 s2, v1  }
0x2b2: {  	s5 =	simm.s32 $0xC;
	v18 =	vld.idx.msk [tilespmem:v4+s26+$0x0], $0xffff;
	v63 =	vmul.f32 v12, v2;
	v12 =	vadd.s32 s4, v1  }
0x2b3: {  	v13 =	vadd.s32 s5, v1;
	v17 =	vld.idx.msk [tilespmem:v3+s26+$0x0], $0xffff;
	s4 =	simm.s32 $0xB  }
0x2b4: {  	s5 =	simm.s32 $0xA;
	v20 =	vld.idx.msk [tilespmem:v9+s26+$0x0], $0xffff;
	v22 =	vmul.f32 v15, v2;
	[tilespmem:v14+s26+$0x0] =	vst.idx.msk $0xffff, v21;
	v14 =	vadd.s32 s4, v1  }
0x2b5: {  	s0 =	simm.s32 $0x10;
	s2 =	simm.s32 $0x9;
	v15 =	vadd.s32 s5, v1;
	v23 =	vmul.f32 v23, v2;
	v21 =	vld.idx.msk [tilespmem:v5+s26+$0x0], $0xffff;
	[tilespmem:v62+s26+$0x0] =	vst.idx.msk $0xffff, v63  }
.LBB2_20:
0x2b6: {  	p1 =	slt.u32 s0, $0xC0;
	v24 =	vadd.s32 s2, v1;
	v25 =	vld.idx.msk [tilespmem:v11+s26+$0x0], $0xffff;
	v26 =	vmul.f32 v19, v2;
	[tilespmem:v10+s26+$0x0] =	vst.idx.msk $0xffff, v22;
	v10 =	vmov v11  }
0x2b7: {  	v27 =	vadd.s32 s0, v1;
	s2 =	sadd.s32 $0x7, s0;
	v22 =	vmul.f32 v16, v2;
	v28 =	vld.idx.msk [tilespmem:v12+s26+$0x0], $0xffff;
	[tilespmem:v6+s26+$0x0] =	vst.idx.msk $0xffff, v23;
	v6 =	vmov v12  }
0x2b8: {  	s4 =	sadd.s32 $0x6, s0;
	v29 =	vadd.s32 s2, v1;
	v23 =	vmul.f32 v17, v2;
	v19 =	vld.idx.msk [tilespmem:v13+s26+$0x0], $0xffff;
	[tilespmem:v7+s26+$0x0] =	vst.idx.msk $0xffff, v26;
	v7 =	vmov v13  }
.Ltmp9:
0x2b9: {  	s2 =	sadd.s32 $0x5, s0;
	v11 =	vadd.s32 s4, v1;
	v26 =	vmul.f32 v18, v2;
	v16 =	vld.idx.msk [tilespmem:v14+s26+$0x0], $0xffff;
	[tilespmem:v8+s26+$0x0] =	vst.idx.msk $0xffff, v22;
	v8 =	vmov v14;
	(pc) =	sbr.rel @p1 .LBB2_20-.Ltmp9, $4  }
0x2ba: {  	s4 =	sadd.s32 $0x4, s0;
	v12 =	vadd.s32 s2, v1;
	v22 =	vmul.f32 v20, v2;
	v17 =	vld.idx.msk [tilespmem:v15+s26+$0x0], $0xffff;
	[tilespmem:v3+s26+$0x0] =	vst.idx.msk $0xffff, v23;
	v3 =	vmov v15  }
0x2bb: {  	s2 =	sadd.s32 $0x3, s0;
	v13 =	vadd.s32 s4, v1;
	v30 =	vmul.f32 v21, v2;
	v18 =	vld.idx.msk [tilespmem:v24+s26+$0x0], $0xffff;
	[tilespmem:v4+s26+$0x0] =	vst.idx.msk $0xffff, v26;
	v4 =	vmov v24  }
0x2bc: {  	s4 =	sadd.s32 $0x2, s0;
	v14 =	vadd.s32 s2, v1;
	v20 =	vld.idx.msk [tilespmem:v27+s26+$0x0], $0xffff;
	[tilespmem:v9+s26+$0x0] =	vst.idx.msk $0xffff, v22;
	v22 =	vmul.f32 v25, v2;
	v9 =	vmov v27  }
0x2bd: {  	s2 =	sadd.s32 $0x1, s0;
	s0 =	sadd.s32 $0x8, s0;
	v15 =	vadd.s32 s4, v1;
	v23 =	vmul.f32 v28, v2;
	v21 =	vld.idx.msk [tilespmem:v29+s26+$0x0], $0xffff;
	[tilespmem:v5+s26+$0x0] =	vst.idx.msk $0xffff, v30;
	v5 =	vmov v29  }
0x2be: {  	_ =	sdelay $0x3  }
0x2bf: {  	v19 =	vmul.f32 v19, v2;
	[tilespmem:v10+s26+$0x0] =	vst.idx.msk $0xffff, v22  }
0x2c0: {  	v10 =	vadd.s32 s2, v1;
	v22 =	vld.idx.msk [tilespmem:v11+s26+$0x0], $0xffff;
	v16 =	vmul.f32 v16, v2;
	[tilespmem:v6+s26+$0x0] =	vst.idx.msk $0xffff, v23  }
0x2c1: {  	v6 =	vld.idx.msk [tilespmem:v12+s26+$0x0], $0xffff;
	v17 =	vmul.f32 v17, v2;
	[tilespmem:v7+s26+$0x0] =	vst.idx.msk $0xffff, v19  }
0x2c2: {  	v7 =	vld.idx.msk [tilespmem:v13+s26+$0x0], $0xffff;
	v18 =	vmul.f32 v18, v2;
	[tilespmem:v8+s26+$0x0] =	vst.idx.msk $0xffff, v16  }
0x2c3: {  	v8 =	vld.idx.msk [tilespmem:v14+s26+$0x0], $0xffff;
	v16 =	vmul.f32 v20, v2;
	[tilespmem:v3+s26+$0x0] =	vst.idx.msk $0xffff, v17  }
0x2c4: {  	v3 =	vld.idx.msk [tilespmem:v15+s26+$0x0], $0xffff;
	v17 =	vmul.f32 v21, v2;
	[tilespmem:v4+s26+$0x0] =	vst.idx.msk $0xffff, v18  }
0x2c5: {  	v4 =	vld.idx.msk [tilespmem:v10+s26+$0x0], $0xffff;
	[tilespmem:v9+s26+$0x0] =	vst.idx.msk $0xffff, v16;
	v9 =	vmul.f32 v22, v2  }
0x2c6: {  	v6 =	vmul.f32 v6, v2;
	[tilespmem:v5+s26+$0x0] =	vst.idx.msk $0xffff, v17  }
0x2c7: {  	v5 =	vmul.f32 v7, v2;
	[tilespmem:v11+s26+$0x0] =	vst.idx.msk $0xffff, v9  }
0x2c8: {  	v7 =	vmul.f32 v8, v2;
	[tilespmem:v12+s26+$0x0] =	vst.idx.msk $0xffff, v6  }
0x2c9: {  	v3 =	vmul.f32 v3, v2;
	[tilespmem:v13+s26+$0x0] =	vst.idx.msk $0xffff, v5  }
0x2ca: {  	[tilespmem:v14+s26+$0x0] =	vst.idx.msk $0xffff, v7;
	v2 =	vmul.f32 v4, v2  }
0x2cb: {  	[tilespmem:v15+s26+$0x0] =	vst.idx.msk $0xffff, v3  }
0x2cc: {  	s0 =	simm.s32 $0x0;
	[tilespmem:v10+s26+$0x0] =	vst.idx.msk $0xffff, v2  }
0x2cd: {  	[hbm4b:s14+s0] =	stream.linear.scatter [tilespmem:s26], [sflag:$0x3], $0xC80, $0x38;
	[tilespmem:$0x1D170] =	vst v63  }
0x2ce: {  	_ =	swait.ge [sflag:s28], $0xC80  }
0x2cf: {  	[sflag:s28] =	ssyncset.done $0x0  }
0x2d0: {  	v16 =	vadd.s32 s0, v1;
	[sflag:s28] =	ssyncadd.s32 $0xFFFFF380  }
0x2d1: {  	[tilespmem:s21], [sflag:$0x1] =	stream.linear.gather [hbm4b:s15+s0], $0xC80, $0x38;
	[tilespmem:$0x1D170] =	vst v63  }
0x2d2: {  	s5 =	simm.s32 $0x1;
	_ =	swait.ge [sflag:s31], $0xC80  }
0x2d3: {  	s2 =	simm.s32 $0x2;
	v8 =	vadd.s32 s5, v1;
	[sflag:s31] =	ssyncset.done $0x0  }
0x2d4: {  	s4 =	simm.s32 $0x3;
	v9 =	vadd.s32 s2, v1;
	[sflag:s31] =	ssyncadd.s32 $0xFFFFF380  }
0x2d5: {  	s5 =	simm.s32 $0x4;
	v4 =	vadd.s32 s4, v1;
	v2 =	vld.idx.msk [tilespmem:v16+s25+$0x0], $0xffff  }
0x2d6: {  	s2 =	simm.s32 $0x5;
	v7 =	vadd.s32 s5, v1  }
0x2d7: {  	v5 =	vadd.s32 s2, v1  }
0x2d8: {  	s5 =	simm.s32 $0x7;
	v3 =	vld.idx.msk [tilespmem:v8+s25+$0x0], $0xffff  }
0x2d9: {  	s4 =	simm.s32 $0x6;
	v6 =	vadd.s32 s5, v1;
	v11 =	vld.idx.msk [tilespmem:v9+s25+$0x0], $0xffff  }
0x2da: {  	v10 =	vadd.s32 s4, v1;
	v13 =	vld.idx.msk [tilespmem:v4+s25+$0x0], $0xffff  }
0x2db: {  	s2 =	simm.s32 $0x8;
	v14 =	vld.idx.msk [tilespmem:v7+s25+$0x0], $0xffff  }
0x2dc: {  	v12 =	vadd.s32 s2, v1;
	v17 =	vld.idx.msk [tilespmem:v5+s25+$0x0], $0xffff  }
0x2dd: {  	v15 =	vld.idx.msk [tilespmem:v2+s22+$0x0], $0xffff  }
0x2de: {  	v22 =	vld.idx.msk [tilespmem:v6+s25+$0x0], $0xffff  }
0x2df: {  	v19 =	vld.idx.msk [tilespmem:v10+s25+$0x0], $0xffff  }
0x2e0: {  	v18 =	vld.idx.msk [tilespmem:v3+s22+$0x0], $0xffff  }
0x2e1: {  	s4 =	simm.s32 $0x9;
	v26 =	vld.idx.msk [tilespmem:v12+s25+$0x0], $0xffff  }
0x2e2: {  	s5 =	simm.s32 $0xA;
	v2 =	vadd.s32 s4, v1;
	v21 =	vld.idx.msk [tilespmem:v11+s22+$0x0], $0xffff;
	v15 =	vmul.f32 $1.442695020e+00, v15  }
0x2e3: {  	v3 =	vadd.s32 s5, v1;
	v24 =	vld.idx.msk [tilespmem:v13+s22+$0x0], $0xffff  }
0x2e4: {  	v27 =	vld.idx.msk [tilespmem:v14+s22+$0x0], $0xffff;
	(erf) = vpow2.f32 v15  }
0x2e5: {  	s2 =	simm.s32 $0xB;
	v17 =	vld.idx.msk [tilespmem:v17+s22+$0x0], $0xffff;
	v18 =	vmul.f32 $1.442695020e+00, v18  }
0x2e6: {  	v11 =	vadd.s32 s2, v1;
	v25 =	vld.idx.msk [tilespmem:v22+s22+$0x0], $0xffff  }
0x2e7: {  	s4 =	simm.s32 $0xC;
	v28 =	vld.idx.msk [tilespmem:v2+s25+$0x0], $0xffff;
	v21 =	vmul.f32 $1.442695020e+00, v21;
	(erf) = vpow2.f32 v18  }
0x2e8: {  	s5 =	simm.s32 $0xD;
	v13 =	vadd.s32 s4, v1;
	v23 =	vld.idx.msk [tilespmem:v3+s25+$0x0], $0xffff  }
0x2e9: {  	v14 =	vadd.s32 s5, v1;
	v22 =	vmul.f32 $1.442695020e+00, v24;
	v18 =	vld.idx.msk [tilespmem:v19+s22+$0x0], $0xffff;
	(erf) = vpow2.f32 v21  }
0x2ea: {  	s2 =	simm.s32 $0xE  }
0x2eb: {  	v20 =	vld.idx.msk [tilespmem:v11+s25+$0x0], $0xffff;
	v27 =	vmul.f32 $1.442695020e+00, v27;
	v15 =	vadd.s32 s2, v1;
	(erf) = vpow2.f32 v22  }
0x2ec: {  	v26 =	vld.idx.msk [tilespmem:v26+s22+$0x0], $0xffff;
	s4 =	simm.s32 $0xF;
	v17 =	vmul.f32 $1.442695020e+00, v17  }
0x2ed: {  	v29 =	vadd.s32 s4, v1;
	v19 =	vld.idx.msk [tilespmem:v13+s25+$0x0], $0xffff;
	v22 =	vpop (erf);
	(erf) = vpow2.f32 v27  }
0x2ee: {  	s0 =	simm.s32 $0x10;
	v24 =	vimm.f32 $0.0e+00;
	v21 =	vld.idx.msk [tilespmem:v14+s25+$0x0], $0xffff;
	v30 =	vmul.f32 $1.442695020e+00, v18  }
0x2ef: {  	s5 =	simm.s32 $0x11;
	v28 =	vld.idx.msk [tilespmem:v28+s22+$0x0], $0xffff;
	v27 =	vadd.s32 s0, v1;
	v31 =	vadd.f32 v22, v24;
	(erf) = vpow2.f32 v17  }
0x2f0: {  	s2 =	simm.s32 $0x18;
	v18 =	vadd.s32 s5, v1;
	[tilespmem:v16+s29+$0x0] =	vst.idx.msk $0xffff, v22;
	v24 =	vld.idx.msk [tilespmem:v15+s25+$0x0], $0xffff;
	v22 =	vpop (erf);
	v17 =	vmov v29;
	v16 =	vmov v27  }
.LBB2_22:
0x2f1: {  	p1 =	slt.u32 s2, $0xC0;
	s4 =	sadd.s32 $0x2, s0;
	v23 =	vld.idx.msk [tilespmem:v23+s22+$0x0], $0xffff;
	[tilespmem:v8+s29+$0x0] =	vst.idx.msk $0xffff, v22;
	v22 =	vadd.f32 v22, v31;
	v25 =	vmul.f32 $1.442695020e+00, v25;
	(erf) = vpow2.f32 v30  }
0x2f2: {  	v8 =	vmov v2;
	v2 =	vmov v18;
	v30 =	vadd.s32 s4, v1;
	v29 =	vld.idx.msk [tilespmem:v29+s25+$0x0], $0xffff;
	v31 =	vpop (erf)  }
0x2f3: {  	s4 =	sadd.s32 $0x3, s0;
	v26 =	vmul.f32 $1.442695020e+00, v26;
	v20 =	vld.idx.msk [tilespmem:v20+s22+$0x0], $0xffff;
	[tilespmem:v9+s29+$0x0] =	vst.idx.msk $0xffff, v31;
	v22 =	vadd.f32 v31, v22;
	(erf) = vpow2.f32 v25  }
0x2f4: {  	v25 =	vadd.s32 s4, v1;
	v9 =	vmov v3;
	v3 =	vmov v30;
	v27 =	vld.idx.msk [tilespmem:v27+s25+$0x0], $0xffff;
	v31 =	vpop (erf)  }
0x2f5: {  	s4 =	sadd.s32 $0x4, s0;
	v28 =	vmul.f32 $1.442695020e+00, v28;
	v19 =	vld.idx.msk [tilespmem:v19+s22+$0x0], $0xffff;
	(erf) = vpow2.f32 v26;
	[tilespmem:v4+s29+$0x0] =	vst.idx.msk $0xffff, v31;
	v22 =	vadd.f32 v31, v22  }
0x2f6: {  	v26 =	vadd.s32 s4, v1;
	v4 =	vmov v11;
	v11 =	vmov v25;
	v18 =	vld.idx.msk [tilespmem:v18+s25+$0x0], $0xffff;
	v31 =	vpop (erf)  }
0x2f7: {  	s4 =	sadd.s32 $0x5, s0;
	v32 =	vmul.f32 $1.442695020e+00, v23;
	v21 =	vld.idx.msk [tilespmem:v21+s22+$0x0], $0xffff;
	(erf) = vpow2.f32 v28;
	[tilespmem:v7+s29+$0x0] =	vst.idx.msk $0xffff, v31;
	v22 =	vadd.f32 v31, v22  }
0x2f8: {  	v28 =	vadd.s32 s4, v1;
	v7 =	vmov v13;
	v13 =	vmov v26;
	v23 =	vld.idx.msk [tilespmem:v30+s25+$0x0], $0xffff;
	v30 =	vpop (erf)  }
0x2f9: {  	s4 =	sadd.s32 $0x6, s0;
	v31 =	vmul.f32 $1.442695020e+00, v20;
	v24 =	vld.idx.msk [tilespmem:v24+s22+$0x0], $0xffff;
	(erf) = vpow2.f32 v32;
	[tilespmem:v5+s29+$0x0] =	vst.idx.msk $0xffff, v30;
	v22 =	vadd.f32 v30, v22  }
0x2fa: {  	v32 =	vadd.s32 s4, v1;
	v5 =	vmov v14;
	v14 =	vmov v28;
	v20 =	vld.idx.msk [tilespmem:v25+s25+$0x0], $0xffff;
	v30 =	vpop (erf)  }
0x2fb: {  	s4 =	sadd.s32 $0x7, s0;
	s0 =	smov.u32 s2;
	v33 =	vmul.f32 $1.442695020e+00, v19;
	v25 =	vld.idx.msk [tilespmem:v29+s22+$0x0], $0xffff;
	(erf) = vpow2.f32 v31;
	[tilespmem:v10+s29+$0x0] =	vst.idx.msk $0xffff, v30;
	v22 =	vadd.f32 v30, v22  }
.Ltmp10:
0x2fc: {  	v29 =	vadd.s32 s4, v1;
	v10 =	vmov v15;
	v15 =	vmov v32;
	v19 =	vld.idx.msk [tilespmem:v26+s25+$0x0], $0xffff;
	v30 =	vpop (erf);
	(pc) =	sbr.rel @p1 .LBB2_22-.Ltmp10, $4  }
0x2fd: {  	v34 =	vmul.f32 $1.442695020e+00, v21;
	v26 =	vld.idx.msk [tilespmem:v27+s22+$0x0], $0xffff;
	(erf) = vpow2.f32 v33;
	[tilespmem:v6+s29+$0x0] =	vst.idx.msk $0xffff, v30;
	v33 =	vadd.f32 v30, v22  }
0x2fe: {  	v27 =	vadd.s32 s2, v1;
	v6 =	vmov v17;
	v17 =	vmov v29;
	v21 =	vld.idx.msk [tilespmem:v28+s25+$0x0], $0xffff;
	v30 =	vpop (erf)  }
0x2ff: {  	s4 =	sadd.s32 $0x1, s2;
	v28 =	vld.idx.msk [tilespmem:v18+s22+$0x0], $0xffff;
	[tilespmem:v12+s29+$0x0] =	vst.idx.msk $0xffff, v30;
	v31 =	vadd.f32 v30, v33;
	v30 =	vmul.f32 $1.442695020e+00, v24;
	(erf) = vpow2.f32 v34  }
0x300: {  	s2 =	sadd.s32 $0x8, s2;
	v18 =	vadd.s32 s4, v1;
	v12 =	vmov v16;
	v16 =	vmov v27;
	v24 =	vld.idx.msk [tilespmem:v32+s25+$0x0], $0xffff;
	v22 =	vpop (erf)  }
0x301: {  	_ =	sdelay $0x2  }
0x302: {  	v31 =	vadd.f32 v22, v31;
	v25 =	vmul.f32 $1.442695020e+00, v25;
	(erf) = vpow2.f32 v30  }
0x303: {  	v23 =	vld.idx.msk [tilespmem:v23+s22+$0x0], $0xffff;
	v62 =	vpop (erf)  }
0x304: {  	s2 =	sadd.s32 $0x2, s0;
	v29 =	vld.idx.msk [tilespmem:v29+s25+$0x0], $0xffff;
	v26 =	vmul.f32 $1.442695020e+00, v26;
	v31 =	vadd.f32 v62, v31;
	(erf) = vpow2.f32 v25  }
0x305: {  	v20 =	vld.idx.msk [tilespmem:v20+s22+$0x0], $0xffff;
	v63 =	vadd.s32 s2, v1;
	v32 =	vpop (erf)  }
0x306: {  	s4 =	sadd.s32 $0x3, s0;
	v27 =	vld.idx.msk [tilespmem:v27+s25+$0x0], $0xffff;
	v28 =	vmul.f32 $1.442695020e+00, v28;
	(erf) = vpow2.f32 v26;
	v48 =	vadd.f32 v32, v31  }
0x307: {  	v19 =	vld.idx.msk [tilespmem:v19+s22+$0x0], $0xffff;
	v49 =	vadd.s32 s4, v1;
	v33 =	vpop (erf)  }
0x308: {  	v34 =	vld.idx.msk [tilespmem:v18+s25+$0x0], $0xffff;
	v23 =	vmul.f32 $1.442695020e+00, v23;
	(erf) = vpow2.f32 v28;
	v26 =	vadd.f32 v33, v48  }
0x309: {  	v21 =	vld.idx.msk [tilespmem:v21+s22+$0x0], $0xffff;
	v35 =	vpop (erf)  }
0x30a: {  	s5 =	sadd.s32 $0x4, s0;
	v24 =	vld.idx.msk [tilespmem:v24+s22+$0x0], $0xffff;
	v20 =	vmul.f32 $1.442695020e+00, v20;
	(erf) = vpow2.f32 v23;
	v23 =	vadd.f32 v35, v26  }
0x30b: {  	v50 =	vadd.s32 s5, v1;
	v36 =	vld.idx.msk [tilespmem:v63+s25+$0x0], $0xffff;
	v37 =	vpop (erf)  }
0x30c: {  	s4 =	sadd.s32 $0x5, s0;
	v19 =	vmul.f32 $1.442695020e+00, v19;
	v38 =	vld.idx.msk [tilespmem:v49+s25+$0x0], $0xffff;
	(erf) = vpow2.f32 v20;
	v20 =	vadd.f32 v37, v23  }
0x30d: {  	v51 =	vadd.s32 s4, v1;
	v29 =	vld.idx.msk [tilespmem:v29+s22+$0x0], $0xffff;
	v39 =	vpop (erf)  }
0x30e: {  	s5 =	sadd.s32 $0x6, s0;
	v21 =	vmul.f32 $1.442695020e+00, v21;
	(erf) = vpow2.f32 v19;
	v19 =	vadd.f32 v39, v20  }
0x30f: {  	v27 =	vld.idx.msk [tilespmem:v27+s22+$0x0], $0xffff;
	v23 =	vadd.s32 s5, v1;
	v41 =	vpop (erf)  }
0x310: {  	s4 =	sadd.s32 $0x7, s0;
	v40 =	vld.idx.msk [tilespmem:v50+s25+$0x0], $0xffff;
	v24 =	vmul.f32 $1.442695020e+00, v24;
	(erf) = vpow2.f32 v21;
	v19 =	vadd.f32 v41, v19  }
0x311: {  	v20 =	vadd.s32 s4, v1;
	v21 =	vld.idx.msk [tilespmem:v34+s22+$0x0], $0xffff;
	v52 =	vpop (erf)  }
0x312: {  	v42 =	vld.idx.msk [tilespmem:v51+s25+$0x0], $0xffff;
	v29 =	vmul.f32 $1.442695020e+00, v29;
	(erf) = vpow2.f32 v24;
	v19 =	vadd.f32 v52, v19  }
0x313: {  	v53 =	vld.idx.msk [tilespmem:v36+s22+$0x0], $0xffff;
	v54 =	vpop (erf)  }
0x314: {  	v27 =	vmul.f32 $1.442695020e+00, v27;
	v43 =	vld.idx.msk [tilespmem:v23+s25+$0x0], $0xffff;
	(erf) = vpow2.f32 v29;
	v19 =	vadd.f32 v54, v19  }
0x315: {  	v55 =	vld.idx.msk [tilespmem:v38+s22+$0x0], $0xffff;
	v56 =	vpop (erf)  }
0x316: {  	v44 =	vld.idx.msk [tilespmem:v20+s25+$0x0], $0xffff;
	v21 =	vmul.f32 $1.442695020e+00, v21;
	(erf) = vpow2.f32 v27;
	v19 =	vadd.f32 v56, v19  }
0x317: {  	v58 =	vpop (erf)  }
0x318: {  	v57 =	vld.idx.msk [tilespmem:v40+s22+$0x0], $0xffff;
	v24 =	vmul.f32 $1.442695020e+00, v53;
	(erf) = vpow2.f32 v21;
	v19 =	vadd.f32 v58, v19  }
0x319: {  	v59 =	vpop (erf)  }
0x31a: {  	v21 =	vld.idx.msk [tilespmem:v42+s22+$0x0], $0xffff;
	(erf) = vpow2.f32 v24;
	v19 =	vadd.f32 v59, v19  }
0x31b: {  	v29 =	vmul.f32 $1.442695020e+00, v55;
	v61 =	vpop (erf)  }
0x31c: {  	v60 =	vld.idx.msk [tilespmem:v43+s22+$0x0], $0xffff;
	v19 =	vadd.f32 v61, v19  }
0x31d: {  	[tilespmem:v8+s29+$0x0] =	vst.idx.msk $0xffff, v22;
	v27 =	vmul.f32 $1.442695020e+00, v57;
	(erf) = vpow2.f32 v29;
	v22 =	vpop (erf)  }
0x31e: {  	[tilespmem:v9+s29+$0x0] =	vst.idx.msk $0xffff, v62;
	v8 =	vld.idx.msk [tilespmem:v44+s22+$0x0], $0xffff;
	v19 =	vadd.f32 v22, v19  }
0x31f: {  	[tilespmem:v4+s29+$0x0] =	vst.idx.msk $0xffff, v32;
	(erf) = vpow2.f32 v27;
	v9 =	vmul.f32 $1.442695020e+00, v21;
	v4 =	vpop (erf)  }
0x320: {  	[tilespmem:v7+s29+$0x0] =	vst.idx.msk $0xffff, v33;
	v7 =	vadd.f32 v4, v19  }
0x321: {  	[tilespmem:v5+s29+$0x0] =	vst.idx.msk $0xffff, v35;
	(erf) = vpow2.f32 v9;
	v9 =	vmul.f32 $1.442695020e+00, v60;
	v5 =	vpop (erf)  }
0x322: {  	v7 =	vadd.f32 v5, v7  }
0x323: {  	[tilespmem:v6+s29+$0x0] =	vst.idx.msk $0xffff, v39;
	(erf) = vpow2.f32 v9;
	v8 =	vmul.f32 $1.442695020e+00, v8;
	v6 =	vpop (erf)  }
0x324: {  	v7 =	vadd.f32 v6, v7  }
0x325: {  	[tilespmem:v10+s29+$0x0] =	vst.idx.msk $0xffff, v37;
	(erf) = vpow2.f32 v8  }
0x326: {  	[tilespmem:v2+s29+$0x0] =	vst.idx.msk $0xffff, v52;
	v2 =	vpop (erf)  }
0x327: {  	[tilespmem:v3+s29+$0x0] =	vst.idx.msk $0xffff, v54;
	v3 =	vadd.f32 v2, v7  }
0x328: {  	[tilespmem:v12+s29+$0x0] =	vst.idx.msk $0xffff, v41;
	v7 =	vpop (erf)  }
0x329: {  	[tilespmem:v11+s29+$0x0] =	vst.idx.msk $0xffff, v56;
	v3 =	vadd.f32 v7, v3  }
0x32a: {  	[tilespmem:v13+s29+$0x0] =	vst.idx.msk $0xffff, v58;
	v8 =	vpop (erf)  }
0x32b: {  	[tilespmem:v14+s29+$0x0] =	vst.idx.msk $0xffff, v59;
	v3 =	vadd.f32 v8, v3  }
0x32c: {  	[tilespmem:v15+s29+$0x0] =	vst.idx.msk $0xffff, v61;
	v9 =	vpop (erf)  }
0x32d: {  	[tilespmem:v17+s29+$0x0] =	vst.idx.msk $0xffff, v22;
	v3 =	vadd.f32 v9, v3  }
0x32e: {  	[tilespmem:v16+s29+$0x0] =	vst.idx.msk $0xffff, v4;
	v4 =	vpop (erf)  }
0x32f: {  	[tilespmem:v18+s29+$0x0] =	vst.idx.msk $0xffff, v5;
	v3 =	vadd.f32 v4, v3  }
0x330: {  	s5 =	simm.s32 $0x0;
	[tilespmem:v63+s29+$0x0] =	vst.idx.msk $0xffff, v6  }
0x331: {  	s2 =	simm.s32 $0x7;
	v14 =	vadd.s32 s5, v1;
	[tilespmem:v49+s29+$0x0] =	vst.idx.msk $0xffff, v2;
	(erf) = vrcp.f32 v3  }
0x332: {  	v62 =	vadd.s32 s2, v1;
	s4 =	simm.s32 $0x6;
	[tilespmem:v50+s29+$0x0] =	vst.idx.msk $0xffff, v7  }
0x333: {  	v10 =	vadd.s32 s4, v1;
	s5 =	simm.s32 $0x5;
	[tilespmem:v51+s29+$0x0] =	vst.idx.msk $0xffff, v8  }
0x334: {  	s4 =	simm.s32 $0x4;
	v6 =	vadd.s32 s5, v1;
	[tilespmem:v23+s29+$0x0] =	vst.idx.msk $0xffff, v9  }
0x335: {  	s5 =	simm.s32 $0x3;
	v7 =	vadd.s32 s4, v1;
	[tilespmem:v20+s29+$0x0] =	vst.idx.msk $0xffff, v4  }
0x336: {  	v8 =	vadd.s32 s5, v1;
	s5 =	simm.s32 $0x1;
	v11 =	vld.idx.msk [tilespmem:v14+s29+$0x0], $0xffff  }
0x337: {  	s4 =	simm.s32 $0x2;
	v12 =	vld.idx.msk [tilespmem:v62+s29+$0x0], $0xffff;
	v4 =	vadd.s32 s5, v1  }
0x338: {  	v15 =	vld.idx.msk [tilespmem:v10+s29+$0x0], $0xffff;
	v3 =	vadd.s32 s4, v1;
	s4 =	simm.s32 $0x8  }
0x339: {  	v23 =	vld.idx.msk [tilespmem:v6+s29+$0x0], $0xffff;
	s5 =	simm.s32 $0xF;
	v9 =	vadd.s32 s4, v1  }
0x33a: {  	s2 =	simm.s32 $0xE;
	v19 =	vld.idx.msk [tilespmem:v7+s29+$0x0], $0xffff;
	v5 =	vadd.s32 s5, v1;
	v2 =	vpop (erf)  }
0x33b: {  	v16 =	vld.idx.msk [tilespmem:v8+s29+$0x0], $0xffff;
	s4 =	simm.s32 $0xD;
	v21 =	vmul.f32 v11, v2;
	v11 =	vadd.s32 s2, v1  }
0x33c: {  	s5 =	simm.s32 $0xC;
	v18 =	vld.idx.msk [tilespmem:v4+s29+$0x0], $0xffff;
	v63 =	vmul.f32 v12, v2;
	v12 =	vadd.s32 s4, v1  }
0x33d: {  	v13 =	vadd.s32 s5, v1;
	v17 =	vld.idx.msk [tilespmem:v3+s29+$0x0], $0xffff;
	s4 =	simm.s32 $0xB  }
0x33e: {  	s5 =	simm.s32 $0xA;
	v20 =	vld.idx.msk [tilespmem:v9+s29+$0x0], $0xffff;
	v22 =	vmul.f32 v15, v2;
	[tilespmem:v14+s29+$0x0] =	vst.idx.msk $0xffff, v21;
	v14 =	vadd.s32 s4, v1  }
0x33f: {  	s0 =	simm.s32 $0x10;
	s2 =	simm.s32 $0x9;
	v15 =	vadd.s32 s5, v1;
	v23 =	vmul.f32 v23, v2;
	v21 =	vld.idx.msk [tilespmem:v5+s29+$0x0], $0xffff;
	[tilespmem:v62+s29+$0x0] =	vst.idx.msk $0xffff, v63  }
.LBB2_24:
0x340: {  	p1 =	slt.u32 s0, $0xC0;
	v24 =	vadd.s32 s2, v1;
	v25 =	vld.idx.msk [tilespmem:v11+s29+$0x0], $0xffff;
	v26 =	vmul.f32 v19, v2;
	[tilespmem:v10+s29+$0x0] =	vst.idx.msk $0xffff, v22;
	v10 =	vmov v11  }
0x341: {  	v27 =	vadd.s32 s0, v1;
	s2 =	sadd.s32 $0x7, s0;
	v22 =	vmul.f32 v16, v2;
	v28 =	vld.idx.msk [tilespmem:v12+s29+$0x0], $0xffff;
	[tilespmem:v6+s29+$0x0] =	vst.idx.msk $0xffff, v23;
	v6 =	vmov v12  }
0x342: {  	s4 =	sadd.s32 $0x6, s0;
	v29 =	vadd.s32 s2, v1;
	v23 =	vmul.f32 v17, v2;
	v19 =	vld.idx.msk [tilespmem:v13+s29+$0x0], $0xffff;
	[tilespmem:v7+s29+$0x0] =	vst.idx.msk $0xffff, v26;
	v7 =	vmov v13  }
.Ltmp11:
0x343: {  	s2 =	sadd.s32 $0x5, s0;
	v11 =	vadd.s32 s4, v1;
	v26 =	vmul.f32 v18, v2;
	v16 =	vld.idx.msk [tilespmem:v14+s29+$0x0], $0xffff;
	[tilespmem:v8+s29+$0x0] =	vst.idx.msk $0xffff, v22;
	v8 =	vmov v14;
	(pc) =	sbr.rel @p1 .LBB2_24-.Ltmp11, $4  }
0x344: {  	s4 =	sadd.s32 $0x4, s0;
	v12 =	vadd.s32 s2, v1;
	v22 =	vmul.f32 v20, v2;
	v17 =	vld.idx.msk [tilespmem:v15+s29+$0x0], $0xffff;
	[tilespmem:v3+s29+$0x0] =	vst.idx.msk $0xffff, v23;
	v3 =	vmov v15  }
0x345: {  	s2 =	sadd.s32 $0x3, s0;
	v13 =	vadd.s32 s4, v1;
	v30 =	vmul.f32 v21, v2;
	v18 =	vld.idx.msk [tilespmem:v24+s29+$0x0], $0xffff;
	[tilespmem:v4+s29+$0x0] =	vst.idx.msk $0xffff, v26;
	v4 =	vmov v24  }
0x346: {  	s4 =	sadd.s32 $0x2, s0;
	v14 =	vadd.s32 s2, v1;
	v20 =	vld.idx.msk [tilespmem:v27+s29+$0x0], $0xffff;
	[tilespmem:v9+s29+$0x0] =	vst.idx.msk $0xffff, v22;
	v22 =	vmul.f32 v25, v2;
	v9 =	vmov v27  }
0x347: {  	s2 =	sadd.s32 $0x1, s0;
	s0 =	sadd.s32 $0x8, s0;
	v15 =	vadd.s32 s4, v1;
	v23 =	vmul.f32 v28, v2;
	v21 =	vld.idx.msk [tilespmem:v29+s29+$0x0], $0xffff;
	[tilespmem:v5+s29+$0x0] =	vst.idx.msk $0xffff, v30;
	v5 =	vmov v29  }
0x348: {  	_ =	sdelay $0x3  }
0x349: {  	v19 =	vmul.f32 v19, v2;
	[tilespmem:v10+s29+$0x0] =	vst.idx.msk $0xffff, v22  }
0x34a: {  	v10 =	vadd.s32 s2, v1;
	v22 =	vld.idx.msk [tilespmem:v11+s29+$0x0], $0xffff;
	v16 =	vmul.f32 v16, v2;
	[tilespmem:v6+s29+$0x0] =	vst.idx.msk $0xffff, v23  }
0x34b: {  	v6 =	vld.idx.msk [tilespmem:v12+s29+$0x0], $0xffff;
	v17 =	vmul.f32 v17, v2;
	[tilespmem:v7+s29+$0x0] =	vst.idx.msk $0xffff, v19  }
0x34c: {  	v7 =	vld.idx.msk [tilespmem:v13+s29+$0x0], $0xffff;
	v18 =	vmul.f32 v18, v2;
	[tilespmem:v8+s29+$0x0] =	vst.idx.msk $0xffff, v16  }
0x34d: {  	v8 =	vld.idx.msk [tilespmem:v14+s29+$0x0], $0xffff;
	v16 =	vmul.f32 v20, v2;
	[tilespmem:v3+s29+$0x0] =	vst.idx.msk $0xffff, v17  }
0x34e: {  	v3 =	vld.idx.msk [tilespmem:v15+s29+$0x0], $0xffff;
	v17 =	vmul.f32 v21, v2;
	[tilespmem:v4+s29+$0x0] =	vst.idx.msk $0xffff, v18  }
0x34f: {  	v4 =	vld.idx.msk [tilespmem:v10+s29+$0x0], $0xffff;
	[tilespmem:v9+s29+$0x0] =	vst.idx.msk $0xffff, v16;
	v9 =	vmul.f32 v22, v2  }
0x350: {  	v6 =	vmul.f32 v6, v2;
	[tilespmem:v5+s29+$0x0] =	vst.idx.msk $0xffff, v17  }
0x351: {  	v5 =	vmul.f32 v7, v2;
	[tilespmem:v11+s29+$0x0] =	vst.idx.msk $0xffff, v9  }
0x352: {  	v7 =	vmul.f32 v8, v2;
	[tilespmem:v12+s29+$0x0] =	vst.idx.msk $0xffff, v6  }
0x353: {  	v3 =	vmul.f32 v3, v2;
	[tilespmem:v13+s29+$0x0] =	vst.idx.msk $0xffff, v5  }
0x354: {  	[tilespmem:v14+s29+$0x0] =	vst.idx.msk $0xffff, v7;
	v2 =	vmul.f32 v4, v2  }
0x355: {  	[tilespmem:v15+s29+$0x0] =	vst.idx.msk $0xffff, v3  }
0x356: {  	s0 =	simm.s32 $0x0;
	[tilespmem:v10+s29+$0x0] =	vst.idx.msk $0xffff, v2  }
0x357: {  	[hbm4b:s16+s0] =	stream.linear.scatter [tilespmem:s29], [sflag:$0x4], $0xC80, $0x38;
	[tilespmem:$0x1D170] =	vst v63  }
0x358: {  	_ =	swait.ge [sflag:s24], $0xC80  }
0x359: {  	[sflag:s24] =	ssyncset.done $0x0  }
0x35a: {  	v16 =	vadd.s32 s0, v1;
	[sflag:s24] =	ssyncadd.s32 $0xFFFFF380  }
0x35b: {  	[tilespmem:s25], [sflag:$0x2] =	stream.linear.gather [hbm4b:s17+s0], $0xC80, $0x38;
	[tilespmem:$0x1D170] =	vst v63  }
0x35c: {  	s5 =	simm.s32 $0x1;
	_ =	swait.ge [sflag:s30], $0xC80  }
0x35d: {  	s2 =	simm.s32 $0x2;
	v8 =	vadd.s32 s5, v1;
	[sflag:s30] =	ssyncset.done $0x0  }
0x35e: {  	s4 =	simm.s32 $0x3;
	v9 =	vadd.s32 s2, v1;
	[sflag:s30] =	ssyncadd.s32 $0xFFFFF380  }
0x35f: {  	s5 =	simm.s32 $0x4;
	v4 =	vadd.s32 s4, v1;
	v2 =	vld.idx.msk [tilespmem:v16+s21+$0x0], $0xffff  }
0x360: {  	s2 =	simm.s32 $0x5;
	v7 =	vadd.s32 s5, v1  }
0x361: {  	v5 =	vadd.s32 s2, v1  }
0x362: {  	s5 =	simm.s32 $0x7;
	v3 =	vld.idx.msk [tilespmem:v8+s21+$0x0], $0xffff  }
0x363: {  	s4 =	simm.s32 $0x6;
	v6 =	vadd.s32 s5, v1;
	v11 =	vld.idx.msk [tilespmem:v9+s21+$0x0], $0xffff  }
0x364: {  	v10 =	vadd.s32 s4, v1;
	v13 =	vld.idx.msk [tilespmem:v4+s21+$0x0], $0xffff  }
0x365: {  	s2 =	simm.s32 $0x8;
	v14 =	vld.idx.msk [tilespmem:v7+s21+$0x0], $0xffff  }
0x366: {  	v12 =	vadd.s32 s2, v1;
	v17 =	vld.idx.msk [tilespmem:v5+s21+$0x0], $0xffff  }
0x367: {  	v15 =	vld.idx.msk [tilespmem:v2+s22+$0x0], $0xffff  }
0x368: {  	v22 =	vld.idx.msk [tilespmem:v6+s21+$0x0], $0xffff  }
0x369: {  	v19 =	vld.idx.msk [tilespmem:v10+s21+$0x0], $0xffff  }
0x36a: {  	v18 =	vld.idx.msk [tilespmem:v3+s22+$0x0], $0xffff  }
0x36b: {  	s4 =	simm.s32 $0x9;
	v26 =	vld.idx.msk [tilespmem:v12+s21+$0x0], $0xffff  }
0x36c: {  	s5 =	simm.s32 $0xA;
	v2 =	vadd.s32 s4, v1;
	v21 =	vld.idx.msk [tilespmem:v11+s22+$0x0], $0xffff;
	v15 =	vmul.f32 $1.442695020e+00, v15  }
0x36d: {  	v3 =	vadd.s32 s5, v1;
	v24 =	vld.idx.msk [tilespmem:v13+s22+$0x0], $0xffff  }
0x36e: {  	v27 =	vld.idx.msk [tilespmem:v14+s22+$0x0], $0xffff;
	(erf) = vpow2.f32 v15  }
0x36f: {  	s2 =	simm.s32 $0xB;
	v17 =	vld.idx.msk [tilespmem:v17+s22+$0x0], $0xffff;
	v18 =	vmul.f32 $1.442695020e+00, v18  }
0x370: {  	v11 =	vadd.s32 s2, v1;
	v25 =	vld.idx.msk [tilespmem:v22+s22+$0x0], $0xffff  }
0x371: {  	s4 =	simm.s32 $0xC;
	v28 =	vld.idx.msk [tilespmem:v2+s21+$0x0], $0xffff;
	v21 =	vmul.f32 $1.442695020e+00, v21;
	(erf) = vpow2.f32 v18  }
0x372: {  	s5 =	simm.s32 $0xD;
	v13 =	vadd.s32 s4, v1;
	v23 =	vld.idx.msk [tilespmem:v3+s21+$0x0], $0xffff  }
0x373: {  	v14 =	vadd.s32 s5, v1;
	v22 =	vmul.f32 $1.442695020e+00, v24;
	v18 =	vld.idx.msk [tilespmem:v19+s22+$0x0], $0xffff;
	(erf) = vpow2.f32 v21  }
0x374: {  	s2 =	simm.s32 $0xE  }
0x375: {  	v20 =	vld.idx.msk [tilespmem:v11+s21+$0x0], $0xffff;
	v27 =	vmul.f32 $1.442695020e+00, v27;
	v15 =	vadd.s32 s2, v1;
	(erf) = vpow2.f32 v22  }
0x376: {  	v26 =	vld.idx.msk [tilespmem:v26+s22+$0x0], $0xffff;
	s4 =	simm.s32 $0xF;
	v17 =	vmul.f32 $1.442695020e+00, v17  }
0x377: {  	v29 =	vadd.s32 s4, v1;
	v19 =	vld.idx.msk [tilespmem:v13+s21+$0x0], $0xffff;
	v22 =	vpop (erf);
	(erf) = vpow2.f32 v27  }
0x378: {  	s0 =	simm.s32 $0x10;
	v24 =	vimm.f32 $0.0e+00;
	v21 =	vld.idx.msk [tilespmem:v14+s21+$0x0], $0xffff;
	v30 =	vmul.f32 $1.442695020e+00, v18  }
0x379: {  	s5 =	simm.s32 $0x11;
	v28 =	vld.idx.msk [tilespmem:v28+s22+$0x0], $0xffff;
	v27 =	vadd.s32 s0, v1;
	v31 =	vadd.f32 v22, v24;
	(erf) = vpow2.f32 v17  }
0x37a: {  	s2 =	simm.s32 $0x18;
	v18 =	vadd.s32 s5, v1;
	[tilespmem:v16+s26+$0x0] =	vst.idx.msk $0xffff, v22;
	v24 =	vld.idx.msk [tilespmem:v15+s21+$0x0], $0xffff;
	v22 =	vpop (erf);
	v17 =	vmov v29;
	v16 =	vmov v27  }
.LBB2_26:
0x37b: {  	p1 =	slt.u32 s2, $0xC0;
	s4 =	sadd.s32 $0x2, s0;
	v23 =	vld.idx.msk [tilespmem:v23+s22+$0x0], $0xffff;
	[tilespmem:v8+s26+$0x0] =	vst.idx.msk $0xffff, v22;
	v22 =	vadd.f32 v22, v31;
	v25 =	vmul.f32 $1.442695020e+00, v25;
	(erf) = vpow2.f32 v30  }
0x37c: {  	v8 =	vmov v2;
	v2 =	vmov v18;
	v30 =	vadd.s32 s4, v1;
	v29 =	vld.idx.msk [tilespmem:v29+s21+$0x0], $0xffff;
	v31 =	vpop (erf)  }
0x37d: {  	s4 =	sadd.s32 $0x3, s0;
	v26 =	vmul.f32 $1.442695020e+00, v26;
	v20 =	vld.idx.msk [tilespmem:v20+s22+$0x0], $0xffff;
	[tilespmem:v9+s26+$0x0] =	vst.idx.msk $0xffff, v31;
	v22 =	vadd.f32 v31, v22;
	(erf) = vpow2.f32 v25  }
0x37e: {  	v25 =	vadd.s32 s4, v1;
	v9 =	vmov v3;
	v3 =	vmov v30;
	v27 =	vld.idx.msk [tilespmem:v27+s21+$0x0], $0xffff;
	v31 =	vpop (erf)  }
0x37f: {  	s4 =	sadd.s32 $0x4, s0;
	v28 =	vmul.f32 $1.442695020e+00, v28;
	v19 =	vld.idx.msk [tilespmem:v19+s22+$0x0], $0xffff;
	(erf) = vpow2.f32 v26;
	[tilespmem:v4+s26+$0x0] =	vst.idx.msk $0xffff, v31;
	v22 =	vadd.f32 v31, v22  }
0x380: {  	v26 =	vadd.s32 s4, v1;
	v4 =	vmov v11;
	v11 =	vmov v25;
	v18 =	vld.idx.msk [tilespmem:v18+s21+$0x0], $0xffff;
	v31 =	vpop (erf)  }
0x381: {  	s4 =	sadd.s32 $0x5, s0;
	v32 =	vmul.f32 $1.442695020e+00, v23;
	v21 =	vld.idx.msk [tilespmem:v21+s22+$0x0], $0xffff;
	(erf) = vpow2.f32 v28;
	[tilespmem:v7+s26+$0x0] =	vst.idx.msk $0xffff, v31;
	v22 =	vadd.f32 v31, v22  }
0x382: {  	v28 =	vadd.s32 s4, v1;
	v7 =	vmov v13;
	v13 =	vmov v26;
	v23 =	vld.idx.msk [tilespmem:v30+s21+$0x0], $0xffff;
	v30 =	vpop (erf)  }
0x383: {  	s4 =	sadd.s32 $0x6, s0;
	v31 =	vmul.f32 $1.442695020e+00, v20;
	v24 =	vld.idx.msk [tilespmem:v24+s22+$0x0], $0xffff;
	(erf) = vpow2.f32 v32;
	[tilespmem:v5+s26+$0x0] =	vst.idx.msk $0xffff, v30;
	v22 =	vadd.f32 v30, v22  }
0x384: {  	v32 =	vadd.s32 s4, v1;
	v5 =	vmov v14;
	v14 =	vmov v28;
	v20 =	vld.idx.msk [tilespmem:v25+s21+$0x0], $0xffff;
	v30 =	vpop (erf)  }
0x385: {  	s4 =	sadd.s32 $0x7, s0;
	s0 =	smov.u32 s2;
	v33 =	vmul.f32 $1.442695020e+00, v19;
	v25 =	vld.idx.msk [tilespmem:v29+s22+$0x0], $0xffff;
	(erf) = vpow2.f32 v31;
	[tilespmem:v10+s26+$0x0] =	vst.idx.msk $0xffff, v30;
	v22 =	vadd.f32 v30, v22  }
.Ltmp12:
0x386: {  	v29 =	vadd.s32 s4, v1;
	v10 =	vmov v15;
	v15 =	vmov v32;
	v19 =	vld.idx.msk [tilespmem:v26+s21+$0x0], $0xffff;
	v30 =	vpop (erf);
	(pc) =	sbr.rel @p1 .LBB2_26-.Ltmp12, $4  }
0x387: {  	v34 =	vmul.f32 $1.442695020e+00, v21;
	v26 =	vld.idx.msk [tilespmem:v27+s22+$0x0], $0xffff;
	(erf) = vpow2.f32 v33;
	[tilespmem:v6+s26+$0x0] =	vst.idx.msk $0xffff, v30;
	v33 =	vadd.f32 v30, v22  }
0x388: {  	v27 =	vadd.s32 s2, v1;
	v6 =	vmov v17;
	v17 =	vmov v29;
	v21 =	vld.idx.msk [tilespmem:v28+s21+$0x0], $0xffff;
	v30 =	vpop (erf)  }
0x389: {  	s4 =	sadd.s32 $0x1, s2;
	v28 =	vld.idx.msk [tilespmem:v18+s22+$0x0], $0xffff;
	[tilespmem:v12+s26+$0x0] =	vst.idx.msk $0xffff, v30;
	v31 =	vadd.f32 v30, v33;
	v30 =	vmul.f32 $1.442695020e+00, v24;
	(erf) = vpow2.f32 v34  }
0x38a: {  	s2 =	sadd.s32 $0x8, s2;
	v18 =	vadd.s32 s4, v1;
	v12 =	vmov v16;
	v16 =	vmov v27;
	v24 =	vld.idx.msk [tilespmem:v32+s21+$0x0], $0xffff;
	v22 =	vpop (erf)  }
0x38b: {  	_ =	sdelay $0x2  }
0x38c: {  	v31 =	vadd.f32 v22, v31;
	v25 =	vmul.f32 $1.442695020e+00, v25;
	(erf) = vpow2.f32 v30  }
0x38d: {  	v23 =	vld.idx.msk [tilespmem:v23+s22+$0x0], $0xffff;
	v62 =	vpop (erf)  }
0x38e: {  	s2 =	sadd.s32 $0x2, s0;
	v29 =	vld.idx.msk [tilespmem:v29+s21+$0x0], $0xffff;
	v26 =	vmul.f32 $1.442695020e+00, v26;
	v31 =	vadd.f32 v62, v31;
	(erf) = vpow2.f32 v25  }
0x38f: {  	v20 =	vld.idx.msk [tilespmem:v20+s22+$0x0], $0xffff;
	v63 =	vadd.s32 s2, v1;
	v32 =	vpop (erf)  }
0x390: {  	s4 =	sadd.s32 $0x3, s0;
	v27 =	vld.idx.msk [tilespmem:v27+s21+$0x0], $0xffff;
	v28 =	vmul.f32 $1.442695020e+00, v28;
	(erf) = vpow2.f32 v26;
	v48 =	vadd.f32 v32, v31  }
0x391: {  	v19 =	vld.idx.msk [tilespmem:v19+s22+$0x0], $0xffff;
	v49 =	vadd.s32 s4, v1;
	v33 =	vpop (erf)  }
0x392: {  	v34 =	vld.idx.msk [tilespmem:v18+s21+$0x0], $0xffff;
	v23 =	vmul.f32 $1.442695020e+00, v23;
	(erf) = vpow2.f32 v28;
	v26 =	vadd.f32 v33, v48  }
0x393: {  	v21 =	vld.idx.msk [tilespmem:v21+s22+$0x0], $0xffff;
	v35 =	vpop (erf)  }
0x394: {  	s5 =	sadd.s32 $0x4, s0;
	v24 =	vld.idx.msk [tilespmem:v24+s22+$0x0], $0xffff;
	v20 =	vmul.f32 $1.442695020e+00, v20;
	(erf) = vpow2.f32 v23;
	v23 =	vadd.f32 v35, v26  }
0x395: {  	v50 =	vadd.s32 s5, v1;
	v36 =	vld.idx.msk [tilespmem:v63+s21+$0x0], $0xffff;
	v37 =	vpop (erf)  }
0x396: {  	s4 =	sadd.s32 $0x5, s0;
	v19 =	vmul.f32 $1.442695020e+00, v19;
	v38 =	vld.idx.msk [tilespmem:v49+s21+$0x0], $0xffff;
	(erf) = vpow2.f32 v20;
	v20 =	vadd.f32 v37, v23  }
0x397: {  	v51 =	vadd.s32 s4, v1;
	v29 =	vld.idx.msk [tilespmem:v29+s22+$0x0], $0xffff;
	v39 =	vpop (erf)  }
0x398: {  	s5 =	sadd.s32 $0x6, s0;
	v21 =	vmul.f32 $1.442695020e+00, v21;
	(erf) = vpow2.f32 v19;
	v19 =	vadd.f32 v39, v20  }
0x399: {  	v27 =	vld.idx.msk [tilespmem:v27+s22+$0x0], $0xffff;
	v23 =	vadd.s32 s5, v1;
	v41 =	vpop (erf)  }
0x39a: {  	s4 =	sadd.s32 $0x7, s0;
	v40 =	vld.idx.msk [tilespmem:v50+s21+$0x0], $0xffff;
	v24 =	vmul.f32 $1.442695020e+00, v24;
	(erf) = vpow2.f32 v21;
	v19 =	vadd.f32 v41, v19  }
0x39b: {  	v20 =	vadd.s32 s4, v1;
	v21 =	vld.idx.msk [tilespmem:v34+s22+$0x0], $0xffff;
	v52 =	vpop (erf)  }
0x39c: {  	v42 =	vld.idx.msk [tilespmem:v51+s21+$0x0], $0xffff;
	v29 =	vmul.f32 $1.442695020e+00, v29;
	(erf) = vpow2.f32 v24;
	v19 =	vadd.f32 v52, v19  }
0x39d: {  	v53 =	vld.idx.msk [tilespmem:v36+s22+$0x0], $0xffff;
	v54 =	vpop (erf)  }
0x39e: {  	v27 =	vmul.f32 $1.442695020e+00, v27;
	v43 =	vld.idx.msk [tilespmem:v23+s21+$0x0], $0xffff;
	(erf) = vpow2.f32 v29;
	v19 =	vadd.f32 v54, v19  }
0x39f: {  	v55 =	vld.idx.msk [tilespmem:v38+s22+$0x0], $0xffff;
	v56 =	vpop (erf)  }
0x3a0: {  	v44 =	vld.idx.msk [tilespmem:v20+s21+$0x0], $0xffff;
	v21 =	vmul.f32 $1.442695020e+00, v21;
	(erf) = vpow2.f32 v27;
	v19 =	vadd.f32 v56, v19  }
0x3a1: {  	v58 =	vpop (erf)  }
0x3a2: {  	v57 =	vld.idx.msk [tilespmem:v40+s22+$0x0], $0xffff;
	v24 =	vmul.f32 $1.442695020e+00, v53;
	(erf) = vpow2.f32 v21;
	v19 =	vadd.f32 v58, v19  }
0x3a3: {  	v59 =	vpop (erf)  }
0x3a4: {  	v21 =	vld.idx.msk [tilespmem:v42+s22+$0x0], $0xffff;
	(erf) = vpow2.f32 v24;
	v19 =	vadd.f32 v59, v19  }
0x3a5: {  	v29 =	vmul.f32 $1.442695020e+00, v55;
	v61 =	vpop (erf)  }
0x3a6: {  	v60 =	vld.idx.msk [tilespmem:v43+s22+$0x0], $0xffff;
	v19 =	vadd.f32 v61, v19  }
0x3a7: {  	[tilespmem:v8+s26+$0x0] =	vst.idx.msk $0xffff, v22;
	v27 =	vmul.f32 $1.442695020e+00, v57;
	(erf) = vpow2.f32 v29;
	v22 =	vpop (erf)  }
0x3a8: {  	[tilespmem:v9+s26+$0x0] =	vst.idx.msk $0xffff, v62;
	v8 =	vld.idx.msk [tilespmem:v44+s22+$0x0], $0xffff;
	v19 =	vadd.f32 v22, v19  }
0x3a9: {  	[tilespmem:v4+s26+$0x0] =	vst.idx.msk $0xffff, v32;
	(erf) = vpow2.f32 v27;
	v9 =	vmul.f32 $1.442695020e+00, v21;
	v4 =	vpop (erf)  }
0x3aa: {  	[tilespmem:v7+s26+$0x0] =	vst.idx.msk $0xffff, v33;
	v7 =	vadd.f32 v4, v19  }
0x3ab: {  	[tilespmem:v5+s26+$0x0] =	vst.idx.msk $0xffff, v35;
	(erf) = vpow2.f32 v9;
	v9 =	vmul.f32 $1.442695020e+00, v60;
	v5 =	vpop (erf)  }
0x3ac: {  	v7 =	vadd.f32 v5, v7  }
0x3ad: {  	[tilespmem:v6+s26+$0x0] =	vst.idx.msk $0xffff, v39;
	(erf) = vpow2.f32 v9;
	v8 =	vmul.f32 $1.442695020e+00, v8;
	v6 =	vpop (erf)  }
0x3ae: {  	v7 =	vadd.f32 v6, v7  }
0x3af: {  	[tilespmem:v10+s26+$0x0] =	vst.idx.msk $0xffff, v37;
	(erf) = vpow2.f32 v8  }
0x3b0: {  	[tilespmem:v2+s26+$0x0] =	vst.idx.msk $0xffff, v52;
	v2 =	vpop (erf)  }
0x3b1: {  	[tilespmem:v3+s26+$0x0] =	vst.idx.msk $0xffff, v54;
	v3 =	vadd.f32 v2, v7  }
0x3b2: {  	[tilespmem:v12+s26+$0x0] =	vst.idx.msk $0xffff, v41;
	v7 =	vpop (erf)  }
0x3b3: {  	[tilespmem:v11+s26+$0x0] =	vst.idx.msk $0xffff, v56;
	v3 =	vadd.f32 v7, v3  }
0x3b4: {  	[tilespmem:v13+s26+$0x0] =	vst.idx.msk $0xffff, v58;
	v8 =	vpop (erf)  }
0x3b5: {  	[tilespmem:v14+s26+$0x0] =	vst.idx.msk $0xffff, v59;
	v3 =	vadd.f32 v8, v3  }
0x3b6: {  	[tilespmem:v15+s26+$0x0] =	vst.idx.msk $0xffff, v61;
	v9 =	vpop (erf)  }
0x3b7: {  	[tilespmem:v17+s26+$0x0] =	vst.idx.msk $0xffff, v22;
	v3 =	vadd.f32 v9, v3  }
0x3b8: {  	[tilespmem:v16+s26+$0x0] =	vst.idx.msk $0xffff, v4;
	v4 =	vpop (erf)  }
0x3b9: {  	[tilespmem:v18+s26+$0x0] =	vst.idx.msk $0xffff, v5;
	v3 =	vadd.f32 v4, v3  }
0x3ba: {  	s5 =	simm.s32 $0x0;
	[tilespmem:v63+s26+$0x0] =	vst.idx.msk $0xffff, v6  }
0x3bb: {  	s2 =	simm.s32 $0x7;
	v14 =	vadd.s32 s5, v1;
	[tilespmem:v49+s26+$0x0] =	vst.idx.msk $0xffff, v2;
	(erf) = vrcp.f32 v3  }
0x3bc: {  	v62 =	vadd.s32 s2, v1;
	s4 =	simm.s32 $0x6;
	[tilespmem:v50+s26+$0x0] =	vst.idx.msk $0xffff, v7  }
0x3bd: {  	v10 =	vadd.s32 s4, v1;
	s5 =	simm.s32 $0x5;
	[tilespmem:v51+s26+$0x0] =	vst.idx.msk $0xffff, v8  }
0x3be: {  	s4 =	simm.s32 $0x4;
	v6 =	vadd.s32 s5, v1;
	[tilespmem:v23+s26+$0x0] =	vst.idx.msk $0xffff, v9  }
0x3bf: {  	s5 =	simm.s32 $0x3;
	v7 =	vadd.s32 s4, v1;
	[tilespmem:v20+s26+$0x0] =	vst.idx.msk $0xffff, v4  }
0x3c0: {  	v8 =	vadd.s32 s5, v1;
	s5 =	simm.s32 $0x1;
	v11 =	vld.idx.msk [tilespmem:v14+s26+$0x0], $0xffff  }
0x3c1: {  	s4 =	simm.s32 $0x2;
	v12 =	vld.idx.msk [tilespmem:v62+s26+$0x0], $0xffff;
	v4 =	vadd.s32 s5, v1  }
0x3c2: {  	v15 =	vld.idx.msk [tilespmem:v10+s26+$0x0], $0xffff;
	v3 =	vadd.s32 s4, v1;
	s4 =	simm.s32 $0x8  }
0x3c3: {  	v23 =	vld.idx.msk [tilespmem:v6+s26+$0x0], $0xffff;
	s5 =	simm.s32 $0xF;
	v9 =	vadd.s32 s4, v1  }
0x3c4: {  	s2 =	simm.s32 $0xE;
	v19 =	vld.idx.msk [tilespmem:v7+s26+$0x0], $0xffff;
	v5 =	vadd.s32 s5, v1;
	v2 =	vpop (erf)  }
0x3c5: {  	v16 =	vld.idx.msk [tilespmem:v8+s26+$0x0], $0xffff;
	s4 =	simm.s32 $0xD;
	v21 =	vmul.f32 v11, v2;
	v11 =	vadd.s32 s2, v1  }
0x3c6: {  	s5 =	simm.s32 $0xC;
	v18 =	vld.idx.msk [tilespmem:v4+s26+$0x0], $0xffff;
	v63 =	vmul.f32 v12, v2;
	v12 =	vadd.s32 s4, v1  }
0x3c7: {  	v13 =	vadd.s32 s5, v1;
	v17 =	vld.idx.msk [tilespmem:v3+s26+$0x0], $0xffff;
	s4 =	simm.s32 $0xB  }
0x3c8: {  	s5 =	simm.s32 $0xA;
	v20 =	vld.idx.msk [tilespmem:v9+s26+$0x0], $0xffff;
	v22 =	vmul.f32 v15, v2;
	[tilespmem:v14+s26+$0x0] =	vst.idx.msk $0xffff, v21;
	v14 =	vadd.s32 s4, v1  }
0x3c9: {  	s0 =	simm.s32 $0x10;
	s2 =	simm.s32 $0x9;
	v15 =	vadd.s32 s5, v1;
	v23 =	vmul.f32 v23, v2;
	v21 =	vld.idx.msk [tilespmem:v5+s26+$0x0], $0xffff;
	[tilespmem:v62+s26+$0x0] =	vst.idx.msk $0xffff, v63  }
.LBB2_28:
0x3ca: {  	p1 =	slt.u32 s0, $0xC0;
	v24 =	vadd.s32 s2, v1;
	v25 =	vld.idx.msk [tilespmem:v11+s26+$0x0], $0xffff;
	v26 =	vmul.f32 v19, v2;
	[tilespmem:v10+s26+$0x0] =	vst.idx.msk $0xffff, v22;
	v10 =	vmov v11  }
0x3cb: {  	v27 =	vadd.s32 s0, v1;
	s2 =	sadd.s32 $0x7, s0;
	v22 =	vmul.f32 v16, v2;
	v28 =	vld.idx.msk [tilespmem:v12+s26+$0x0], $0xffff;
	[tilespmem:v6+s26+$0x0] =	vst.idx.msk $0xffff, v23;
	v6 =	vmov v12  }
0x3cc: {  	s4 =	sadd.s32 $0x6, s0;
	v29 =	vadd.s32 s2, v1;
	v23 =	vmul.f32 v17, v2;
	v19 =	vld.idx.msk [tilespmem:v13+s26+$0x0], $0xffff;
	[tilespmem:v7+s26+$0x0] =	vst.idx.msk $0xffff, v26;
	v7 =	vmov v13  }
.Ltmp13:
0x3cd: {  	s2 =	sadd.s32 $0x5, s0;
	v11 =	vadd.s32 s4, v1;
	v26 =	vmul.f32 v18, v2;
	v16 =	vld.idx.msk [tilespmem:v14+s26+$0x0], $0xffff;
	[tilespmem:v8+s26+$0x0] =	vst.idx.msk $0xffff, v22;
	v8 =	vmov v14;
	(pc) =	sbr.rel @p1 .LBB2_28-.Ltmp13, $4  }
0x3ce: {  	s4 =	sadd.s32 $0x4, s0;
	v12 =	vadd.s32 s2, v1;
	v22 =	vmul.f32 v20, v2;
	v17 =	vld.idx.msk [tilespmem:v15+s26+$0x0], $0xffff;
	[tilespmem:v3+s26+$0x0] =	vst.idx.msk $0xffff, v23;
	v3 =	vmov v15  }
0x3cf: {  	s2 =	sadd.s32 $0x3, s0;
	v13 =	vadd.s32 s4, v1;
	v30 =	vmul.f32 v21, v2;
	v18 =	vld.idx.msk [tilespmem:v24+s26+$0x0], $0xffff;
	[tilespmem:v4+s26+$0x0] =	vst.idx.msk $0xffff, v26;
	v4 =	vmov v24  }
0x3d0: {  	s4 =	sadd.s32 $0x2, s0;
	v14 =	vadd.s32 s2, v1;
	v20 =	vld.idx.msk [tilespmem:v27+s26+$0x0], $0xffff;
	[tilespmem:v9+s26+$0x0] =	vst.idx.msk $0xffff, v22;
	v22 =	vmul.f32 v25, v2;
	v9 =	vmov v27  }
0x3d1: {  	s2 =	sadd.s32 $0x1, s0;
	s0 =	sadd.s32 $0x8, s0;
	v15 =	vadd.s32 s4, v1;
	v23 =	vmul.f32 v28, v2;
	v21 =	vld.idx.msk [tilespmem:v29+s26+$0x0], $0xffff;
	[tilespmem:v5+s26+$0x0] =	vst.idx.msk $0xffff, v30;
	v5 =	vmov v29  }
0x3d2: {  	_ =	sdelay $0x3  }
0x3d3: {  	v19 =	vmul.f32 v19, v2;
	[tilespmem:v10+s26+$0x0] =	vst.idx.msk $0xffff, v22  }
0x3d4: {  	v10 =	vadd.s32 s2, v1;
	v22 =	vld.idx.msk [tilespmem:v11+s26+$0x0], $0xffff;
	v16 =	vmul.f32 v16, v2;
	[tilespmem:v6+s26+$0x0] =	vst.idx.msk $0xffff, v23  }
0x3d5: {  	v6 =	vld.idx.msk [tilespmem:v12+s26+$0x0], $0xffff;
	v17 =	vmul.f32 v17, v2;
	[tilespmem:v7+s26+$0x0] =	vst.idx.msk $0xffff, v19  }
0x3d6: {  	v7 =	vld.idx.msk [tilespmem:v13+s26+$0x0], $0xffff;
	v18 =	vmul.f32 v18, v2;
	[tilespmem:v8+s26+$0x0] =	vst.idx.msk $0xffff, v16  }
0x3d7: {  	v8 =	vld.idx.msk [tilespmem:v14+s26+$0x0], $0xffff;
	v16 =	vmul.f32 v20, v2;
	[tilespmem:v3+s26+$0x0] =	vst.idx.msk $0xffff, v17  }
0x3d8: {  	v3 =	vld.idx.msk [tilespmem:v15+s26+$0x0], $0xffff;
	v17 =	vmul.f32 v21, v2;
	[tilespmem:v4+s26+$0x0] =	vst.idx.msk $0xffff, v18  }
0x3d9: {  	v4 =	vld.idx.msk [tilespmem:v10+s26+$0x0], $0xffff;
	[tilespmem:v9+s26+$0x0] =	vst.idx.msk $0xffff, v16;
	v9 =	vmul.f32 v22, v2  }
0x3da: {  	v6 =	vmul.f32 v6, v2;
	[tilespmem:v5+s26+$0x0] =	vst.idx.msk $0xffff, v17  }
0x3db: {  	v5 =	vmul.f32 v7, v2;
	[tilespmem:v11+s26+$0x0] =	vst.idx.msk $0xffff, v9  }
0x3dc: {  	v7 =	vmul.f32 v8, v2;
	[tilespmem:v12+s26+$0x0] =	vst.idx.msk $0xffff, v6  }
0x3dd: {  	v3 =	vmul.f32 v3, v2;
	[tilespmem:v13+s26+$0x0] =	vst.idx.msk $0xffff, v5  }
0x3de: {  	[tilespmem:v14+s26+$0x0] =	vst.idx.msk $0xffff, v7;
	v2 =	vmul.f32 v4, v2  }
0x3df: {  	[tilespmem:v15+s26+$0x0] =	vst.idx.msk $0xffff, v3  }
0x3e0: {  	s0 =	simm.s32 $0x0;
	[tilespmem:v10+s26+$0x0] =	vst.idx.msk $0xffff, v2  }
0x3e1: {  	[hbm4b:s18+s0] =	stream.linear.scatter [tilespmem:s26], [sflag:$0x3], $0xC80, $0x38;
	[tilespmem:$0x1D170] =	vst v63  }
0x3e2: {  	_ =	swait.ge [sflag:s28], $0xC80  }
0x3e3: {  	v16 =	vadd.s32 s0, v1;
	[sflag:s28] =	ssyncset.done $0x0  }
0x3e4: {  	[sflag:s28] =	ssyncadd.s32 $0xFFFFF380  }
0x3e5: {  	s5 =	simm.s32 $0x1;
	_ =	swait.ge [sflag:s31], $0xC80  }
0x3e6: {  	s2 =	simm.s32 $0x2;
	v8 =	vadd.s32 s5, v1;
	[sflag:s31] =	ssyncset.done $0x0  }
0x3e7: {  	s4 =	simm.s32 $0x3;
	v9 =	vadd.s32 s2, v1;
	[sflag:s31] =	ssyncadd.s32 $0xFFFFF380  }
0x3e8: {  	s5 =	simm.s32 $0x4;
	v4 =	vadd.s32 s4, v1;
	v2 =	vld.idx.msk [tilespmem:v16+s25+$0x0], $0xffff  }
0x3e9: {  	s2 =	simm.s32 $0x5;
	v7 =	vadd.s32 s5, v1  }
0x3ea: {  	v5 =	vadd.s32 s2, v1  }
0x3eb: {  	s5 =	simm.s32 $0x7;
	v3 =	vld.idx.msk [tilespmem:v8+s25+$0x0], $0xffff  }
0x3ec: {  	s4 =	simm.s32 $0x6;
	v6 =	vadd.s32 s5, v1;
	v11 =	vld.idx.msk [tilespmem:v9+s25+$0x0], $0xffff  }
0x3ed: {  	v10 =	vadd.s32 s4, v1;
	v13 =	vld.idx.msk [tilespmem:v4+s25+$0x0], $0xffff  }
0x3ee: {  	s2 =	simm.s32 $0x8;
	v14 =	vld.idx.msk [tilespmem:v7+s25+$0x0], $0xffff  }
0x3ef: {  	v12 =	vadd.s32 s2, v1;
	v17 =	vld.idx.msk [tilespmem:v5+s25+$0x0], $0xffff  }
0x3f0: {  	v15 =	vld.idx.msk [tilespmem:v2+s22+$0x0], $0xffff  }
0x3f1: {  	v22 =	vld.idx.msk [tilespmem:v6+s25+$0x0], $0xffff  }
0x3f2: {  	v19 =	vld.idx.msk [tilespmem:v10+s25+$0x0], $0xffff  }
0x3f3: {  	v18 =	vld.idx.msk [tilespmem:v3+s22+$0x0], $0xffff  }
0x3f4: {  	s4 =	simm.s32 $0x9;
	v26 =	vld.idx.msk [tilespmem:v12+s25+$0x0], $0xffff  }
0x3f5: {  	s5 =	simm.s32 $0xA;
	v2 =	vadd.s32 s4, v1;
	v21 =	vld.idx.msk [tilespmem:v11+s22+$0x0], $0xffff;
	v15 =	vmul.f32 $1.442695020e+00, v15  }
0x3f6: {  	v3 =	vadd.s32 s5, v1;
	v24 =	vld.idx.msk [tilespmem:v13+s22+$0x0], $0xffff  }
0x3f7: {  	v27 =	vld.idx.msk [tilespmem:v14+s22+$0x0], $0xffff;
	(erf) = vpow2.f32 v15  }
0x3f8: {  	s2 =	simm.s32 $0xB;
	v17 =	vld.idx.msk [tilespmem:v17+s22+$0x0], $0xffff;
	v18 =	vmul.f32 $1.442695020e+00, v18  }
0x3f9: {  	v11 =	vadd.s32 s2, v1;
	v25 =	vld.idx.msk [tilespmem:v22+s22+$0x0], $0xffff  }
0x3fa: {  	s4 =	simm.s32 $0xC;
	v28 =	vld.idx.msk [tilespmem:v2+s25+$0x0], $0xffff;
	v21 =	vmul.f32 $1.442695020e+00, v21;
	(erf) = vpow2.f32 v18  }
0x3fb: {  	s5 =	simm.s32 $0xD;
	v13 =	vadd.s32 s4, v1;
	v23 =	vld.idx.msk [tilespmem:v3+s25+$0x0], $0xffff  }
0x3fc: {  	v14 =	vadd.s32 s5, v1;
	v22 =	vmul.f32 $1.442695020e+00, v24;
	v18 =	vld.idx.msk [tilespmem:v19+s22+$0x0], $0xffff;
	(erf) = vpow2.f32 v21  }
0x3fd: {  	s2 =	simm.s32 $0xE  }
0x3fe: {  	v20 =	vld.idx.msk [tilespmem:v11+s25+$0x0], $0xffff;
	v27 =	vmul.f32 $1.442695020e+00, v27;
	v15 =	vadd.s32 s2, v1;
	(erf) = vpow2.f32 v22  }
0x3ff: {  	v26 =	vld.idx.msk [tilespmem:v26+s22+$0x0], $0xffff;
	s4 =	simm.s32 $0xF;
	v17 =	vmul.f32 $1.442695020e+00, v17  }
0x400: {  	v29 =	vadd.s32 s4, v1;
	v19 =	vld.idx.msk [tilespmem:v13+s25+$0x0], $0xffff;
	v22 =	vpop (erf);
	(erf) = vpow2.f32 v27  }
0x401: {  	s0 =	simm.s32 $0x10;
	v24 =	vimm.f32 $0.0e+00;
	v21 =	vld.idx.msk [tilespmem:v14+s25+$0x0], $0xffff;
	v30 =	vmul.f32 $1.442695020e+00, v18  }
0x402: {  	s5 =	simm.s32 $0x11;
	v28 =	vld.idx.msk [tilespmem:v28+s22+$0x0], $0xffff;
	v27 =	vadd.s32 s0, v1;
	v31 =	vadd.f32 v22, v24;
	(erf) = vpow2.f32 v17  }
0x403: {  	s2 =	simm.s32 $0x18;
	v18 =	vadd.s32 s5, v1;
	[tilespmem:v16+s29+$0x0] =	vst.idx.msk $0xffff, v22;
	v24 =	vld.idx.msk [tilespmem:v15+s25+$0x0], $0xffff;
	v22 =	vpop (erf);
	v17 =	vmov v29;
	v16 =	vmov v27  }
.LBB2_30:
0x404: {  	p1 =	slt.u32 s2, $0xC0;
	s4 =	sadd.s32 $0x2, s0;
	v23 =	vld.idx.msk [tilespmem:v23+s22+$0x0], $0xffff;
	[tilespmem:v8+s29+$0x0] =	vst.idx.msk $0xffff, v22;
	v22 =	vadd.f32 v22, v31;
	v25 =	vmul.f32 $1.442695020e+00, v25;
	(erf) = vpow2.f32 v30  }
0x405: {  	v8 =	vmov v2;
	v2 =	vmov v18;
	v30 =	vadd.s32 s4, v1;
	v29 =	vld.idx.msk [tilespmem:v29+s25+$0x0], $0xffff;
	v31 =	vpop (erf)  }
0x406: {  	s4 =	sadd.s32 $0x3, s0;
	v26 =	vmul.f32 $1.442695020e+00, v26;
	v20 =	vld.idx.msk [tilespmem:v20+s22+$0x0], $0xffff;
	[tilespmem:v9+s29+$0x0] =	vst.idx.msk $0xffff, v31;
	v22 =	vadd.f32 v31, v22;
	(erf) = vpow2.f32 v25  }
0x407: {  	v25 =	vadd.s32 s4, v1;
	v9 =	vmov v3;
	v3 =	vmov v30;
	v27 =	vld.idx.msk [tilespmem:v27+s25+$0x0], $0xffff;
	v31 =	vpop (erf)  }
0x408: {  	s4 =	sadd.s32 $0x4, s0;
	v28 =	vmul.f32 $1.442695020e+00, v28;
	v19 =	vld.idx.msk [tilespmem:v19+s22+$0x0], $0xffff;
	(erf) = vpow2.f32 v26;
	[tilespmem:v4+s29+$0x0] =	vst.idx.msk $0xffff, v31;
	v22 =	vadd.f32 v31, v22  }
0x409: {  	v26 =	vadd.s32 s4, v1;
	v4 =	vmov v11;
	v11 =	vmov v25;
	v18 =	vld.idx.msk [tilespmem:v18+s25+$0x0], $0xffff;
	v31 =	vpop (erf)  }
0x40a: {  	s4 =	sadd.s32 $0x5, s0;
	v32 =	vmul.f32 $1.442695020e+00, v23;
	v21 =	vld.idx.msk [tilespmem:v21+s22+$0x0], $0xffff;
	(erf) = vpow2.f32 v28;
	[tilespmem:v7+s29+$0x0] =	vst.idx.msk $0xffff, v31;
	v22 =	vadd.f32 v31, v22  }
0x40b: {  	v28 =	vadd.s32 s4, v1;
	v7 =	vmov v13;
	v13 =	vmov v26;
	v23 =	vld.idx.msk [tilespmem:v30+s25+$0x0], $0xffff;
	v30 =	vpop (erf)  }
0x40c: {  	s4 =	sadd.s32 $0x6, s0;
	v31 =	vmul.f32 $1.442695020e+00, v20;
	v24 =	vld.idx.msk [tilespmem:v24+s22+$0x0], $0xffff;
	(erf) = vpow2.f32 v32;
	[tilespmem:v5+s29+$0x0] =	vst.idx.msk $0xffff, v30;
	v22 =	vadd.f32 v30, v22  }
0x40d: {  	v32 =	vadd.s32 s4, v1;
	v5 =	vmov v14;
	v14 =	vmov v28;
	v20 =	vld.idx.msk [tilespmem:v25+s25+$0x0], $0xffff;
	v30 =	vpop (erf)  }
0x40e: {  	s4 =	sadd.s32 $0x7, s0;
	s0 =	smov.u32 s2;
	v33 =	vmul.f32 $1.442695020e+00, v19;
	v25 =	vld.idx.msk [tilespmem:v29+s22+$0x0], $0xffff;
	(erf) = vpow2.f32 v31;
	[tilespmem:v10+s29+$0x0] =	vst.idx.msk $0xffff, v30;
	v22 =	vadd.f32 v30, v22  }
.Ltmp14:
0x40f: {  	v29 =	vadd.s32 s4, v1;
	v10 =	vmov v15;
	v15 =	vmov v32;
	v19 =	vld.idx.msk [tilespmem:v26+s25+$0x0], $0xffff;
	v30 =	vpop (erf);
	(pc) =	sbr.rel @p1 .LBB2_30-.Ltmp14, $4  }
0x410: {  	v34 =	vmul.f32 $1.442695020e+00, v21;
	v26 =	vld.idx.msk [tilespmem:v27+s22+$0x0], $0xffff;
	(erf) = vpow2.f32 v33;
	[tilespmem:v6+s29+$0x0] =	vst.idx.msk $0xffff, v30;
	v33 =	vadd.f32 v30, v22  }
0x411: {  	v27 =	vadd.s32 s2, v1;
	v6 =	vmov v17;
	v17 =	vmov v29;
	v21 =	vld.idx.msk [tilespmem:v28+s25+$0x0], $0xffff;
	v30 =	vpop (erf)  }
0x412: {  	s4 =	sadd.s32 $0x1, s2;
	v28 =	vld.idx.msk [tilespmem:v18+s22+$0x0], $0xffff;
	[tilespmem:v12+s29+$0x0] =	vst.idx.msk $0xffff, v30;
	v31 =	vadd.f32 v30, v33;
	v30 =	vmul.f32 $1.442695020e+00, v24;
	(erf) = vpow2.f32 v34  }
0x413: {  	s2 =	sadd.s32 $0x8, s2;
	v18 =	vadd.s32 s4, v1;
	v12 =	vmov v16;
	v16 =	vmov v27;
	v24 =	vld.idx.msk [tilespmem:v32+s25+$0x0], $0xffff;
	v22 =	vpop (erf)  }
0x414: {  	_ =	sdelay $0x2  }
0x415: {  	v31 =	vadd.f32 v22, v31;
	v25 =	vmul.f32 $1.442695020e+00, v25;
	(erf) = vpow2.f32 v30  }
0x416: {  	v23 =	vld.idx.msk [tilespmem:v23+s22+$0x0], $0xffff;
	v62 =	vpop (erf)  }
0x417: {  	s2 =	sadd.s32 $0x2, s0;
	v29 =	vld.idx.msk [tilespmem:v29+s25+$0x0], $0xffff;
	v26 =	vmul.f32 $1.442695020e+00, v26;
	v31 =	vadd.f32 v62, v31;
	(erf) = vpow2.f32 v25  }
0x418: {  	v20 =	vld.idx.msk [tilespmem:v20+s22+$0x0], $0xffff;
	v63 =	vadd.s32 s2, v1;
	v32 =	vpop (erf)  }
0x419: {  	s4 =	sadd.s32 $0x3, s0;
	v27 =	vld.idx.msk [tilespmem:v27+s25+$0x0], $0xffff;
	v28 =	vmul.f32 $1.442695020e+00, v28;
	(erf) = vpow2.f32 v26;
	v48 =	vadd.f32 v32, v31  }
0x41a: {  	v19 =	vld.idx.msk [tilespmem:v19+s22+$0x0], $0xffff;
	v49 =	vadd.s32 s4, v1;
	v33 =	vpop (erf)  }
0x41b: {  	v34 =	vld.idx.msk [tilespmem:v18+s25+$0x0], $0xffff;
	v23 =	vmul.f32 $1.442695020e+00, v23;
	(erf) = vpow2.f32 v28;
	v26 =	vadd.f32 v33, v48  }
0x41c: {  	v21 =	vld.idx.msk [tilespmem:v21+s22+$0x0], $0xffff;
	v35 =	vpop (erf)  }
0x41d: {  	s5 =	sadd.s32 $0x4, s0;
	v24 =	vld.idx.msk [tilespmem:v24+s22+$0x0], $0xffff;
	v20 =	vmul.f32 $1.442695020e+00, v20;
	(erf) = vpow2.f32 v23;
	v23 =	vadd.f32 v35, v26  }
0x41e: {  	v50 =	vadd.s32 s5, v1;
	v36 =	vld.idx.msk [tilespmem:v63+s25+$0x0], $0xffff;
	v37 =	vpop (erf)  }
0x41f: {  	s4 =	sadd.s32 $0x5, s0;
	v19 =	vmul.f32 $1.442695020e+00, v19;
	v38 =	vld.idx.msk [tilespmem:v49+s25+$0x0], $0xffff;
	(erf) = vpow2.f32 v20;
	v20 =	vadd.f32 v37, v23  }
0x420: {  	v51 =	vadd.s32 s4, v1;
	v29 =	vld.idx.msk [tilespmem:v29+s22+$0x0], $0xffff;
	v39 =	vpop (erf)  }
0x421: {  	s5 =	sadd.s32 $0x6, s0;
	v21 =	vmul.f32 $1.442695020e+00, v21;
	(erf) = vpow2.f32 v19;
	v19 =	vadd.f32 v39, v20  }
0x422: {  	v27 =	vld.idx.msk [tilespmem:v27+s22+$0x0], $0xffff;
	v23 =	vadd.s32 s5, v1;
	v41 =	vpop (erf)  }
0x423: {  	s4 =	sadd.s32 $0x7, s0;
	v40 =	vld.idx.msk [tilespmem:v50+s25+$0x0], $0xffff;
	v24 =	vmul.f32 $1.442695020e+00, v24;
	(erf) = vpow2.f32 v21;
	v19 =	vadd.f32 v41, v19  }
0x424: {  	v20 =	vadd.s32 s4, v1;
	v21 =	vld.idx.msk [tilespmem:v34+s22+$0x0], $0xffff;
	v52 =	vpop (erf)  }
0x425: {  	v42 =	vld.idx.msk [tilespmem:v51+s25+$0x0], $0xffff;
	v29 =	vmul.f32 $1.442695020e+00, v29;
	(erf) = vpow2.f32 v24;
	v19 =	vadd.f32 v52, v19  }
0x426: {  	v53 =	vld.idx.msk [tilespmem:v36+s22+$0x0], $0xffff;
	v54 =	vpop (erf)  }
0x427: {  	v27 =	vmul.f32 $1.442695020e+00, v27;
	v43 =	vld.idx.msk [tilespmem:v23+s25+$0x0], $0xffff;
	(erf) = vpow2.f32 v29;
	v19 =	vadd.f32 v54, v19  }
0x428: {  	v55 =	vld.idx.msk [tilespmem:v38+s22+$0x0], $0xffff;
	v56 =	vpop (erf)  }
0x429: {  	v44 =	vld.idx.msk [tilespmem:v20+s25+$0x0], $0xffff;
	v21 =	vmul.f32 $1.442695020e+00, v21;
	(erf) = vpow2.f32 v27;
	v19 =	vadd.f32 v56, v19  }
0x42a: {  	v58 =	vpop (erf)  }
0x42b: {  	v57 =	vld.idx.msk [tilespmem:v40+s22+$0x0], $0xffff;
	v24 =	vmul.f32 $1.442695020e+00, v53;
	(erf) = vpow2.f32 v21;
	v19 =	vadd.f32 v58, v19  }
0x42c: {  	v59 =	vpop (erf)  }
0x42d: {  	v21 =	vld.idx.msk [tilespmem:v42+s22+$0x0], $0xffff;
	(erf) = vpow2.f32 v24;
	v19 =	vadd.f32 v59, v19  }
0x42e: {  	v29 =	vmul.f32 $1.442695020e+00, v55;
	v61 =	vpop (erf)  }
0x42f: {  	v60 =	vld.idx.msk [tilespmem:v43+s22+$0x0], $0xffff;
	v19 =	vadd.f32 v61, v19  }
0x430: {  	[tilespmem:v8+s29+$0x0] =	vst.idx.msk $0xffff, v22;
	v27 =	vmul.f32 $1.442695020e+00, v57;
	(erf) = vpow2.f32 v29;
	v22 =	vpop (erf)  }
0x431: {  	[tilespmem:v9+s29+$0x0] =	vst.idx.msk $0xffff, v62;
	v8 =	vld.idx.msk [tilespmem:v44+s22+$0x0], $0xffff;
	v19 =	vadd.f32 v22, v19  }
0x432: {  	[tilespmem:v4+s29+$0x0] =	vst.idx.msk $0xffff, v32;
	(erf) = vpow2.f32 v27;
	v9 =	vmul.f32 $1.442695020e+00, v21;
	v4 =	vpop (erf)  }
0x433: {  	[tilespmem:v7+s29+$0x0] =	vst.idx.msk $0xffff, v33;
	v7 =	vadd.f32 v4, v19  }
0x434: {  	[tilespmem:v5+s29+$0x0] =	vst.idx.msk $0xffff, v35;
	(erf) = vpow2.f32 v9;
	v9 =	vmul.f32 $1.442695020e+00, v60;
	v5 =	vpop (erf)  }
0x435: {  	v7 =	vadd.f32 v5, v7  }
0x436: {  	[tilespmem:v6+s29+$0x0] =	vst.idx.msk $0xffff, v39;
	(erf) = vpow2.f32 v9;
	v8 =	vmul.f32 $1.442695020e+00, v8;
	v6 =	vpop (erf)  }
0x437: {  	v7 =	vadd.f32 v6, v7  }
0x438: {  	[tilespmem:v10+s29+$0x0] =	vst.idx.msk $0xffff, v37;
	(erf) = vpow2.f32 v8  }
0x439: {  	[tilespmem:v2+s29+$0x0] =	vst.idx.msk $0xffff, v52;
	v2 =	vpop (erf)  }
0x43a: {  	[tilespmem:v3+s29+$0x0] =	vst.idx.msk $0xffff, v54;
	v3 =	vadd.f32 v2, v7  }
0x43b: {  	[tilespmem:v12+s29+$0x0] =	vst.idx.msk $0xffff, v41;
	v7 =	vpop (erf)  }
0x43c: {  	[tilespmem:v11+s29+$0x0] =	vst.idx.msk $0xffff, v56;
	v3 =	vadd.f32 v7, v3  }
0x43d: {  	[tilespmem:v13+s29+$0x0] =	vst.idx.msk $0xffff, v58;
	v8 =	vpop (erf)  }
0x43e: {  	[tilespmem:v14+s29+$0x0] =	vst.idx.msk $0xffff, v59;
	v3 =	vadd.f32 v8, v3  }
0x43f: {  	[tilespmem:v15+s29+$0x0] =	vst.idx.msk $0xffff, v61;
	v9 =	vpop (erf)  }
0x440: {  	[tilespmem:v17+s29+$0x0] =	vst.idx.msk $0xffff, v22;
	v3 =	vadd.f32 v9, v3  }
0x441: {  	[tilespmem:v16+s29+$0x0] =	vst.idx.msk $0xffff, v4;
	v4 =	vpop (erf)  }
0x442: {  	[tilespmem:v18+s29+$0x0] =	vst.idx.msk $0xffff, v5;
	v3 =	vadd.f32 v4, v3  }
0x443: {  	s5 =	simm.s32 $0x0;
	[tilespmem:v63+s29+$0x0] =	vst.idx.msk $0xffff, v6  }
0x444: {  	s2 =	simm.s32 $0x7;
	v14 =	vadd.s32 s5, v1;
	[tilespmem:v49+s29+$0x0] =	vst.idx.msk $0xffff, v2;
	(erf) = vrcp.f32 v3  }
0x445: {  	v62 =	vadd.s32 s2, v1;
	s4 =	simm.s32 $0x6;
	[tilespmem:v50+s29+$0x0] =	vst.idx.msk $0xffff, v7  }
0x446: {  	v10 =	vadd.s32 s4, v1;
	s5 =	simm.s32 $0x5;
	[tilespmem:v51+s29+$0x0] =	vst.idx.msk $0xffff, v8  }
0x447: {  	s4 =	simm.s32 $0x4;
	v6 =	vadd.s32 s5, v1;
	[tilespmem:v23+s29+$0x0] =	vst.idx.msk $0xffff, v9  }
0x448: {  	s5 =	simm.s32 $0x3;
	v7 =	vadd.s32 s4, v1;
	[tilespmem:v20+s29+$0x0] =	vst.idx.msk $0xffff, v4  }
0x449: {  	v8 =	vadd.s32 s5, v1;
	s5 =	simm.s32 $0x1;
	v11 =	vld.idx.msk [tilespmem:v14+s29+$0x0], $0xffff  }
0x44a: {  	s4 =	simm.s32 $0x2;
	v12 =	vld.idx.msk [tilespmem:v62+s29+$0x0], $0xffff;
	v4 =	vadd.s32 s5, v1  }
0x44b: {  	v15 =	vld.idx.msk [tilespmem:v10+s29+$0x0], $0xffff;
	v3 =	vadd.s32 s4, v1;
	s4 =	simm.s32 $0x8  }
0x44c: {  	v23 =	vld.idx.msk [tilespmem:v6+s29+$0x0], $0xffff;
	s5 =	simm.s32 $0xF;
	v9 =	vadd.s32 s4, v1  }
0x44d: {  	s2 =	simm.s32 $0xE;
	v19 =	vld.idx.msk [tilespmem:v7+s29+$0x0], $0xffff;
	v5 =	vadd.s32 s5, v1;
	v2 =	vpop (erf)  }
0x44e: {  	v16 =	vld.idx.msk [tilespmem:v8+s29+$0x0], $0xffff;
	s4 =	simm.s32 $0xD;
	v21 =	vmul.f32 v11, v2;
	v11 =	vadd.s32 s2, v1  }
0x44f: {  	s5 =	simm.s32 $0xC;
	v18 =	vld.idx.msk [tilespmem:v4+s29+$0x0], $0xffff;
	v63 =	vmul.f32 v12, v2;
	v12 =	vadd.s32 s4, v1  }
0x450: {  	v13 =	vadd.s32 s5, v1;
	v17 =	vld.idx.msk [tilespmem:v3+s29+$0x0], $0xffff;
	s4 =	simm.s32 $0xB  }
0x451: {  	s5 =	simm.s32 $0xA;
	v20 =	vld.idx.msk [tilespmem:v9+s29+$0x0], $0xffff;
	v22 =	vmul.f32 v15, v2;
	[tilespmem:v14+s29+$0x0] =	vst.idx.msk $0xffff, v21;
	v14 =	vadd.s32 s4, v1  }
0x452: {  	s0 =	simm.s32 $0x10;
	s2 =	simm.s32 $0x9;
	v15 =	vadd.s32 s5, v1;
	v23 =	vmul.f32 v23, v2;
	v21 =	vld.idx.msk [tilespmem:v5+s29+$0x0], $0xffff;
	[tilespmem:v62+s29+$0x0] =	vst.idx.msk $0xffff, v63  }
.LBB2_32:
0x453: {  	p1 =	slt.u32 s0, $0xC0;
	v24 =	vadd.s32 s2, v1;
	v25 =	vld.idx.msk [tilespmem:v11+s29+$0x0], $0xffff;
	v26 =	vmul.f32 v19, v2;
	[tilespmem:v10+s29+$0x0] =	vst.idx.msk $0xffff, v22;
	v10 =	vmov v11  }
0x454: {  	v27 =	vadd.s32 s0, v1;
	s2 =	sadd.s32 $0x7, s0;
	v22 =	vmul.f32 v16, v2;
	v28 =	vld.idx.msk [tilespmem:v12+s29+$0x0], $0xffff;
	[tilespmem:v6+s29+$0x0] =	vst.idx.msk $0xffff, v23;
	v6 =	vmov v12  }
0x455: {  	s4 =	sadd.s32 $0x6, s0;
	v29 =	vadd.s32 s2, v1;
	v23 =	vmul.f32 v17, v2;
	v19 =	vld.idx.msk [tilespmem:v13+s29+$0x0], $0xffff;
	[tilespmem:v7+s29+$0x0] =	vst.idx.msk $0xffff, v26;
	v7 =	vmov v13  }
.Ltmp15:
0x456: {  	s2 =	sadd.s32 $0x5, s0;
	v11 =	vadd.s32 s4, v1;
	v26 =	vmul.f32 v18, v2;
	v16 =	vld.idx.msk [tilespmem:v14+s29+$0x0], $0xffff;
	[tilespmem:v8+s29+$0x0] =	vst.idx.msk $0xffff, v22;
	v8 =	vmov v14;
	(pc) =	sbr.rel @p1 .LBB2_32-.Ltmp15, $4  }
0x457: {  	s4 =	sadd.s32 $0x4, s0;
	v12 =	vadd.s32 s2, v1;
	v22 =	vmul.f32 v20, v2;
	v17 =	vld.idx.msk [tilespmem:v15+s29+$0x0], $0xffff;
	[tilespmem:v3+s29+$0x0] =	vst.idx.msk $0xffff, v23;
	v3 =	vmov v15  }
0x458: {  	s2 =	sadd.s32 $0x3, s0;
	v13 =	vadd.s32 s4, v1;
	v30 =	vmul.f32 v21, v2;
	v18 =	vld.idx.msk [tilespmem:v24+s29+$0x0], $0xffff;
	[tilespmem:v4+s29+$0x0] =	vst.idx.msk $0xffff, v26;
	v4 =	vmov v24  }
0x459: {  	s4 =	sadd.s32 $0x2, s0;
	v14 =	vadd.s32 s2, v1;
	v20 =	vld.idx.msk [tilespmem:v27+s29+$0x0], $0xffff;
	[tilespmem:v9+s29+$0x0] =	vst.idx.msk $0xffff, v22;
	v22 =	vmul.f32 v25, v2;
	v9 =	vmov v27  }
0x45a: {  	s2 =	sadd.s32 $0x1, s0;
	s0 =	sadd.s32 $0x8, s0;
	v15 =	vadd.s32 s4, v1;
	v23 =	vmul.f32 v28, v2;
	v21 =	vld.idx.msk [tilespmem:v29+s29+$0x0], $0xffff;
	[tilespmem:v5+s29+$0x0] =	vst.idx.msk $0xffff, v30;
	v5 =	vmov v29  }
0x45b: {  	_ =	sdelay $0x3  }
0x45c: {  	v19 =	vmul.f32 v19, v2;
	[tilespmem:v10+s29+$0x0] =	vst.idx.msk $0xffff, v22  }
0x45d: {  	v53 =	vadd.s32 s2, v1;
	v54 =	vld.idx.msk [tilespmem:v11+s29+$0x0], $0xffff;
	v16 =	vmul.f32 v16, v2;
	[tilespmem:v6+s29+$0x0] =	vst.idx.msk $0xffff, v23  }
0x45e: {  	v55 =	vld.idx.msk [tilespmem:v12+s29+$0x0], $0xffff;
	v17 =	vmul.f32 v17, v2;
	[tilespmem:v7+s29+$0x0] =	vst.idx.msk $0xffff, v19  }
0x45f: {  	v56 =	vld.idx.msk [tilespmem:v13+s29+$0x0], $0xffff;
	v18 =	vmul.f32 v18, v2;
	[tilespmem:v8+s29+$0x0] =	vst.idx.msk $0xffff, v16  }
0x460: {  	v57 =	vld.idx.msk [tilespmem:v14+s29+$0x0], $0xffff;
	v58 =	vmul.f32 v20, v2;
	[tilespmem:v3+s29+$0x0] =	vst.idx.msk $0xffff, v17  }
0x461: {  	v3 =	vld.idx.msk [tilespmem:v15+s29+$0x0], $0xffff;
	v59 =	vmul.f32 v21, v2;
	[tilespmem:v4+s29+$0x0] =	vst.idx.msk $0xffff, v18  }
0x462: {  	v60 =	vld.idx.msk [tilespmem:v53+s29+$0x0], $0xffff;
	[tilespmem:v9+s29+$0x0] =	vst.idx.msk $0xffff, v58;
	v61 =	vmul.f32 v54, v2  }
0x463: {  	v6 =	vmul.f32 v55, v2;
	[tilespmem:v5+s29+$0x0] =	vst.idx.msk $0xffff, v59  }
0x464: {  	v62 =	vmul.f32 v56, v2;
	[tilespmem:v11+s29+$0x0] =	vst.idx.msk $0xffff, v61  }
0x465: {  	v63 =	vmul.f32 v57, v2;
	[tilespmem:v12+s29+$0x0] =	vst.idx.msk $0xffff, v6  }
0x466: {  	[tilespmem:v13+s29+$0x0] =	vst.idx.msk $0xffff, v62;
	v3 =	vmul.f32 v3, v2  }
0x467: {  	[tilespmem:v14+s29+$0x0] =	vst.idx.msk $0xffff, v63;
	v2 =	vmul.f32 v60, v2  }
0x468: {  	[tilespmem:v15+s29+$0x0] =	vst.idx.msk $0xffff, v3  }
0x469: {  	s1 =	sadd.s32 $0x1, s1;
	[tilespmem:v53+s29+$0x0] =	vst.idx.msk $0xffff, v2  }
0x46a: {  	[hbm4b:s19+s3] =	stream.linear.scatter [tilespmem:s29], [sflag:$0x4], $0xC80, $0x38;
	[tilespmem:$0x1D170] =	vst v63  }
0x46b: {  	p1 =	sne.s32 s1, s20;
	_ =	swait.ge [sflag:s30], $0xC80  }
.Ltmp16:
0x46c: {  	[sflag:s30] =	ssyncset.done $0x0;
	(pc) =	sbr.rel @p1 .LBB2_1-.Ltmp16, $4  }
0x46d: {  	[sflag:s30] =	ssyncadd.s32 $0xFFFFF380  }
0x46e: {  	_ =	swait.ge [sflag:s31], $0xC80  }
0x46f: {  	[sflag:s31] =	ssyncset.done $0x0  }
0x470: {  	[sflag:s31] =	ssyncadd.s32 $0xFFFFF380  }
0x471: {  	_ =	sfence.sel $0x180000  }
0x472: {  	[bflag:$0x0] =	sbarrier.arrive $0xFFFF  }
0x473: {  	_ =	strace $0x90000047  }
0x474: {  	[bflag:$0x2] =	sbarrier.arrive $0xFFFF  }
0x475: {  	s0 =	rddreg [dreg:$0x4]  }
0x476: {  	s0 =	sadd.s32 @!p0 $0x100000, s0  }
0x477: {  	[sflag:s0] =	ssyncadd.tile.s32 @!p0 $0x1;
	_ =	shalt  }
.Lfunc_end2:
_tile_overlayer_lowered:
.L_overlay_start_2:
0x478: {  	(tag) =	ssettag $0x2  }
0x479: {  	s0 =	rddreg [dreg:$0x0];
	s2 =	stileid.u32  }
0x47a: {  	s1 =	rddreg [dreg:$0x1];
	p0 =	sne.s32 s2, $0x0  }
0x47b: {  	s3 =	rddreg [dreg:$0x2];
	[bflag:$0x3] =	sbarrier.arrive $0xFFFF;
	s2 =	simm.s32 @!p0 $0x1C05  }
0x47c: {  	[timem:s3], [sflag:s2] =	dma.local @!p0 [hbm:s0], s1  }
0x47d: {  	s0 =	simm.s32 @!p0 $0x5  }
0x47e: {  	_ =	swait.ge @!p0 [sflag:s0], s1  }
0x47f: {  	s1 =	ssub.s32 @!p0 $0x0, s1;
	[sflag:s0] =	ssyncset.done @!p0 $0x0  }
0x480: {  	[sflag:s0] =	ssyncadd.s32 @!p0 s1  }
0x481: {  	[bflag:$0x3] =	sbarrier.arrive $0xFFFF  }
0x482: {  	_ =	shalt  }

</sc_bundles>
